<compile_context>
chip_gen: v7x
topology: tpu7x:2x2x1
jax: 0.10.2.dev20260603
libtpu: 0.0.44.dev20260713+nightly
codegen_flags: <defaults>
</compile_context>

<pallas_src>
import functools

import jax
import jax.numpy as jnp
from jax import lax
from jax.experimental import pallas as pl
from jax.experimental.pallas import tpu as pltpu
from jax.experimental.pallas import tpu_sc as plsc

N = 10000
E = 320000
FIN = 128
H = 256
HH = 128
NSC = 2
NT = 16
K = 128

NBUF = 2
C = -(-(E // NT) // K)
C += (-C) % NBUF
EPT = C * K
EP = NT * EPT
RT = 640
NA = N + 8
DUMMY = N

CD = -(-(E // (NSC * NT)) // K)
EPTD = CD * K
EPD = NSC * NT * EPTD
ND = 10240
RD = ND // NT

_R = 1000
_G = N // _R



@functools.cache
def _sc_mesh():
    return plsc.VectorSubcoreMesh(core_axis_name="c", subcore_axis_name="s")


def _deg_body(dstd, out, acc, idx_v):
    c = lax.axis_index("c")
    s = lax.axis_index("s")
    pltpu.sync_copy(dstd.at[c, s], idx_v)

    def zero(t, carry):
        acc[pl.ds(t * 16, 16)] = jnp.zeros((16,), jnp.float32)
        return carry

    lax.fori_loop(0, ND // 16, zero, 0)
    ones16 = jnp.ones((16,), jnp.float32)

    def step(t, carry):
        idx = idx_v[pl.ds(t * 16, 16)]
        plsc.addupdate_scatter(acc, [idx], ones16)
        return carry

    lax.fori_loop(0, EPTD // 16, step, 0)
    pltpu.sync_copy(acc, out.at[c, s])


def _deg_call(dstd):
    kfn = pl.kernel(
        _deg_body,
        mesh=_sc_mesh(),
        out_type=jax.ShapeDtypeStruct((NSC, NT, ND), jnp.float32),
        scratch_types=[
            pltpu.VMEM((ND,), jnp.float32),
            pltpu.VMEM((EPTD,), jnp.int32),
        ],
        compiler_params=pltpu.CompilerParams(needs_layout_passes=False),
    )
    return kfn(dstd)


def _agg_body(uf, src2, dst2, out, acc, *bufs):
    sbs = bufs[0:NBUF]
    dbs = bufs[NBUF:2 * NBUF]
    rows = bufs[2 * NBUF:3 * NBUF]
    gsems = bufs[3 * NBUF:4 * NBUF]
    ssems = bufs[4 * NBUF:5 * NBUF]
    dsems = bufs[5 * NBUF:6 * NBUF]
    c = lax.axis_index("c")
    s = lax.axis_index("s")
    base = s * RT
    pltpu.sync_copy(uf.at[pl.ds(c * N + base, 400)], acc.at[pl.ds(base, 400)])

    @pl.when(s < NT - 1)
    def _():
        pltpu.sync_copy(uf.at[pl.ds(c * N + base + 400, RT - 400)],
                        acc.at[pl.ds(base + 400, RT - 400)])

    plsc.subcore_barrier()

    def idx_start(j, b):
        pltpu.make_async_copy(
            src2.at[c, s, pl.ds(j * K, K)], sbs[b], ssems[b]).start()
        pltpu.make_async_copy(
            dst2.at[s, pl.ds(j * K, K)], dbs[b], dsems[b]).start()

    def idx_wait(j, b):
        pltpu.make_async_copy(
            src2.at[c, s, pl.ds(j * K, K)], sbs[b], ssems[b]).wait()
        pltpu.make_async_copy(
            dst2.at[s, pl.ds(j * K, K)], dbs[b], dsems[b]).wait()

    NSPLIT = 4
    KH = K // NSPLIT

    def gather_start(b):
        for p in range(NSPLIT):
            pltpu.make_async_copy(
                uf.at[sbs[b].at[pl.ds(p * KH, KH)]],
                rows[b].at[pl.ds(p * KH, KH)], gsems[b]).start()

    def gather_wait(b):
        for p in range(NSPLIT):
            pltpu.make_async_copy(
                uf.at[sbs[b].at[pl.ds(p * KH, KH)]],
                rows[b].at[pl.ds(p * KH, KH)], gsems[b]).wait()

    for b in range(NBUF):
        idx_start(b, b)
    idx_wait(0, 0)
    gather_start(0)

    def step(i, carry):
        j0 = i * NBUF
        for b in range(NBUF):
            j = j0 + b
            nb = (b + 1) % NBUF

            @pl.when(j + 1 < C)
            def _():
                idx_wait(j + 1, nb)
                gather_start(nb)

            gather_wait(b)
            pltpu.sync_copy(rows[b], acc.at[dbs[b]], add=True)

            @pl.when(j + NBUF < C)
            def _():
                idx_start(j + NBUF, b)

        return carry

    lax.fori_loop(0, C // NBUF, step, 0)
    plsc.subcore_barrier()
    pltpu.sync_copy(acc.at[pl.ds(base, 400)], out.at[c, pl.ds(base, 400)])

    @pl.when(s < NT - 1)
    def _():
        pltpu.sync_copy(acc.at[pl.ds(base + 400, RT - 400)],
                        out.at[c, pl.ds(base + 400, RT - 400)])


def _agg_call(uf, src2, dst2):
    kfn = pl.kernel(
        _agg_body,
        mesh=_sc_mesh(),
        out_type=jax.ShapeDtypeStruct((NSC, N, HH), jnp.float32),
        scratch_types=(
            [pltpu.VMEM_SHARED((NA, HH), jnp.float32)]
            + [pltpu.VMEM((K,), jnp.int32) for _ in range(2 * NBUF)]
            + [pltpu.VMEM((K, HH), jnp.float32) for _ in range(NBUF)]
            + [pltpu.SemaphoreType.DMA for _ in range(3 * NBUF)]
        ),
    )
    return kfn(uf, src2, dst2)



def _ln(h, g, b, eps=1e-5):
    mu = jnp.mean(h, axis=-1, keepdims=True)
    var = jnp.mean((h - mu) ** 2, axis=-1, keepdims=True)
    return (h - mu) * lax.rsqrt(var + eps) * g + b


def _proj_body(x, wp, bp, g, be, wg0, degT, h0o, u2o, dvo):
    h = jnp.dot(x[...], wp[...], preferred_element_type=jnp.float32) + bp[...]
    hn = _ln(h, g[...], be[...])
    h0o[...] = hn
    dv = lax.rsqrt(jnp.sum(degT[...], axis=1, keepdims=True) + 1.0)
    dvo[...] = dv
    u = jnp.dot(hn, wg0[...], preferred_element_type=jnp.float32) * dv
    u2o[0] = u[:, :HH]
    u2o[1] = u[:, HH:]


def _proj_call(x, wp, bp, g, be, wg0, degT):
    return pl.pallas_call(
        _proj_body,
        grid=(_G,),
        in_specs=[
            pl.BlockSpec((_R, FIN), lambda i: (i, 0)),
            pl.BlockSpec((FIN, H), lambda i: (0, 0)),
            pl.BlockSpec((H,), lambda i: (0,)),
            pl.BlockSpec((H,), lambda i: (0,)),
            pl.BlockSpec((H,), lambda i: (0,)),
            pl.BlockSpec((H, H), lambda i: (0, 0)),
            pl.BlockSpec((_R, NSC * NT), lambda i: (i, 0)),
        ],
        out_specs=[
            pl.BlockSpec((_R, H), lambda i: (i, 0)),
            pl.BlockSpec((NSC, _R, HH), lambda i: (0, i, 0)),
            pl.BlockSpec((_R, 1), lambda i: (i, 0)),
        ],
        out_shape=[
            jax.ShapeDtypeStruct((N, H), jnp.float32),
            jax.ShapeDtypeStruct((NSC, N, HH), jnp.float32),
            jax.ShapeDtypeStruct((N, 1), jnp.float32),
        ],
    )(x, wp, bp, g, be, wg0, degT)


def _hop_body(o2, dv, bprev, wnext, ho, u2o):
    dvv = dv[...]
    h = jnp.concatenate([o2[0], o2[1]], axis=-1) * dvv + bprev[...]
    ho[...] = h
    u = jnp.dot(h, wnext[...], preferred_element_type=jnp.float32) * dvv
    u2o[0] = u[:, :HH]
    u2o[1] = u[:, HH:]


def _hop_call(o2, dv, bprev, wnext):
    return pl.pallas_call(
        _hop_body,
        grid=(_G,),
        in_specs=[
            pl.BlockSpec((NSC, _R, HH), lambda i: (0, i, 0)),
            pl.BlockSpec((_R, 1), lambda i: (i, 0)),
            pl.BlockSpec((H,), lambda i: (0,)),
            pl.BlockSpec((H, H), lambda i: (0, 0)),
        ],
        out_specs=[
            pl.BlockSpec((_R, H), lambda i: (i, 0)),
            pl.BlockSpec((NSC, _R, HH), lambda i: (0, i, 0)),
        ],
        out_shape=[
            jax.ShapeDtypeStruct((N, H), jnp.float32),
            jax.ShapeDtypeStruct((NSC, N, HH), jnp.float32),
        ],
    )(o2, dv, bprev, wnext)


def _final_body(h0, h1, h2, o2, dv, bg2v, wc, bc, g2v, be2v, outo):
    h3 = jnp.concatenate([o2[0], o2[1]], axis=-1) * dv[...] + bg2v[...]
    cat = jnp.concatenate([h0[...], h1[...], h2[...], h3], axis=-1)
    y = jnp.dot(cat, wc[...], preferred_element_type=jnp.float32) + bc[...]
    outo[...] = _ln(y, g2v[...], be2v[...])


def _final_call(h0, h1, h2, o2, dv, bg2, wc, bc, g2, be2):
    return pl.pallas_call(
        _final_body,
        grid=(_G,),
        in_specs=[
            pl.BlockSpec((_R, H), lambda i: (i, 0)),
            pl.BlockSpec((_R, H), lambda i: (i, 0)),
            pl.BlockSpec((_R, H), lambda i: (i, 0)),
            pl.BlockSpec((NSC, _R, HH), lambda i: (0, i, 0)),
            pl.BlockSpec((_R, 1), lambda i: (i, 0)),
            pl.BlockSpec((H,), lambda i: (0,)),
            pl.BlockSpec((4 * H, H), lambda i: (0, 0)),
            pl.BlockSpec((H,), lambda i: (0,)),
            pl.BlockSpec((H,), lambda i: (0,)),
            pl.BlockSpec((H,), lambda i: (0,)),
        ],
        out_specs=pl.BlockSpec((_R, H), lambda i: (i, 0)),
        out_shape=jax.ShapeDtypeStruct((N, H), jnp.float32),
    )(h0, h1, h2, o2, dv, bg2, wc, bc, g2, be2)



def kernel(x, edge_index, W_proj, b_proj, g1, be1, Wg0, bg0, Wg1, bg1, Wg2, bg2, W_ctx, b_ctx, g2, be2):
    src = edge_index[0]
    dst = edge_index[1]

    dstd = jnp.concatenate(
        [dst, jnp.full((EPD - E,), N, jnp.int32)]).reshape(NSC, NT, EPTD)
    degw = _deg_call(dstd)
    degT = degw.reshape(NSC * NT, ND).T[:N]

    srcp = jnp.concatenate(
        [src, jnp.zeros((EP - E,), jnp.int32)]).reshape(NT, EPT)
    src2 = jnp.stack([srcp, srcp + N])
    dst2 = jnp.concatenate(
        [dst, jnp.full((EP - E,), DUMMY, jnp.int32)]).reshape(NT, EPT)

    h0, u, dv = _proj_call(x, W_proj, b_proj, g1, be1, Wg0, degT)
    o = _agg_call(u.reshape(NSC * N, HH), src2, dst2)
    h1, u = _hop_call(o, dv, bg0, Wg1)
    o = _agg_call(u.reshape(NSC * N, HH), src2, dst2)
    h2, u = _hop_call(o, dv, bg1, Wg2)
    o = _agg_call(u.reshape(NSC * N, HH), src2, dst2)
    return _final_call(h0, h1, h2, o, dv, bg2, W_ctx, b_ctx, g2, be2)

# --- scband reference (transcript-rebuilt; emitter-appended) ---
"""Pipeline reference for scband-family-bcontext-aggregator-76948634075442 (READ-ONLY COPY).

The authoritative reference and input builder live on the scoring server;
editing this copy changes nothing except your own understanding.
"""

import jax, jax.numpy as jnp
import numpy as np

N = 10000
E = 320000
F_IN = 128
H = 256
HOPS = 3


def setup_inputs(seed: int = 0) -> dict:
    key = jax.random.key(seed)
    ks = jax.random.split(key, 16)
    x = jax.random.normal(ks[0], (N, F_IN), dtype=jnp.float32)
    edge_index = jax.random.randint(ks[1], (2, E), 0, N, dtype=jnp.int32)
    s = 0.02
    params = {
        'W_proj': s * jax.random.normal(ks[2], (F_IN, H), dtype=jnp.float32),
        'b_proj': jnp.zeros((H,), dtype=jnp.float32),
        'g1': jnp.ones((H,), dtype=jnp.float32),
        'be1': jnp.zeros((H,), dtype=jnp.float32),
        'Wg0': s * jax.random.normal(ks[3], (H, H), dtype=jnp.float32),
        'bg0': jnp.zeros((H,), dtype=jnp.float32),
        'Wg1': s * jax.random.normal(ks[4], (H, H), dtype=jnp.float32),
        'bg1': jnp.zeros((H,), dtype=jnp.float32),
        'Wg2': s * jax.random.normal(ks[5], (H, H), dtype=jnp.float32),
        'bg2': jnp.zeros((H,), dtype=jnp.float32),
        'W_ctx': s * jax.random.normal(ks[6], ((HOPS + 1) * H, H), dtype=jnp.float32),
        'b_ctx': jnp.zeros((H,), dtype=jnp.float32),
        'g2': jnp.ones((H,), dtype=jnp.float32),
        'be2': jnp.zeros((H,), dtype=jnp.float32),
    }
    inp = {'x': x, 'edge_index': edge_index}
    inp.update(params)
    return inp


def _layer_norm(h, g, b, eps=1e-5):
    mu = jnp.mean(h, axis=-1, keepdims=True)
    var = jnp.mean((h - mu) ** 2, axis=-1, keepdims=True)
    return (h - mu) / jnp.sqrt(var + eps) * g + b


def _gcn_conv(h, src, dst, W, b):
    # h: [N, H]; PyG GCNConv with add_self_loops=True, normalize=True
    h = h @ W
    loop = jnp.arange(N, dtype=src.dtype)
    s = jnp.concatenate([src, loop])
    d = jnp.concatenate([dst, loop])
    ew = jnp.ones(s.shape[0], dtype=h.dtype)
    deg = jax.ops.segment_sum(ew, d, num_segments=N)
    dinv = jnp.where(deg > 0, 1.0 / jnp.sqrt(deg), 0.0)
    norm = dinv[s] * dinv[d]
    msg = h[s] * norm[:, None]
    out = jax.ops.segment_sum(msg, d, num_segments=N)
    return out + b


def reference(x, edge_index, W_proj, b_proj, g1, be1, Wg0, bg0, Wg1, bg1, Wg2, bg2, W_ctx, b_ctx, g2, be2):
    src = edge_index[0]
    dst = edge_index[1]
    h = _layer_norm(x @ W_proj + b_proj, g1, be1)
    hs = [h]
    for W, b in ((Wg0, bg0), (Wg1, bg1), (Wg2, bg2)):
        h = _gcn_conv(h, src, dst, W, b)
        hs.append(h)
    cat = jnp.concatenate(hs, axis=-1)
    return _layer_norm(cat @ W_ctx + b_ctx, g2, be2)

if __name__ == "__main__":
    import jax
    _d = setup_inputs()
    print(jax.jit(kernel)(*tuple(_d.values())))

</pallas_src>

<mosaic_0001>
#map = affine_map<(d0, d1) -> (0, 0, 0)>
module attributes {stable_mosaic.version = 14 : i64} {
  func.func @_deg_body(%arg0: i32, %arg1: i32, %arg2: memref<2x16x10112xi32, #tpu.memory_space<hbm>>, %arg3: memref<2x16x10240xf32, #tpu.memory_space<hbm>>, %arg4: memref<10240xf32, #tpu.memory_space<vmem>>, %arg5: memref<10112xi32, #tpu.memory_space<vmem>>) attributes {dimension_semantics = [#tpu.dimension_semantics<core_parallel>, #tpu.dimension_semantics<subcore_parallel>], iteration_bounds = array<i64: 2, 16>, scalar_prefetch = 0 : i64, scratch_operands = 2 : i64, tpu.core_type = #tpu.core_type<sc_vector_subcore>, window_params = [{transform_indices = #map}, {transform_indices = #map}]} {
    "tpu.region"() ({
      %run_scoped3A = tpu.sem_alloc : memref<!tpu.dma_semaphore, #tpu.memory_space<semaphore_mem>>
      %dma_start3A = arith.constant 0 : i32
      %dma_start3A_12 = tpu.memref_slice %arg2[%arg0, %arg1, %dma_start3A] : memref<2x16x10112xi32, #tpu.memory_space<hbm>> -> memref<1x1x10112xi32, #tpu.memory_space<hbm>>
      %dma_start3A_13 = tpu.memref_squeeze %dma_start3A_12 : memref<1x1x10112xi32, #tpu.memory_space<hbm>> -> memref<10112xi32, #tpu.memory_space<hbm>>
      %dma_start3A_14 = arith.constant 0 : i32
      %dma_start3A_15 = tpu.memref_slice %arg2[%arg0, %arg1, %dma_start3A_14] : memref<2x16x10112xi32, #tpu.memory_space<hbm>> -> memref<1x1x10112xi32, #tpu.memory_space<hbm>>
      %dma_start3A_16 = tpu.memref_squeeze %dma_start3A_15 : memref<1x1x10112xi32, #tpu.memory_space<hbm>> -> memref<10112xi32, #tpu.memory_space<hbm>>
      tpu.enqueue_dma source(%dma_start3A_16 : memref<10112xi32, #tpu.memory_space<hbm>>) target(%arg5 : memref<10112xi32, #tpu.memory_space<vmem>>) target_semaphore(%run_scoped3A : memref<!tpu.dma_semaphore, #tpu.memory_space<semaphore_mem>>)
      %dma_wait3A = arith.constant 0 : i32
      %dma_wait3A_17 = tpu.memref_slice %arg2[%arg0, %arg1, %dma_wait3A] : memref<2x16x10112xi32, #tpu.memory_space<hbm>> -> memref<1x1x10112xi32, #tpu.memory_space<hbm>>
      %dma_wait3A_18 = tpu.memref_squeeze %dma_wait3A_17 : memref<1x1x10112xi32, #tpu.memory_space<hbm>> -> memref<10112xi32, #tpu.memory_space<hbm>>
      %dma_wait3A_19 = arith.constant 0 : i32
      %dma_wait3A_20 = tpu.memref_slice %arg2[%arg0, %arg1, %dma_wait3A_19] : memref<2x16x10112xi32, #tpu.memory_space<hbm>> -> memref<1x1x10112xi32, #tpu.memory_space<hbm>>
      %dma_wait3A_21 = tpu.memref_squeeze %dma_wait3A_20 : memref<1x1x10112xi32, #tpu.memory_space<hbm>> -> memref<10112xi32, #tpu.memory_space<hbm>>
      tpu.wait_dma2 semaphore(%run_scoped3A : memref<!tpu.dma_semaphore, #tpu.memory_space<semaphore_mem>>) src(%dma_wait3A_21 : memref<10112xi32, #tpu.memory_space<hbm>>) dst(%arg5 : memref<10112xi32, #tpu.memory_space<vmem>>)
      tpu.yield
    }) : () -> ()
    %scan3A = arith.constant 0 : i32
    %scan3A_0 = arith.constant 0 : i32
    %scan3A_1 = arith.constant 640 : i32
    %scan3A_2 = arith.addi %scan3A_0, %scan3A_1 : i32
    %scan3A_3 = arith.constant 1 : i32
    scf.for %scan3A_12 = %scan3A_0 to %scan3A_2 step %scan3A_3  : i32 {
      %broadcast_in_dim3A_13 = arith.constant 0.000000e+00 : f32
      %broadcast_in_dim3A_14 = vector.broadcast %broadcast_in_dim3A_13 : f32 to vector<16xf32>
      %mul3A = arith.constant 16 : i32
      %mul3A_15 = arith.muli %scan3A_12, %mul3A : i32
      %swap3A = arith.index_cast %mul3A_15 : i32 to index
      %swap3A_16 = tpu.vector_load %arg4[%swap3A] {strides = array<i32>} : memref<10240xf32, #tpu.memory_space<vmem>>, vector<16xf32>,
      tpu.vector_store %arg4[%swap3A], %broadcast_in_dim3A_14 {strides = array<i32>} : memref<10240xf32, #tpu.memory_space<vmem>>, vector<16xf32>,
    }
    %scan3A_4 = arith.constant 640 : i32
    %broadcast_in_dim3A = arith.constant 1.000000e+00 : f32
    %broadcast_in_dim3A_5 = vector.broadcast %broadcast_in_dim3A : f32 to vector<16xf32>
    %scan3A_6 = arith.constant 0 : i32
    %scan3A_7 = arith.constant 0 : i32
    %scan3A_8 = arith.constant 632 : i32
    %scan3A_9 = arith.addi %scan3A_7, %scan3A_8 : i32
    %scan3A_10 = arith.constant 1 : i32
    scf.for %scan3A_12 = %scan3A_7 to %scan3A_9 step %scan3A_10  : i32 {
      %mul3A = arith.constant 16 : i32
      %mul3A_13 = arith.muli %scan3A_12, %mul3A : i32
      %get3A = arith.index_cast %mul3A_13 : i32 to index
      %get3A_14 = tpu.vector_load %arg5[%get3A] {strides = array<i32>} : memref<10112xi32, #tpu.memory_space<vmem>>, vector<16xi32>,
      tpu.vector_store_idx %arg4[%get3A_14], %broadcast_in_dim3A_5 {add = true} : memref<10240xf32, #tpu.memory_space<vmem>>[vector<16xi32>], vector<16xf32>,
    }
    %scan3A_11 = arith.constant 632 : i32
    "tpu.region"() ({
      %run_scoped3A = tpu.sem_alloc : memref<!tpu.dma_semaphore, #tpu.memory_space<semaphore_mem>>
      %dma_start3A = arith.constant 0 : i32
      %dma_start3A_12 = tpu.memref_slice %arg3[%arg0, %arg1, %dma_start3A] : memref<2x16x10240xf32, #tpu.memory_space<hbm>> -> memref<1x1x10240xf32, #tpu.memory_space<hbm>>
      %dma_start3A_13 = tpu.memref_squeeze %dma_start3A_12 : memref<1x1x10240xf32, #tpu.memory_space<hbm>> -> memref<10240xf32, #tpu.memory_space<hbm>>
      %dma_start3A_14 = arith.constant 0 : i32
      %dma_start3A_15 = tpu.memref_slice %arg3[%arg0, %arg1, %dma_start3A_14] : memref<2x16x10240xf32, #tpu.memory_space<hbm>> -> memref<1x1x10240xf32, #tpu.memory_space<hbm>>
      %dma_start3A_16 = tpu.memref_squeeze %dma_start3A_15 : memref<1x1x10240xf32, #tpu.memory_space<hbm>> -> memref<10240xf32, #tpu.memory_space<hbm>>
      tpu.enqueue_dma source(%arg4 : memref<10240xf32, #tpu.memory_space<vmem>>) target(%dma_start3A_16 : memref<10240xf32, #tpu.memory_space<hbm>>) target_semaphore(%run_scoped3A : memref<!tpu.dma_semaphore, #tpu.memory_space<semaphore_mem>>)
      %dma_wait3A = arith.constant 0 : i32
      %dma_wait3A_17 = tpu.memref_slice %arg3[%arg0, %arg1, %dma_wait3A] : memref<2x16x10240xf32, #tpu.memory_space<hbm>> -> memref<1x1x10240xf32, #tpu.memory_space<hbm>>
      %dma_wait3A_18 = tpu.memref_squeeze %dma_wait3A_17 : memref<1x1x10240xf32, #tpu.memory_space<hbm>> -> memref<10240xf32, #tpu.memory_space<hbm>>
      %dma_wait3A_19 = arith.constant 0 : i32
      %dma_wait3A_20 = tpu.memref_slice %arg3[%arg0, %arg1, %dma_wait3A_19] : memref<2x16x10240xf32, #tpu.memory_space<hbm>> -> memref<1x1x10240xf32, #tpu.memory_space<hbm>>
      %dma_wait3A_21 = tpu.memref_squeeze %dma_wait3A_20 : memref<1x1x10240xf32, #tpu.memory_space<hbm>> -> memref<10240xf32, #tpu.memory_space<hbm>>
      tpu.wait_dma2 semaphore(%run_scoped3A : memref<!tpu.dma_semaphore, #tpu.memory_space<semaphore_mem>>) src(%arg4 : memref<10240xf32, #tpu.memory_space<vmem>>) dst(%dma_wait3A_21 : memref<10240xf32, #tpu.memory_space<hbm>>)
      tpu.yield
    }) : () -> ()
    return
  }
}

#map = affine_map<(d0, d1) -> (0, 0)>
#map1 = affine_map<(d0, d1) -> (0, 0, 0)>
module attributes {stable_mosaic.version = 14 : i64} {
  func.func @_agg_body(%arg0: i32, %arg1: i32, %arg2: memref<20000x128xf32, #tpu.memory_space<hbm>>, %arg3: memref<2x16x20224xi32, #tpu.memory_space<hbm>>, %arg4: memref<16x20224xi32, #tpu.memory_space<hbm>>, %arg5: memref<2x10000x128xf32, #tpu.memory_space<hbm>>, %arg6: memref<10008x128xf32, #tpu.memory_space<vmem_shared>>, %arg7: memref<128xi32, #tpu.memory_space<vmem>>, %arg8: memref<128xi32, #tpu.memory_space<vmem>>, %arg9: memref<128xi32, #tpu.memory_space<vmem>>, %arg10: memref<128xi32, #tpu.memory_space<vmem>>, %arg11: memref<128x128xf32, #tpu.memory_space<vmem>>, %arg12: memref<128x128xf32, #tpu.memory_space<vmem>>, %arg13: memref<!tpu.dma_semaphore, #tpu.memory_space<semaphore_mem>>, %arg14: memref<!tpu.dma_semaphore, #tpu.memory_space<semaphore_mem>>, %arg15: memref<!tpu.dma_semaphore, #tpu.memory_space<semaphore_mem>>, %arg16: memref<!tpu.dma_semaphore, #tpu.memory_space<semaphore_mem>>, %arg17: memref<!tpu.dma_semaphore, #tpu.memory_space<semaphore_mem>>, %arg18: memref<!tpu.dma_semaphore, #tpu.memory_space<semaphore_mem>>) attributes {dimension_semantics = [#tpu.dimension_semantics<core_parallel>, #tpu.dimension_semantics<subcore_parallel>], iteration_bounds = array<i64: 2, 16>, scalar_prefetch = 0 : i64, scratch_operands = 13 : i64, tpu.core_type = #tpu.core_type<sc_vector_subcore>, window_params = [{transform_indices = #map}, {transform_indices = #map1}, {transform_indices = #map}, {transform_indices = #map1}]} {
    %mul3A = arith.constant 640 : i32
    %mul3A_0 = arith.muli %arg1, %mul3A : i32
    %mul3A_1 = arith.constant 10000 : i32
    %mul3A_2 = arith.muli %arg0, %mul3A_1 : i32
    %add3A = arith.addi %mul3A_2, %mul3A_0 : i32
    "tpu.region"() ({
      %run_scoped3A = tpu.sem_alloc : memref<!tpu.dma_semaphore, #tpu.memory_space<semaphore_mem>>
      %dma_start3A_82 = arith.constant 0 : i32
      %dma_start3A_83 = tpu.memref_slice %arg6[%mul3A_0, %dma_start3A_82] : memref<10008x128xf32, #tpu.memory_space<vmem_shared>> -> memref<400x128xf32, #tpu.memory_space<vmem_shared>>
      %dma_start3A_84 = arith.constant 0 : i32
      %dma_start3A_85 = tpu.memref_slice %arg2[%add3A, %dma_start3A_84] : memref<20000x128xf32, #tpu.memory_space<hbm>> -> memref<400x128xf32, #tpu.memory_space<hbm>>
      tpu.enqueue_dma source(%dma_start3A_85 : memref<400x128xf32, #tpu.memory_space<hbm>>) target(%dma_start3A_83 : memref<400x128xf32, #tpu.memory_space<vmem_shared>>) target_semaphore(%run_scoped3A : memref<!tpu.dma_semaphore, #tpu.memory_space<semaphore_mem>>)
      %dma_wait3A_86 = arith.constant 0 : i32
      %dma_wait3A_87 = tpu.memref_slice %arg6[%mul3A_0, %dma_wait3A_86] : memref<10008x128xf32, #tpu.memory_space<vmem_shared>> -> memref<400x128xf32, #tpu.memory_space<vmem_shared>>
      %dma_wait3A_88 = arith.constant 0 : i32
      %dma_wait3A_89 = tpu.memref_slice %arg2[%add3A, %dma_wait3A_88] : memref<20000x128xf32, #tpu.memory_space<hbm>> -> memref<400x128xf32, #tpu.memory_space<hbm>>
      tpu.wait_dma2 semaphore(%run_scoped3A : memref<!tpu.dma_semaphore, #tpu.memory_space<semaphore_mem>>) src(%dma_wait3A_89 : memref<400x128xf32, #tpu.memory_space<hbm>>) dst(%dma_wait3A_87 : memref<400x128xf32, #tpu.memory_space<vmem_shared>>)
      tpu.yield
    }) : () -> ()
    %lt3A = arith.constant 15 : i32
    %lt3A_3 = arith.cmpi slt, %arg1, %lt3A : i32
    %convert_element_type3A = arith.extui %lt3A_3 : i1 to i32
    %cond3A = arith.constant 0 : i32
    %cond3A_4 = arith.cmpi ne, %convert_element_type3A, %cond3A : i32
    scf.if %cond3A_4 {
      %mul3A_82 = arith.constant 10000 : i32
      %mul3A_83 = arith.muli %arg0, %mul3A_82 : i32
      %add3A_84 = arith.addi %mul3A_83, %mul3A_0 : i32
      %add3A_85 = arith.constant 400 : i32
      %add3A_86 = arith.addi %add3A_84, %add3A_85 : i32
      %add3A_87 = arith.constant 400 : i32
      %add3A_88 = arith.addi %mul3A_0, %add3A_87 : i32
      "tpu.region"() ({
        %run_scoped3A = tpu.sem_alloc : memref<!tpu.dma_semaphore, #tpu.memory_space<semaphore_mem>>
        %dma_start3A_89 = arith.constant 0 : i32
        %dma_start3A_90 = tpu.memref_slice %arg6[%add3A_88, %dma_start3A_89] : memref<10008x128xf32, #tpu.memory_space<vmem_shared>> -> memref<240x128xf32, #tpu.memory_space<vmem_shared>>
        %dma_start3A_91 = arith.constant 0 : i32
        %dma_start3A_92 = tpu.memref_slice %arg2[%add3A_86, %dma_start3A_91] : memref<20000x128xf32, #tpu.memory_space<hbm>> -> memref<240x128xf32, #tpu.memory_space<hbm>>
        tpu.enqueue_dma source(%dma_start3A_92 : memref<240x128xf32, #tpu.memory_space<hbm>>) target(%dma_start3A_90 : memref<240x128xf32, #tpu.memory_space<vmem_shared>>) target_semaphore(%run_scoped3A : memref<!tpu.dma_semaphore, #tpu.memory_space<semaphore_mem>>)
        %dma_wait3A_93 = arith.constant 0 : i32
        %dma_wait3A_94 = tpu.memref_slice %arg6[%add3A_88, %dma_wait3A_93] : memref<10008x128xf32, #tpu.memory_space<vmem_shared>> -> memref<240x128xf32, #tpu.memory_space<vmem_shared>>
        %dma_wait3A_95 = arith.constant 0 : i32
        %dma_wait3A_96 = tpu.memref_slice %arg2[%add3A_86, %dma_wait3A_95] : memref<20000x128xf32, #tpu.memory_space<hbm>> -> memref<240x128xf32, #tpu.memory_space<hbm>>
        tpu.wait_dma2 semaphore(%run_scoped3A : memref<!tpu.dma_semaphore, #tpu.memory_space<semaphore_mem>>) src(%dma_wait3A_96 : memref<240x128xf32, #tpu.memory_space<hbm>>) dst(%dma_wait3A_94 : memref<240x128xf32, #tpu.memory_space<vmem_shared>>)
        tpu.yield
      }) : () -> ()
    } else {
    }
    %barrier3A = arith.constant 0 : index
    tpu.barrier barrier_id(%barrier3A)
    %dma_start3A = arith.constant 0 : i32
    %dma_start3A_5 = tpu.memref_slice %arg3[%arg0, %arg1, %dma_start3A] : memref<2x16x20224xi32, #tpu.memory_space<hbm>> -> memref<1x1x128xi32, #tpu.memory_space<hbm>>
    %dma_start3A_6 = tpu.memref_squeeze %dma_start3A_5 : memref<1x1x128xi32, #tpu.memory_space<hbm>> -> memref<128xi32, #tpu.memory_space<hbm>>
    %dma_start3A_7 = arith.constant 0 : i32
    %dma_start3A_8 = tpu.memref_slice %arg3[%arg0, %arg1, %dma_start3A_7] : memref<2x16x20224xi32, #tpu.memory_space<hbm>> -> memref<1x1x128xi32, #tpu.memory_space<hbm>>
    %dma_start3A_9 = tpu.memref_squeeze %dma_start3A_8 : memref<1x1x128xi32, #tpu.memory_space<hbm>> -> memref<128xi32, #tpu.memory_space<hbm>>
    tpu.enqueue_dma source(%dma_start3A_9 : memref<128xi32, #tpu.memory_space<hbm>>) target(%arg7 : memref<128xi32, #tpu.memory_space<vmem>>) target_semaphore(%arg15 : memref<!tpu.dma_semaphore, #tpu.memory_space<semaphore_mem>>)
    %dma_start3A_10 = arith.constant 0 : i32
    %dma_start3A_11 = tpu.memref_slice %arg4[%arg1, %dma_start3A_10] : memref<16x20224xi32, #tpu.memory_space<hbm>> -> memref<1x128xi32, #tpu.memory_space<hbm>>
    %dma_start3A_12 = tpu.memref_squeeze %dma_start3A_11 : memref<1x128xi32, #tpu.memory_space<hbm>> -> memref<128xi32, #tpu.memory_space<hbm>>
    %dma_start3A_13 = arith.constant 0 : i32
    %dma_start3A_14 = tpu.memref_slice %arg4[%arg1, %dma_start3A_13] : memref<16x20224xi32, #tpu.memory_space<hbm>> -> memref<1x128xi32, #tpu.memory_space<hbm>>
    %dma_start3A_15 = tpu.memref_squeeze %dma_start3A_14 : memref<1x128xi32, #tpu.memory_space<hbm>> -> memref<128xi32, #tpu.memory_space<hbm>>
    tpu.enqueue_dma source(%dma_start3A_15 : memref<128xi32, #tpu.memory_space<hbm>>) target(%arg9 : memref<128xi32, #tpu.memory_space<vmem>>) target_semaphore(%arg17 : memref<!tpu.dma_semaphore, #tpu.memory_space<semaphore_mem>>)
    %dma_start3A_16 = arith.constant 128 : i32
    %dma_start3A_17 = tpu.memref_slice %arg3[%arg0, %arg1, %dma_start3A_16] : memref<2x16x20224xi32, #tpu.memory_space<hbm>> -> memref<1x1x128xi32, #tpu.memory_space<hbm>>
    %dma_start3A_18 = tpu.memref_squeeze %dma_start3A_17 : memref<1x1x128xi32, #tpu.memory_space<hbm>> -> memref<128xi32, #tpu.memory_space<hbm>>
    %dma_start3A_19 = arith.constant 128 : i32
    %dma_start3A_20 = tpu.memref_slice %arg3[%arg0, %arg1, %dma_start3A_19] : memref<2x16x20224xi32, #tpu.memory_space<hbm>> -> memref<1x1x128xi32, #tpu.memory_space<hbm>>
    %dma_start3A_21 = tpu.memref_squeeze %dma_start3A_20 : memref<1x1x128xi32, #tpu.memory_space<hbm>> -> memref<128xi32, #tpu.memory_space<hbm>>
    tpu.enqueue_dma source(%dma_start3A_21 : memref<128xi32, #tpu.memory_space<hbm>>) target(%arg8 : memref<128xi32, #tpu.memory_space<vmem>>) target_semaphore(%arg16 : memref<!tpu.dma_semaphore, #tpu.memory_space<semaphore_mem>>)
    %dma_start3A_22 = arith.constant 128 : i32
    %dma_start3A_23 = tpu.memref_slice %arg4[%arg1, %dma_start3A_22] : memref<16x20224xi32, #tpu.memory_space<hbm>> -> memref<1x128xi32, #tpu.memory_space<hbm>>
    %dma_start3A_24 = tpu.memref_squeeze %dma_start3A_23 : memref<1x128xi32, #tpu.memory_space<hbm>> -> memref<128xi32, #tpu.memory_space<hbm>>
    %dma_start3A_25 = arith.constant 128 : i32
    %dma_start3A_26 = tpu.memref_slice %arg4[%arg1, %dma_start3A_25] : memref<16x20224xi32, #tpu.memory_space<hbm>> -> memref<1x128xi32, #tpu.memory_space<hbm>>
    %dma_start3A_27 = tpu.memref_squeeze %dma_start3A_26 : memref<1x128xi32, #tpu.memory_space<hbm>> -> memref<128xi32, #tpu.memory_space<hbm>>
    tpu.enqueue_dma source(%dma_start3A_27 : memref<128xi32, #tpu.memory_space<hbm>>) target(%arg10 : memref<128xi32, #tpu.memory_space<vmem>>) target_semaphore(%arg18 : memref<!tpu.dma_semaphore, #tpu.memory_space<semaphore_mem>>)
    %dma_wait3A = arith.constant 0 : i32
    %dma_wait3A_28 = tpu.memref_slice %arg3[%arg0, %arg1, %dma_wait3A] : memref<2x16x20224xi32, #tpu.memory_space<hbm>> -> memref<1x1x128xi32, #tpu.memory_space<hbm>>
    %dma_wait3A_29 = tpu.memref_squeeze %dma_wait3A_28 : memref<1x1x128xi32, #tpu.memory_space<hbm>> -> memref<128xi32, #tpu.memory_space<hbm>>
    %dma_wait3A_30 = arith.constant 0 : i32
    %dma_wait3A_31 = tpu.memref_slice %arg3[%arg0, %arg1, %dma_wait3A_30] : memref<2x16x20224xi32, #tpu.memory_space<hbm>> -> memref<1x1x128xi32, #tpu.memory_space<hbm>>
    %dma_wait3A_32 = tpu.memref_squeeze %dma_wait3A_31 : memref<1x1x128xi32, #tpu.memory_space<hbm>> -> memref<128xi32, #tpu.memory_space<hbm>>
    tpu.wait_dma2 semaphore(%arg15 : memref<!tpu.dma_semaphore, #tpu.memory_space<semaphore_mem>>) src(%dma_wait3A_32 : memref<128xi32, #tpu.memory_space<hbm>>) dst(%arg7 : memref<128xi32, #tpu.memory_space<vmem>>)
    %dma_wait3A_33 = arith.constant 0 : i32
    %dma_wait3A_34 = tpu.memref_slice %arg4[%arg1, %dma_wait3A_33] : memref<16x20224xi32, #tpu.memory_space<hbm>> -> memref<1x128xi32, #tpu.memory_space<hbm>>
    %dma_wait3A_35 = tpu.memref_squeeze %dma_wait3A_34 : memref<1x128xi32, #tpu.memory_space<hbm>> -> memref<128xi32, #tpu.memory_space<hbm>>
    %dma_wait3A_36 = arith.constant 0 : i32
    %dma_wait3A_37 = tpu.memref_slice %arg4[%arg1, %dma_wait3A_36] : memref<16x20224xi32, #tpu.memory_space<hbm>> -> memref<1x128xi32, #tpu.memory_space<hbm>>
    %dma_wait3A_38 = tpu.memref_squeeze %dma_wait3A_37 : memref<1x128xi32, #tpu.memory_space<hbm>> -> memref<128xi32, #tpu.memory_space<hbm>>
    tpu.wait_dma2 semaphore(%arg17 : memref<!tpu.dma_semaphore, #tpu.memory_space<semaphore_mem>>) src(%dma_wait3A_38 : memref<128xi32, #tpu.memory_space<hbm>>) dst(%arg9 : memref<128xi32, #tpu.memory_space<vmem>>)
    %dma_start3A_39 = arith.constant 0 : i32
    %dma_start3A_40 = arith.constant 0 : i32
    %dma_start3A_41 = tpu.memref_slice %arg11[%dma_start3A_39, %dma_start3A_40] : memref<128x128xf32, #tpu.memory_space<vmem>> -> memref<32x128xf32, #tpu.memory_space<vmem>>
    %dma_start3A_42 = arith.constant 0 : i32
    %dma_start3A_43 = tpu.memref_slice %arg7[%dma_start3A_42] : memref<128xi32, #tpu.memory_space<vmem>> -> memref<32xi32, #tpu.memory_space<vmem>>
    %dma_start3A_44 = arith.constant 0 : i32
    %dma_start3A_45 = arith.constant 0 : i32
    %dma_start3A_46 = tpu.memref_slice %arg2[%dma_start3A_44, %dma_start3A_45] : memref<20000x128xf32, #tpu.memory_space<hbm>> -> memref<20000x128xf32, #tpu.memory_space<hbm>>
    tpu.enqueue_indirect_dma source(%dma_start3A_46 : memref<20000x128xf32, #tpu.memory_space<hbm>>) target(%dma_start3A_41 : memref<32x128xf32, #tpu.memory_space<vmem>>) offsets(%dma_start3A_43 : memref<32xi32, #tpu.memory_space<vmem>>) semaphore(%arg13 : memref<!tpu.dma_semaphore, #tpu.memory_space<semaphore_mem>>)
    %dma_start3A_47 = arith.constant 32 : i32
    %dma_start3A_48 = arith.constant 0 : i32
    %dma_start3A_49 = tpu.memref_slice %arg11[%dma_start3A_47, %dma_start3A_48] : memref<128x128xf32, #tpu.memory_space<vmem>> -> memref<32x128xf32, #tpu.memory_space<vmem>>
    %dma_start3A_50 = arith.constant 32 : i32
    %dma_start3A_51 = tpu.memref_slice %arg7[%dma_start3A_50] : memref<128xi32, #tpu.memory_space<vmem>> -> memref<32xi32, #tpu.memory_space<vmem>>
    %dma_start3A_52 = arith.constant 0 : i32
    %dma_start3A_53 = arith.constant 0 : i32
    %dma_start3A_54 = tpu.memref_slice %arg2[%dma_start3A_52, %dma_start3A_53] : memref<20000x128xf32, #tpu.memory_space<hbm>> -> memref<20000x128xf32, #tpu.memory_space<hbm>>
    tpu.enqueue_indirect_dma source(%dma_start3A_54 : memref<20000x128xf32, #tpu.memory_space<hbm>>) target(%dma_start3A_49 : memref<32x128xf32, #tpu.memory_space<vmem>>) offsets(%dma_start3A_51 : memref<32xi32, #tpu.memory_space<vmem>>) semaphore(%arg13 : memref<!tpu.dma_semaphore, #tpu.memory_space<semaphore_mem>>)
    %dma_start3A_55 = arith.constant 64 : i32
    %dma_start3A_56 = arith.constant 0 : i32
    %dma_start3A_57 = tpu.memref_slice %arg11[%dma_start3A_55, %dma_start3A_56] : memref<128x128xf32, #tpu.memory_space<vmem>> -> memref<32x128xf32, #tpu.memory_space<vmem>>
    %dma_start3A_58 = arith.constant 64 : i32
    %dma_start3A_59 = tpu.memref_slice %arg7[%dma_start3A_58] : memref<128xi32, #tpu.memory_space<vmem>> -> memref<32xi32, #tpu.memory_space<vmem>>
    %dma_start3A_60 = arith.constant 0 : i32
    %dma_start3A_61 = arith.constant 0 : i32
    %dma_start3A_62 = tpu.memref_slice %arg2[%dma_start3A_60, %dma_start3A_61] : memref<20000x128xf32, #tpu.memory_space<hbm>> -> memref<20000x128xf32, #tpu.memory_space<hbm>>
    tpu.enqueue_indirect_dma source(%dma_start3A_62 : memref<20000x128xf32, #tpu.memory_space<hbm>>) target(%dma_start3A_57 : memref<32x128xf32, #tpu.memory_space<vmem>>) offsets(%dma_start3A_59 : memref<32xi32, #tpu.memory_space<vmem>>) semaphore(%arg13 : memref<!tpu.dma_semaphore, #tpu.memory_space<semaphore_mem>>)
    %dma_start3A_63 = arith.constant 96 : i32
    %dma_start3A_64 = arith.constant 0 : i32
    %dma_start3A_65 = tpu.memref_slice %arg11[%dma_start3A_63, %dma_start3A_64] : memref<128x128xf32, #tpu.memory_space<vmem>> -> memref<32x128xf32, #tpu.memory_space<vmem>>
    %dma_start3A_66 = arith.constant 96 : i32
    %dma_start3A_67 = tpu.memref_slice %arg7[%dma_start3A_66] : memref<128xi32, #tpu.memory_space<vmem>> -> memref<32xi32, #tpu.memory_space<vmem>>
    %dma_start3A_68 = arith.constant 0 : i32
    %dma_start3A_69 = arith.constant 0 : i32
    %dma_start3A_70 = tpu.memref_slice %arg2[%dma_start3A_68, %dma_start3A_69] : memref<20000x128xf32, #tpu.memory_space<hbm>> -> memref<20000x128xf32, #tpu.memory_space<hbm>>
    tpu.enqueue_indirect_dma source(%dma_start3A_70 : memref<20000x128xf32, #tpu.memory_space<hbm>>) target(%dma_start3A_65 : memref<32x128xf32, #tpu.memory_space<vmem>>) offsets(%dma_start3A_67 : memref<32xi32, #tpu.memory_space<vmem>>) semaphore(%arg13 : memref<!tpu.dma_semaphore, #tpu.memory_space<semaphore_mem>>)
    %scan3A = arith.constant 0 : i32
    %scan3A_71 = arith.constant 0 : i32
    %scan3A_72 = arith.constant 79 : i32
    %scan3A_73 = arith.addi %scan3A_71, %scan3A_72 : i32
    %scan3A_74 = arith.constant 1 : i32
    scf.for %scan3A_82 = %scan3A_71 to %scan3A_73 step %scan3A_74  : i32 {
      %mul3A_83 = arith.constant 2 : i32
      %mul3A_84 = arith.muli %scan3A_82, %mul3A_83 : i32
      %add3A_85 = arith.constant 0 : i32
      %add3A_86 = arith.addi %mul3A_84, %add3A_85 : i32
      %add3A_87 = arith.constant 1 : i32
      %add3A_88 = arith.addi %add3A_86, %add3A_87 : i32
      %lt3A_89 = arith.constant 158 : i32
      %lt3A_90 = arith.cmpi slt, %add3A_88, %lt3A_89 : i32
      %convert_element_type3A_91 = arith.extui %lt3A_90 : i1 to i32
      %cond3A_92 = arith.constant 0 : i32
      %cond3A_93 = arith.cmpi ne, %convert_element_type3A_91, %cond3A_92 : i32
      scf.if %cond3A_93 {
        %add3A_181 = arith.constant 1 : i32
        %add3A_182 = arith.addi %add3A_86, %add3A_181 : i32
        %mul3A_183 = arith.constant 128 : i32
        %mul3A_184 = arith.muli %add3A_182, %mul3A_183 : i32
        %dma_wait3A_185 = tpu.memref_slice %arg3[%arg0, %arg1, %mul3A_184] : memref<2x16x20224xi32, #tpu.memory_space<hbm>> -> memref<1x1x128xi32, #tpu.memory_space<hbm>>
        %dma_wait3A_186 = tpu.memref_squeeze %dma_wait3A_185 : memref<1x1x128xi32, #tpu.memory_space<hbm>> -> memref<128xi32, #tpu.memory_space<hbm>>
        %dma_wait3A_187 = tpu.memref_slice %arg3[%arg0, %arg1, %mul3A_184] : memref<2x16x20224xi32, #tpu.memory_space<hbm>> -> memref<1x1x128xi32, #tpu.memory_space<hbm>>
        %dma_wait3A_188 = tpu.memref_squeeze %dma_wait3A_187 : memref<1x1x128xi32, #tpu.memory_space<hbm>> -> memref<128xi32, #tpu.memory_space<hbm>>
        tpu.wait_dma2 semaphore(%arg16 : memref<!tpu.dma_semaphore, #tpu.memory_space<semaphore_mem>>) src(%dma_wait3A_188 : memref<128xi32, #tpu.memory_space<hbm>>) dst(%arg8 : memref<128xi32, #tpu.memory_space<vmem>>)
        %mul3A_189 = arith.constant 128 : i32
        %mul3A_190 = arith.muli %add3A_182, %mul3A_189 : i32
        %dma_wait3A_191 = tpu.memref_slice %arg4[%arg1, %mul3A_190] : memref<16x20224xi32, #tpu.memory_space<hbm>> -> memref<1x128xi32, #tpu.memory_space<hbm>>
        %dma_wait3A_192 = tpu.memref_squeeze %dma_wait3A_191 : memref<1x128xi32, #tpu.memory_space<hbm>> -> memref<128xi32, #tpu.memory_space<hbm>>
        %dma_wait3A_193 = tpu.memref_slice %arg4[%arg1, %mul3A_190] : memref<16x20224xi32, #tpu.memory_space<hbm>> -> memref<1x128xi32, #tpu.memory_space<hbm>>
        %dma_wait3A_194 = tpu.memref_squeeze %dma_wait3A_193 : memref<1x128xi32, #tpu.memory_space<hbm>> -> memref<128xi32, #tpu.memory_space<hbm>>
        tpu.wait_dma2 semaphore(%arg18 : memref<!tpu.dma_semaphore, #tpu.memory_space<semaphore_mem>>) src(%dma_wait3A_194 : memref<128xi32, #tpu.memory_space<hbm>>) dst(%arg10 : memref<128xi32, #tpu.memory_space<vmem>>)
        %dma_start3A_195 = arith.constant 0 : i32
        %dma_start3A_196 = arith.constant 0 : i32
        %dma_start3A_197 = tpu.memref_slice %arg12[%dma_start3A_195, %dma_start3A_196] : memref<128x128xf32, #tpu.memory_space<vmem>> -> memref<32x128xf32, #tpu.memory_space<vmem>>
        %dma_start3A_198 = arith.constant 0 : i32
        %dma_start3A_199 = tpu.memref_slice %arg8[%dma_start3A_198] : memref<128xi32, #tpu.memory_space<vmem>> -> memref<32xi32, #tpu.memory_space<vmem>>
        %dma_start3A_200 = arith.constant 0 : i32
        %dma_start3A_201 = arith.constant 0 : i32
        %dma_start3A_202 = tpu.memref_slice %arg2[%dma_start3A_200, %dma_start3A_201] : memref<20000x128xf32, #tpu.memory_space<hbm>> -> memref<20000x128xf32, #tpu.memory_space<hbm>>
        tpu.enqueue_indirect_dma source(%dma_start3A_202 : memref<20000x128xf32, #tpu.memory_space<hbm>>) target(%dma_start3A_197 : memref<32x128xf32, #tpu.memory_space<vmem>>) offsets(%dma_start3A_199 : memref<32xi32, #tpu.memory_space<vmem>>) semaphore(%arg14 : memref<!tpu.dma_semaphore, #tpu.memory_space<semaphore_mem>>)
        %dma_start3A_203 = arith.constant 32 : i32
        %dma_start3A_204 = arith.constant 0 : i32
        %dma_start3A_205 = tpu.memref_slice %arg12[%dma_start3A_203, %dma_start3A_204] : memref<128x128xf32, #tpu.memory_space<vmem>> -> memref<32x128xf32, #tpu.memory_space<vmem>>
        %dma_start3A_206 = arith.constant 32 : i32
        %dma_start3A_207 = tpu.memref_slice %arg8[%dma_start3A_206] : memref<128xi32, #tpu.memory_space<vmem>> -> memref<32xi32, #tpu.memory_space<vmem>>
        %dma_start3A_208 = arith.constant 0 : i32
        %dma_start3A_209 = arith.constant 0 : i32
        %dma_start3A_210 = tpu.memref_slice %arg2[%dma_start3A_208, %dma_start3A_209] : memref<20000x128xf32, #tpu.memory_space<hbm>> -> memref<20000x128xf32, #tpu.memory_space<hbm>>
        tpu.enqueue_indirect_dma source(%dma_start3A_210 : memref<20000x128xf32, #tpu.memory_space<hbm>>) target(%dma_start3A_205 : memref<32x128xf32, #tpu.memory_space<vmem>>) offsets(%dma_start3A_207 : memref<32xi32, #tpu.memory_space<vmem>>) semaphore(%arg14 : memref<!tpu.dma_semaphore, #tpu.memory_space<semaphore_mem>>)
        %dma_start3A_211 = arith.constant 64 : i32
        %dma_start3A_212 = arith.constant 0 : i32
        %dma_start3A_213 = tpu.memref_slice %arg12[%dma_start3A_211, %dma_start3A_212] : memref<128x128xf32, #tpu.memory_space<vmem>> -> memref<32x128xf32, #tpu.memory_space<vmem>>
        %dma_start3A_214 = arith.constant 64 : i32
        %dma_start3A_215 = tpu.memref_slice %arg8[%dma_start3A_214] : memref<128xi32, #tpu.memory_space<vmem>> -> memref<32xi32, #tpu.memory_space<vmem>>
        %dma_start3A_216 = arith.constant 0 : i32
        %dma_start3A_217 = arith.constant 0 : i32
        %dma_start3A_218 = tpu.memref_slice %arg2[%dma_start3A_216, %dma_start3A_217] : memref<20000x128xf32, #tpu.memory_space<hbm>> -> memref<20000x128xf32, #tpu.memory_space<hbm>>
        tpu.enqueue_indirect_dma source(%dma_start3A_218 : memref<20000x128xf32, #tpu.memory_space<hbm>>) target(%dma_start3A_213 : memref<32x128xf32, #tpu.memory_space<vmem>>) offsets(%dma_start3A_215 : memref<32xi32, #tpu.memory_space<vmem>>) semaphore(%arg14 : memref<!tpu.dma_semaphore, #tpu.memory_space<semaphore_mem>>)
        %dma_start3A_219 = arith.constant 96 : i32
        %dma_start3A_220 = arith.constant 0 : i32
        %dma_start3A_221 = tpu.memref_slice %arg12[%dma_start3A_219, %dma_start3A_220] : memref<128x128xf32, #tpu.memory_space<vmem>> -> memref<32x128xf32, #tpu.memory_space<vmem>>
        %dma_start3A_222 = arith.constant 96 : i32
        %dma_start3A_223 = tpu.memref_slice %arg8[%dma_start3A_222] : memref<128xi32, #tpu.memory_space<vmem>> -> memref<32xi32, #tpu.memory_space<vmem>>
        %dma_start3A_224 = arith.constant 0 : i32
        %dma_start3A_225 = arith.constant 0 : i32
        %dma_start3A_226 = tpu.memref_slice %arg2[%dma_start3A_224, %dma_start3A_225] : memref<20000x128xf32, #tpu.memory_space<hbm>> -> memref<20000x128xf32, #tpu.memory_space<hbm>>
        tpu.enqueue_indirect_dma source(%dma_start3A_226 : memref<20000x128xf32, #tpu.memory_space<hbm>>) target(%dma_start3A_221 : memref<32x128xf32, #tpu.memory_space<vmem>>) offsets(%dma_start3A_223 : memref<32xi32, #tpu.memory_space<vmem>>) semaphore(%arg14 : memref<!tpu.dma_semaphore, #tpu.memory_space<semaphore_mem>>)
      } else {
      }
      %dma_wait3A_94 = arith.constant 0 : i32
      %dma_wait3A_95 = arith.constant 0 : i32
      %dma_wait3A_96 = tpu.memref_slice %arg11[%dma_wait3A_94, %dma_wait3A_95] : memref<128x128xf32, #tpu.memory_space<vmem>> -> memref<32x128xf32, #tpu.memory_space<vmem>>
      %dma_wait3A_97 = arith.constant 0 : i32
      %dma_wait3A_98 = tpu.memref_slice %arg7[%dma_wait3A_97] : memref<128xi32, #tpu.memory_space<vmem>> -> memref<32xi32, #tpu.memory_space<vmem>>
      %dma_wait3A_99 = arith.constant 0 : i32
      %dma_wait3A_100 = arith.constant 0 : i32
      %dma_wait3A_101 = tpu.memref_slice %arg2[%dma_wait3A_99, %dma_wait3A_100] : memref<20000x128xf32, #tpu.memory_space<hbm>> -> memref<20000x128xf32, #tpu.memory_space<hbm>>
      tpu.wait_indirect_dma semaphore(%arg13 : memref<!tpu.dma_semaphore, #tpu.memory_space<semaphore_mem>>) src(%dma_wait3A_101 : memref<20000x128xf32, #tpu.memory_space<hbm>>) dst(%dma_wait3A_96 : memref<32x128xf32, #tpu.memory_space<vmem>>)
      %dma_wait3A_102 = arith.constant 32 : i32
      %dma_wait3A_103 = arith.constant 0 : i32
      %dma_wait3A_104 = tpu.memref_slice %arg11[%dma_wait3A_102, %dma_wait3A_103] : memref<128x128xf32, #tpu.memory_space<vmem>> -> memref<32x128xf32, #tpu.memory_space<vmem>>
      %dma_wait3A_105 = arith.constant 32 : i32
      %dma_wait3A_106 = tpu.memref_slice %arg7[%dma_wait3A_105] : memref<128xi32, #tpu.memory_space<vmem>> -> memref<32xi32, #tpu.memory_space<vmem>>
      %dma_wait3A_107 = arith.constant 0 : i32
      %dma_wait3A_108 = arith.constant 0 : i32
      %dma_wait3A_109 = tpu.memref_slice %arg2[%dma_wait3A_107, %dma_wait3A_108] : memref<20000x128xf32, #tpu.memory_space<hbm>> -> memref<20000x128xf32, #tpu.memory_space<hbm>>
      tpu.wait_indirect_dma semaphore(%arg13 : memref<!tpu.dma_semaphore, #tpu.memory_space<semaphore_mem>>) src(%dma_wait3A_109 : memref<20000x128xf32, #tpu.memory_space<hbm>>) dst(%dma_wait3A_104 : memref<32x128xf32, #tpu.memory_space<vmem>>)
      %dma_wait3A_110 = arith.constant 64 : i32
      %dma_wait3A_111 = arith.constant 0 : i32
      %dma_wait3A_112 = tpu.memref_slice %arg11[%dma_wait3A_110, %dma_wait3A_111] : memref<128x128xf32, #tpu.memory_space<vmem>> -> memref<32x128xf32, #tpu.memory_space<vmem>>
      %dma_wait3A_113 = arith.constant 64 : i32
      %dma_wait3A_114 = tpu.memref_slice %arg7[%dma_wait3A_113] : memref<128xi32, #tpu.memory_space<vmem>> -> memref<32xi32, #tpu.memory_space<vmem>>
      %dma_wait3A_115 = arith.constant 0 : i32
      %dma_wait3A_116 = arith.constant 0 : i32
      %dma_wait3A_117 = tpu.memref_slice %arg2[%dma_wait3A_115, %dma_wait3A_116] : memref<20000x128xf32, #tpu.memory_space<hbm>> -> memref<20000x128xf32, #tpu.memory_space<hbm>>
      tpu.wait_indirect_dma semaphore(%arg13 : memref<!tpu.dma_semaphore, #tpu.memory_space<semaphore_mem>>) src(%dma_wait3A_117 : memref<20000x128xf32, #tpu.memory_space<hbm>>) dst(%dma_wait3A_112 : memref<32x128xf32, #tpu.memory_space<vmem>>)
      %dma_wait3A_118 = arith.constant 96 : i32
      %dma_wait3A_119 = arith.constant 0 : i32
      %dma_wait3A_120 = tpu.memref_slice %arg11[%dma_wait3A_118, %dma_wait3A_119] : memref<128x128xf32, #tpu.memory_space<vmem>> -> memref<32x128xf32, #tpu.memory_space<vmem>>
      %dma_wait3A_121 = arith.constant 96 : i32
      %dma_wait3A_122 = tpu.memref_slice %arg7[%dma_wait3A_121] : memref<128xi32, #tpu.memory_space<vmem>> -> memref<32xi32, #tpu.memory_space<vmem>>
      %dma_wait3A_123 = arith.constant 0 : i32
      %dma_wait3A_124 = arith.constant 0 : i32
      %dma_wait3A_125 = tpu.memref_slice %arg2[%dma_wait3A_123, %dma_wait3A_124] : memref<20000x128xf32, #tpu.memory_space<hbm>> -> memref<20000x128xf32, #tpu.memory_space<hbm>>
      tpu.wait_indirect_dma semaphore(%arg13 : memref<!tpu.dma_semaphore, #tpu.memory_space<semaphore_mem>>) src(%dma_wait3A_125 : memref<20000x128xf32, #tpu.memory_space<hbm>>) dst(%dma_wait3A_120 : memref<32x128xf32, #tpu.memory_space<vmem>>)
      "tpu.region"() ({
        %run_scoped3A = tpu.sem_alloc : memref<!tpu.dma_semaphore, #tpu.memory_space<semaphore_mem>>
        %dma_start3A_181 = arith.constant 0 : i32
        %dma_start3A_182 = arith.constant 0 : i32
        %dma_start3A_183 = tpu.memref_slice %arg6[%dma_start3A_181, %dma_start3A_182] : memref<10008x128xf32, #tpu.memory_space<vmem_shared>> -> memref<10008x128xf32, #tpu.memory_space<vmem_shared>>
        tpu.enqueue_indirect_dma source(%arg11 : memref<128x128xf32, #tpu.memory_space<vmem>>) target(%dma_start3A_183 : memref<10008x128xf32, #tpu.memory_space<vmem_shared>>) offsets(%arg9 : memref<128xi32, #tpu.memory_space<vmem>>) semaphore(%run_scoped3A : memref<!tpu.dma_semaphore, #tpu.memory_space<semaphore_mem>>) {add = true}
        %dma_wait3A_184 = arith.constant 0 : i32
        %dma_wait3A_185 = arith.constant 0 : i32
        %dma_wait3A_186 = tpu.memref_slice %arg6[%dma_wait3A_184, %dma_wait3A_185] : memref<10008x128xf32, #tpu.memory_space<vmem_shared>> -> memref<10008x128xf32, #tpu.memory_space<vmem_shared>>
        tpu.wait_indirect_dma semaphore(%run_scoped3A : memref<!tpu.dma_semaphore, #tpu.memory_space<semaphore_mem>>) src(%arg11 : memref<128x128xf32, #tpu.memory_space<vmem>>) dst(%dma_wait3A_186 : memref<10008x128xf32, #tpu.memory_space<vmem_shared>>)
        tpu.yield
      }) : () -> ()
      %add3A_126 = arith.constant 2 : i32
      %add3A_127 = arith.addi %add3A_86, %add3A_126 : i32
      %lt3A_128 = arith.constant 158 : i32
      %lt3A_129 = arith.cmpi slt, %add3A_127, %lt3A_128 : i32
      %convert_element_type3A_130 = arith.extui %lt3A_129 : i1 to i32
      %cond3A_131 = arith.constant 0 : i32
      %cond3A_132 = arith.cmpi ne, %convert_element_type3A_130, %cond3A_131 : i32
      scf.if %cond3A_132 {
        %add3A_181 = arith.constant 2 : i32
        %add3A_182 = arith.addi %add3A_86, %add3A_181 : i32
        %mul3A_183 = arith.constant 128 : i32
        %mul3A_184 = arith.muli %add3A_182, %mul3A_183 : i32
        %dma_start3A_185 = tpu.memref_slice %arg3[%arg0, %arg1, %mul3A_184] : memref<2x16x20224xi32, #tpu.memory_space<hbm>> -> memref<1x1x128xi32, #tpu.memory_space<hbm>>
        %dma_start3A_186 = tpu.memref_squeeze %dma_start3A_185 : memref<1x1x128xi32, #tpu.memory_space<hbm>> -> memref<128xi32, #tpu.memory_space<hbm>>
        %dma_start3A_187 = tpu.memref_slice %arg3[%arg0, %arg1, %mul3A_184] : memref<2x16x20224xi32, #tpu.memory_space<hbm>> -> memref<1x1x128xi32, #tpu.memory_space<hbm>>
        %dma_start3A_188 = tpu.memref_squeeze %dma_start3A_187 : memref<1x1x128xi32, #tpu.memory_space<hbm>> -> memref<128xi32, #tpu.memory_space<hbm>>
        tpu.enqueue_dma source(%dma_start3A_188 : memref<128xi32, #tpu.memory_space<hbm>>) target(%arg7 : memref<128xi32, #tpu.memory_space<vmem>>) target_semaphore(%arg15 : memref<!tpu.dma_semaphore, #tpu.memory_space<semaphore_mem>>)
        %mul3A_189 = arith.constant 128 : i32
        %mul3A_190 = arith.muli %add3A_182, %mul3A_189 : i32
        %dma_start3A_191 = tpu.memref_slice %arg4[%arg1, %mul3A_190] : memref<16x20224xi32, #tpu.memory_space<hbm>> -> memref<1x128xi32, #tpu.memory_space<hbm>>
        %dma_start3A_192 = tpu.memref_squeeze %dma_start3A_191 : memref<1x128xi32, #tpu.memory_space<hbm>> -> memref<128xi32, #tpu.memory_space<hbm>>
        %dma_start3A_193 = tpu.memref_slice %arg4[%arg1, %mul3A_190] : memref<16x20224xi32, #tpu.memory_space<hbm>> -> memref<1x128xi32, #tpu.memory_space<hbm>>
        %dma_start3A_194 = tpu.memref_squeeze %dma_start3A_193 : memref<1x128xi32, #tpu.memory_space<hbm>> -> memref<128xi32, #tpu.memory_space<hbm>>
        tpu.enqueue_dma source(%dma_start3A_194 : memref<128xi32, #tpu.memory_space<hbm>>) target(%arg9 : memref<128xi32, #tpu.memory_space<vmem>>) target_semaphore(%arg17 : memref<!tpu.dma_semaphore, #tpu.memory_space<semaphore_mem>>)
      } else {
      }
      %add3A_133 = arith.constant 1 : i32
      %add3A_134 = arith.addi %mul3A_84, %add3A_133 : i32
      %add3A_135 = arith.constant 1 : i32
      %add3A_136 = arith.addi %add3A_134, %add3A_135 : i32
      %lt3A_137 = arith.constant 158 : i32
      %lt3A_138 = arith.cmpi slt, %add3A_136, %lt3A_137 : i32
      %convert_element_type3A_139 = arith.extui %lt3A_138 : i1 to i32
      %cond3A_140 = arith.constant 0 : i32
      %cond3A_141 = arith.cmpi ne, %convert_element_type3A_139, %cond3A_140 : i32
      scf.if %cond3A_141 {
        %add3A_181 = arith.constant 1 : i32
        %add3A_182 = arith.addi %add3A_134, %add3A_181 : i32
        %mul3A_183 = arith.constant 128 : i32
        %mul3A_184 = arith.muli %add3A_182, %mul3A_183 : i32
        %dma_wait3A_185 = tpu.memref_slice %arg3[%arg0, %arg1, %mul3A_184] : memref<2x16x20224xi32, #tpu.memory_space<hbm>> -> memref<1x1x128xi32, #tpu.memory_space<hbm>>
        %dma_wait3A_186 = tpu.memref_squeeze %dma_wait3A_185 : memref<1x1x128xi32, #tpu.memory_space<hbm>> -> memref<128xi32, #tpu.memory_space<hbm>>
        %dma_wait3A_187 = tpu.memref_slice %arg3[%arg0, %arg1, %mul3A_184] : memref<2x16x20224xi32, #tpu.memory_space<hbm>> -> memref<1x1x128xi32, #tpu.memory_space<hbm>>
        %dma_wait3A_188 = tpu.memref_squeeze %dma_wait3A_187 : memref<1x1x128xi32, #tpu.memory_space<hbm>> -> memref<128xi32, #tpu.memory_space<hbm>>
        tpu.wait_dma2 semaphore(%arg15 : memref<!tpu.dma_semaphore, #tpu.memory_space<semaphore_mem>>) src(%dma_wait3A_188 : memref<128xi32, #tpu.memory_space<hbm>>) dst(%arg7 : memref<128xi32, #tpu.memory_space<vmem>>)
        %mul3A_189 = arith.constant 128 : i32
        %mul3A_190 = arith.muli %add3A_182, %mul3A_189 : i32
        %dma_wait3A_191 = tpu.memref_slice %arg4[%arg1, %mul3A_190] : memref<16x20224xi32, #tpu.memory_space<hbm>> -> memref<1x128xi32, #tpu.memory_space<hbm>>
        %dma_wait3A_192 = tpu.memref_squeeze %dma_wait3A_191 : memref<1x128xi32, #tpu.memory_space<hbm>> -> memref<128xi32, #tpu.memory_space<hbm>>
        %dma_wait3A_193 = tpu.memref_slice %arg4[%arg1, %mul3A_190] : memref<16x20224xi32, #tpu.memory_space<hbm>> -> memref<1x128xi32, #tpu.memory_space<hbm>>
        %dma_wait3A_194 = tpu.memref_squeeze %dma_wait3A_193 : memref<1x128xi32, #tpu.memory_space<hbm>> -> memref<128xi32, #tpu.memory_space<hbm>>
        tpu.wait_dma2 semaphore(%arg17 : memref<!tpu.dma_semaphore, #tpu.memory_space<semaphore_mem>>) src(%dma_wait3A_194 : memref<128xi32, #tpu.memory_space<hbm>>) dst(%arg9 : memref<128xi32, #tpu.memory_space<vmem>>)
        %dma_start3A_195 = arith.constant 0 : i32
        %dma_start3A_196 = arith.constant 0 : i32
        %dma_start3A_197 = tpu.memref_slice %arg11[%dma_start3A_195, %dma_start3A_196] : memref<128x128xf32, #tpu.memory_space<vmem>> -> memref<32x128xf32, #tpu.memory_space<vmem>>
        %dma_start3A_198 = arith.constant 0 : i32
        %dma_start3A_199 = tpu.memref_slice %arg7[%dma_start3A_198] : memref<128xi32, #tpu.memory_space<vmem>> -> memref<32xi32, #tpu.memory_space<vmem>>
        %dma_start3A_200 = arith.constant 0 : i32
        %dma_start3A_201 = arith.constant 0 : i32
        %dma_start3A_202 = tpu.memref_slice %arg2[%dma_start3A_200, %dma_start3A_201] : memref<20000x128xf32, #tpu.memory_space<hbm>> -> memref<20000x128xf32, #tpu.memory_space<hbm>>
        tpu.enqueue_indirect_dma source(%dma_start3A_202 : memref<20000x128xf32, #tpu.memory_space<hbm>>) target(%dma_start3A_197 : memref<32x128xf32, #tpu.memory_space<vmem>>) offsets(%dma_start3A_199 : memref<32xi32, #tpu.memory_space<vmem>>) semaphore(%arg13 : memref<!tpu.dma_semaphore, #tpu.memory_space<semaphore_mem>>)
        %dma_start3A_203 = arith.constant 32 : i32
        %dma_start3A_204 = arith.constant 0 : i32
        %dma_start3A_205 = tpu.memref_slice %arg11[%dma_start3A_203, %dma_start3A_204] : memref<128x128xf32, #tpu.memory_space<vmem>> -> memref<32x128xf32, #tpu.memory_space<vmem>>
        %dma_start3A_206 = arith.constant 32 : i32
        %dma_start3A_207 = tpu.memref_slice %arg7[%dma_start3A_206] : memref<128xi32, #tpu.memory_space<vmem>> -> memref<32xi32, #tpu.memory_space<vmem>>
        %dma_start3A_208 = arith.constant 0 : i32
        %dma_start3A_209 = arith.constant 0 : i32
        %dma_start3A_210 = tpu.memref_slice %arg2[%dma_start3A_208, %dma_start3A_209] : memref<20000x128xf32, #tpu.memory_space<hbm>> -> memref<20000x128xf32, #tpu.memory_space<hbm>>
        tpu.enqueue_indirect_dma source(%dma_start3A_210 : memref<20000x128xf32, #tpu.memory_space<hbm>>) target(%dma_start3A_205 : memref<32x128xf32, #tpu.memory_space<vmem>>) offsets(%dma_start3A_207 : memref<32xi32, #tpu.memory_space<vmem>>) semaphore(%arg13 : memref<!tpu.dma_semaphore, #tpu.memory_space<semaphore_mem>>)
        %dma_start3A_211 = arith.constant 64 : i32
        %dma_start3A_212 = arith.constant 0 : i32
        %dma_start3A_213 = tpu.memref_slice %arg11[%dma_start3A_211, %dma_start3A_212] : memref<128x128xf32, #tpu.memory_space<vmem>> -> memref<32x128xf32, #tpu.memory_space<vmem>>
        %dma_start3A_214 = arith.constant 64 : i32
        %dma_start3A_215 = tpu.memref_slice %arg7[%dma_start3A_214] : memref<128xi32, #tpu.memory_space<vmem>> -> memref<32xi32, #tpu.memory_space<vmem>>
        %dma_start3A_216 = arith.constant 0 : i32
        %dma_start3A_217 = arith.constant 0 : i32
        %dma_start3A_218 = tpu.memref_slice %arg2[%dma_start3A_216, %dma_start3A_217] : memref<20000x128xf32, #tpu.memory_space<hbm>> -> memref<20000x128xf32, #tpu.memory_space<hbm>>
        tpu.enqueue_indirect_dma source(%dma_start3A_218 : memref<20000x128xf32, #tpu.memory_space<hbm>>) target(%dma_start3A_213 : memref<32x128xf32, #tpu.memory_space<vmem>>) offsets(%dma_start3A_215 : memref<32xi32, #tpu.memory_space<vmem>>) semaphore(%arg13 : memref<!tpu.dma_semaphore, #tpu.memory_space<semaphore_mem>>)
        %dma_start3A_219 = arith.constant 96 : i32
        %dma_start3A_220 = arith.constant 0 : i32
        %dma_start3A_221 = tpu.memref_slice %arg11[%dma_start3A_219, %dma_start3A_220] : memref<128x128xf32, #tpu.memory_space<vmem>> -> memref<32x128xf32, #tpu.memory_space<vmem>>
        %dma_start3A_222 = arith.constant 96 : i32
        %dma_start3A_223 = tpu.memref_slice %arg7[%dma_start3A_222] : memref<128xi32, #tpu.memory_space<vmem>> -> memref<32xi32, #tpu.memory_space<vmem>>
        %dma_start3A_224 = arith.constant 0 : i32
        %dma_start3A_225 = arith.constant 0 : i32
        %dma_start3A_226 = tpu.memref_slice %arg2[%dma_start3A_224, %dma_start3A_225] : memref<20000x128xf32, #tpu.memory_space<hbm>> -> memref<20000x128xf32, #tpu.memory_space<hbm>>
        tpu.enqueue_indirect_dma source(%dma_start3A_226 : memref<20000x128xf32, #tpu.memory_space<hbm>>) target(%dma_start3A_221 : memref<32x128xf32, #tpu.memory_space<vmem>>) offsets(%dma_start3A_223 : memref<32xi32, #tpu.memory_space<vmem>>) semaphore(%arg13 : memref<!tpu.dma_semaphore, #tpu.memory_space<semaphore_mem>>)
      } else {
      }
      %dma_wait3A_142 = arith.constant 0 : i32
      %dma_wait3A_143 = arith.constant 0 : i32
      %dma_wait3A_144 = tpu.memref_slice %arg12[%dma_wait3A_142, %dma_wait3A_143] : memref<128x128xf32, #tpu.memory_space<vmem>> -> memref<32x128xf32, #tpu.memory_space<vmem>>
      %dma_wait3A_145 = arith.constant 0 : i32
      %dma_wait3A_146 = tpu.memref_slice %arg8[%dma_wait3A_145] : memref<128xi32, #tpu.memory_space<vmem>> -> memref<32xi32, #tpu.memory_space<vmem>>
      %dma_wait3A_147 = arith.constant 0 : i32
      %dma_wait3A_148 = arith.constant 0 : i32
      %dma_wait3A_149 = tpu.memref_slice %arg2[%dma_wait3A_147, %dma_wait3A_148] : memref<20000x128xf32, #tpu.memory_space<hbm>> -> memref<20000x128xf32, #tpu.memory_space<hbm>>
      tpu.wait_indirect_dma semaphore(%arg14 : memref<!tpu.dma_semaphore, #tpu.memory_space<semaphore_mem>>) src(%dma_wait3A_149 : memref<20000x128xf32, #tpu.memory_space<hbm>>) dst(%dma_wait3A_144 : memref<32x128xf32, #tpu.memory_space<vmem>>)
      %dma_wait3A_150 = arith.constant 32 : i32
      %dma_wait3A_151 = arith.constant 0 : i32
      %dma_wait3A_152 = tpu.memref_slice %arg12[%dma_wait3A_150, %dma_wait3A_151] : memref<128x128xf32, #tpu.memory_space<vmem>> -> memref<32x128xf32, #tpu.memory_space<vmem>>
      %dma_wait3A_153 = arith.constant 32 : i32
      %dma_wait3A_154 = tpu.memref_slice %arg8[%dma_wait3A_153] : memref<128xi32, #tpu.memory_space<vmem>> -> memref<32xi32, #tpu.memory_space<vmem>>
      %dma_wait3A_155 = arith.constant 0 : i32
      %dma_wait3A_156 = arith.constant 0 : i32
      %dma_wait3A_157 = tpu.memref_slice %arg2[%dma_wait3A_155, %dma_wait3A_156] : memref<20000x128xf32, #tpu.memory_space<hbm>> -> memref<20000x128xf32, #tpu.memory_space<hbm>>
      tpu.wait_indirect_dma semaphore(%arg14 : memref<!tpu.dma_semaphore, #tpu.memory_space<semaphore_mem>>) src(%dma_wait3A_157 : memref<20000x128xf32, #tpu.memory_space<hbm>>) dst(%dma_wait3A_152 : memref<32x128xf32, #tpu.memory_space<vmem>>)
      %dma_wait3A_158 = arith.constant 64 : i32
      %dma_wait3A_159 = arith.constant 0 : i32
      %dma_wait3A_160 = tpu.memref_slice %arg12[%dma_wait3A_158, %dma_wait3A_159] : memref<128x128xf32, #tpu.memory_space<vmem>> -> memref<32x128xf32, #tpu.memory_space<vmem>>
      %dma_wait3A_161 = arith.constant 64 : i32
      %dma_wait3A_162 = tpu.memref_slice %arg8[%dma_wait3A_161] : memref<128xi32, #tpu.memory_space<vmem>> -> memref<32xi32, #tpu.memory_space<vmem>>
      %dma_wait3A_163 = arith.constant 0 : i32
      %dma_wait3A_164 = arith.constant 0 : i32
      %dma_wait3A_165 = tpu.memref_slice %arg2[%dma_wait3A_163, %dma_wait3A_164] : memref<20000x128xf32, #tpu.memory_space<hbm>> -> memref<20000x128xf32, #tpu.memory_space<hbm>>
      tpu.wait_indirect_dma semaphore(%arg14 : memref<!tpu.dma_semaphore, #tpu.memory_space<semaphore_mem>>) src(%dma_wait3A_165 : memref<20000x128xf32, #tpu.memory_space<hbm>>) dst(%dma_wait3A_160 : memref<32x128xf32, #tpu.memory_space<vmem>>)
      %dma_wait3A_166 = arith.constant 96 : i32
      %dma_wait3A_167 = arith.constant 0 : i32
      %dma_wait3A_168 = tpu.memref_slice %arg12[%dma_wait3A_166, %dma_wait3A_167] : memref<128x128xf32, #tpu.memory_space<vmem>> -> memref<32x128xf32, #tpu.memory_space<vmem>>
      %dma_wait3A_169 = arith.constant 96 : i32
      %dma_wait3A_170 = tpu.memref_slice %arg8[%dma_wait3A_169] : memref<128xi32, #tpu.memory_space<vmem>> -> memref<32xi32, #tpu.memory_space<vmem>>
      %dma_wait3A_171 = arith.constant 0 : i32
      %dma_wait3A_172 = arith.constant 0 : i32
      %dma_wait3A_173 = tpu.memref_slice %arg2[%dma_wait3A_171, %dma_wait3A_172] : memref<20000x128xf32, #tpu.memory_space<hbm>> -> memref<20000x128xf32, #tpu.memory_space<hbm>>
      tpu.wait_indirect_dma semaphore(%arg14 : memref<!tpu.dma_semaphore, #tpu.memory_space<semaphore_mem>>) src(%dma_wait3A_173 : memref<20000x128xf32, #tpu.memory_space<hbm>>) dst(%dma_wait3A_168 : memref<32x128xf32, #tpu.memory_space<vmem>>)
      "tpu.region"() ({
        %run_scoped3A = tpu.sem_alloc : memref<!tpu.dma_semaphore, #tpu.memory_space<semaphore_mem>>
        %dma_start3A_181 = arith.constant 0 : i32
        %dma_start3A_182 = arith.constant 0 : i32
        %dma_start3A_183 = tpu.memref_slice %arg6[%dma_start3A_181, %dma_start3A_182] : memref<10008x128xf32, #tpu.memory_space<vmem_shared>> -> memref<10008x128xf32, #tpu.memory_space<vmem_shared>>
        tpu.enqueue_indirect_dma source(%arg12 : memref<128x128xf32, #tpu.memory_space<vmem>>) target(%dma_start3A_183 : memref<10008x128xf32, #tpu.memory_space<vmem_shared>>) offsets(%arg10 : memref<128xi32, #tpu.memory_space<vmem>>) semaphore(%run_scoped3A : memref<!tpu.dma_semaphore, #tpu.memory_space<semaphore_mem>>) {add = true}
        %dma_wait3A_184 = arith.constant 0 : i32
        %dma_wait3A_185 = arith.constant 0 : i32
        %dma_wait3A_186 = tpu.memref_slice %arg6[%dma_wait3A_184, %dma_wait3A_185] : memref<10008x128xf32, #tpu.memory_space<vmem_shared>> -> memref<10008x128xf32, #tpu.memory_space<vmem_shared>>
        tpu.wait_indirect_dma semaphore(%run_scoped3A : memref<!tpu.dma_semaphore, #tpu.memory_space<semaphore_mem>>) src(%arg12 : memref<128x128xf32, #tpu.memory_space<vmem>>) dst(%dma_wait3A_186 : memref<10008x128xf32, #tpu.memory_space<vmem_shared>>)
        tpu.yield
      }) : () -> ()
      %add3A_174 = arith.constant 2 : i32
      %add3A_175 = arith.addi %add3A_134, %add3A_174 : i32
      %lt3A_176 = arith.constant 158 : i32
      %lt3A_177 = arith.cmpi slt, %add3A_175, %lt3A_176 : i32
      %convert_element_type3A_178 = arith.extui %lt3A_177 : i1 to i32
      %cond3A_179 = arith.constant 0 : i32
      %cond3A_180 = arith.cmpi ne, %convert_element_type3A_178, %cond3A_179 : i32
      scf.if %cond3A_180 {
        %add3A_181 = arith.constant 2 : i32
        %add3A_182 = arith.addi %add3A_134, %add3A_181 : i32
        %mul3A_183 = arith.constant 128 : i32
        %mul3A_184 = arith.muli %add3A_182, %mul3A_183 : i32
        %dma_start3A_185 = tpu.memref_slice %arg3[%arg0, %arg1, %mul3A_184] : memref<2x16x20224xi32, #tpu.memory_space<hbm>> -> memref<1x1x128xi32, #tpu.memory_space<hbm>>
        %dma_start3A_186 = tpu.memref_squeeze %dma_start3A_185 : memref<1x1x128xi32, #tpu.memory_space<hbm>> -> memref<128xi32, #tpu.memory_space<hbm>>
        %dma_start3A_187 = tpu.memref_slice %arg3[%arg0, %arg1, %mul3A_184] : memref<2x16x20224xi32, #tpu.memory_space<hbm>> -> memref<1x1x128xi32, #tpu.memory_space<hbm>>
        %dma_start3A_188 = tpu.memref_squeeze %dma_start3A_187 : memref<1x1x128xi32, #tpu.memory_space<hbm>> -> memref<128xi32, #tpu.memory_space<hbm>>
        tpu.enqueue_dma source(%dma_start3A_188 : memref<128xi32, #tpu.memory_space<hbm>>) target(%arg8 : memref<128xi32, #tpu.memory_space<vmem>>) target_semaphore(%arg16 : memref<!tpu.dma_semaphore, #tpu.memory_space<semaphore_mem>>)
        %mul3A_189 = arith.constant 128 : i32
        %mul3A_190 = arith.muli %add3A_182, %mul3A_189 : i32
        %dma_start3A_191 = tpu.memref_slice %arg4[%arg1, %mul3A_190] : memref<16x20224xi32, #tpu.memory_space<hbm>> -> memref<1x128xi32, #tpu.memory_space<hbm>>
        %dma_start3A_192 = tpu.memref_squeeze %dma_start3A_191 : memref<1x128xi32, #tpu.memory_space<hbm>> -> memref<128xi32, #tpu.memory_space<hbm>>
        %dma_start3A_193 = tpu.memref_slice %arg4[%arg1, %mul3A_190] : memref<16x20224xi32, #tpu.memory_space<hbm>> -> memref<1x128xi32, #tpu.memory_space<hbm>>
        %dma_start3A_194 = tpu.memref_squeeze %dma_start3A_193 : memref<1x128xi32, #tpu.memory_space<hbm>> -> memref<128xi32, #tpu.memory_space<hbm>>
        tpu.enqueue_dma source(%dma_start3A_194 : memref<128xi32, #tpu.memory_space<hbm>>) target(%arg10 : memref<128xi32, #tpu.memory_space<vmem>>) target_semaphore(%arg18 : memref<!tpu.dma_semaphore, #tpu.memory_space<semaphore_mem>>)
      } else {
      }
    }
    %scan3A_75 = arith.constant 79 : i32
    %barrier3A_76 = arith.constant 0 : index
    tpu.barrier barrier_id(%barrier3A_76)
    "tpu.region"() ({
      %run_scoped3A = tpu.sem_alloc : memref<!tpu.dma_semaphore, #tpu.memory_space<semaphore_mem>>
      %dma_start3A_82 = arith.constant 0 : i32
      %dma_start3A_83 = tpu.memref_slice %arg5[%arg0, %mul3A_0, %dma_start3A_82] : memref<2x10000x128xf32, #tpu.memory_space<hbm>> -> memref<1x400x128xf32, #tpu.memory_space<hbm>>
      %dma_start3A_84 = tpu.memref_squeeze %dma_start3A_83 : memref<1x400x128xf32, #tpu.memory_space<hbm>> -> memref<400x128xf32, #tpu.memory_space<hbm>>
      %dma_start3A_85 = arith.constant 0 : i32
      %dma_start3A_86 = tpu.memref_slice %arg6[%mul3A_0, %dma_start3A_85] : memref<10008x128xf32, #tpu.memory_space<vmem_shared>> -> memref<400x128xf32, #tpu.memory_space<vmem_shared>>
      tpu.enqueue_dma source(%dma_start3A_86 : memref<400x128xf32, #tpu.memory_space<vmem_shared>>) target(%dma_start3A_84 : memref<400x128xf32, #tpu.memory_space<hbm>>) target_semaphore(%run_scoped3A : memref<!tpu.dma_semaphore, #tpu.memory_space<semaphore_mem>>)
      %dma_wait3A_87 = arith.constant 0 : i32
      %dma_wait3A_88 = tpu.memref_slice %arg5[%arg0, %mul3A_0, %dma_wait3A_87] : memref<2x10000x128xf32, #tpu.memory_space<hbm>> -> memref<1x400x128xf32, #tpu.memory_space<hbm>>
      %dma_wait3A_89 = tpu.memref_squeeze %dma_wait3A_88 : memref<1x400x128xf32, #tpu.memory_space<hbm>> -> memref<400x128xf32, #tpu.memory_space<hbm>>
      %dma_wait3A_90 = arith.constant 0 : i32
      %dma_wait3A_91 = tpu.memref_slice %arg6[%mul3A_0, %dma_wait3A_90] : memref<10008x128xf32, #tpu.memory_space<vmem_shared>> -> memref<400x128xf32, #tpu.memory_space<vmem_shared>>
      tpu.wait_dma2 semaphore(%run_scoped3A : memref<!tpu.dma_semaphore, #tpu.memory_space<semaphore_mem>>) src(%dma_wait3A_91 : memref<400x128xf32, #tpu.memory_space<vmem_shared>>) dst(%dma_wait3A_89 : memref<400x128xf32, #tpu.memory_space<hbm>>)
      tpu.yield
    }) : () -> ()
    %lt3A_77 = arith.constant 15 : i32
    %lt3A_78 = arith.cmpi slt, %arg1, %lt3A_77 : i32
    %convert_element_type3A_79 = arith.extui %lt3A_78 : i1 to i32
    %cond3A_80 = arith.constant 0 : i32
    %cond3A_81 = arith.cmpi ne, %convert_element_type3A_79, %cond3A_80 : i32
    scf.if %cond3A_81 {
      %add3A_82 = arith.constant 400 : i32
      %add3A_83 = arith.addi %mul3A_0, %add3A_82 : i32
      %add3A_84 = arith.constant 400 : i32
      %add3A_85 = arith.addi %mul3A_0, %add3A_84 : i32
      "tpu.region"() ({
        %run_scoped3A = tpu.sem_alloc : memref<!tpu.dma_semaphore, #tpu.memory_space<semaphore_mem>>
        %dma_start3A_86 = arith.constant 0 : i32
        %dma_start3A_87 = tpu.memref_slice %arg5[%arg0, %add3A_85, %dma_start3A_86] : memref<2x10000x128xf32, #tpu.memory_space<hbm>> -> memref<1x240x128xf32, #tpu.memory_space<hbm>>
        %dma_start3A_88 = tpu.memref_squeeze %dma_start3A_87 : memref<1x240x128xf32, #tpu.memory_space<hbm>> -> memref<240x128xf32, #tpu.memory_space<hbm>>
        %dma_start3A_89 = arith.constant 0 : i32
        %dma_start3A_90 = tpu.memref_slice %arg6[%add3A_83, %dma_start3A_89] : memref<10008x128xf32, #tpu.memory_space<vmem_shared>> -> memref<240x128xf32, #tpu.memory_space<vmem_shared>>
        tpu.enqueue_dma source(%dma_start3A_90 : memref<240x128xf32, #tpu.memory_space<vmem_shared>>) target(%dma_start3A_88 : memref<240x128xf32, #tpu.memory_space<hbm>>) target_semaphore(%run_scoped3A : memref<!tpu.dma_semaphore, #tpu.memory_space<semaphore_mem>>)
        %dma_wait3A_91 = arith.constant 0 : i32
        %dma_wait3A_92 = tpu.memref_slice %arg5[%arg0, %add3A_85, %dma_wait3A_91] : memref<2x10000x128xf32, #tpu.memory_space<hbm>> -> memref<1x240x128xf32, #tpu.memory_space<hbm>>
        %dma_wait3A_93 = tpu.memref_squeeze %dma_wait3A_92 : memref<1x240x128xf32, #tpu.memory_space<hbm>> -> memref<240x128xf32, #tpu.memory_space<hbm>>
        %dma_wait3A_94 = arith.constant 0 : i32
        %dma_wait3A_95 = tpu.memref_slice %arg6[%add3A_83, %dma_wait3A_94] : memref<10008x128xf32, #tpu.memory_space<vmem_shared>> -> memref<240x128xf32, #tpu.memory_space<vmem_shared>>
        tpu.wait_dma2 semaphore(%run_scoped3A : memref<!tpu.dma_semaphore, #tpu.memory_space<semaphore_mem>>) src(%dma_wait3A_95 : memref<240x128xf32, #tpu.memory_space<vmem_shared>>) dst(%dma_wait3A_93 : memref<240x128xf32, #tpu.memory_space<hbm>>)
        tpu.yield
      }) : () -> ()
    } else {
    }
    return
  }
}

#map = affine_map<(d0, d1) -> (0, 0)>
#map1 = affine_map<(d0, d1) -> (0, 0, 0)>
module attributes {stable_mosaic.version = 14 : i64} {
  func.func @_agg_body(%arg0: i32, %arg1: i32, %arg2: memref<20000x128xf32, #tpu.memory_space<hbm>>, %arg3: memref<2x16x20224xi32, #tpu.memory_space<hbm>>, %arg4: memref<16x20224xi32, #tpu.memory_space<hbm>>, %arg5: memref<2x10000x128xf32, #tpu.memory_space<hbm>>, %arg6: memref<10008x128xf32, #tpu.memory_space<vmem_shared>>, %arg7: memref<128xi32, #tpu.memory_space<vmem>>, %arg8: memref<128xi32, #tpu.memory_space<vmem>>, %arg9: memref<128xi32, #tpu.memory_space<vmem>>, %arg10: memref<128xi32, #tpu.memory_space<vmem>>, %arg11: memref<128x128xf32, #tpu.memory_space<vmem>>, %arg12: memref<128x128xf32, #tpu.memory_space<vmem>>, %arg13: memref<!tpu.dma_semaphore, #tpu.memory_space<semaphore_mem>>, %arg14: memref<!tpu.dma_semaphore, #tpu.memory_space<semaphore_mem>>, %arg15: memref<!tpu.dma_semaphore, #tpu.memory_space<semaphore_mem>>, %arg16: memref<!tpu.dma_semaphore, #tpu.memory_space<semaphore_mem>>, %arg17: memref<!tpu.dma_semaphore, #tpu.memory_space<semaphore_mem>>, %arg18: memref<!tpu.dma_semaphore, #tpu.memory_space<semaphore_mem>>) attributes {dimension_semantics = [#tpu.dimension_semantics<core_parallel>, #tpu.dimension_semantics<subcore_parallel>], iteration_bounds = array<i64: 2, 16>, scalar_prefetch = 0 : i64, scratch_operands = 13 : i64, tpu.core_type = #tpu.core_type<sc_vector_subcore>, window_params = [{transform_indices = #map}, {transform_indices = #map1}, {transform_indices = #map}, {transform_indices = #map1}]} {
    %mul3A = arith.constant 640 : i32
    %mul3A_0 = arith.muli %arg1, %mul3A : i32
    %mul3A_1 = arith.constant 10000 : i32
    %mul3A_2 = arith.muli %arg0, %mul3A_1 : i32
    %add3A = arith.addi %mul3A_2, %mul3A_0 : i32
    "tpu.region"() ({
      %run_scoped3A = tpu.sem_alloc : memref<!tpu.dma_semaphore, #tpu.memory_space<semaphore_mem>>
      %dma_start3A_82 = arith.constant 0 : i32
      %dma_start3A_83 = tpu.memref_slice %arg6[%mul3A_0, %dma_start3A_82] : memref<10008x128xf32, #tpu.memory_space<vmem_shared>> -> memref<400x128xf32, #tpu.memory_space<vmem_shared>>
      %dma_start3A_84 = arith.constant 0 : i32
      %dma_start3A_85 = tpu.memref_slice %arg2[%add3A, %dma_start3A_84] : memref<20000x128xf32, #tpu.memory_space<hbm>> -> memref<400x128xf32, #tpu.memory_space<hbm>>
      tpu.enqueue_dma source(%dma_start3A_85 : memref<400x128xf32, #tpu.memory_space<hbm>>) target(%dma_start3A_83 : memref<400x128xf32, #tpu.memory_space<vmem_shared>>) target_semaphore(%run_scoped3A : memref<!tpu.dma_semaphore, #tpu.memory_space<semaphore_mem>>)
      %dma_wait3A_86 = arith.constant 0 : i32
      %dma_wait3A_87 = tpu.memref_slice %arg6[%mul3A_0, %dma_wait3A_86] : memref<10008x128xf32, #tpu.memory_space<vmem_shared>> -> memref<400x128xf32, #tpu.memory_space<vmem_shared>>
      %dma_wait3A_88 = arith.constant 0 : i32
      %dma_wait3A_89 = tpu.memref_slice %arg2[%add3A, %dma_wait3A_88] : memref<20000x128xf32, #tpu.memory_space<hbm>> -> memref<400x128xf32, #tpu.memory_space<hbm>>
      tpu.wait_dma2 semaphore(%run_scoped3A : memref<!tpu.dma_semaphore, #tpu.memory_space<semaphore_mem>>) src(%dma_wait3A_89 : memref<400x128xf32, #tpu.memory_space<hbm>>) dst(%dma_wait3A_87 : memref<400x128xf32, #tpu.memory_space<vmem_shared>>)
      tpu.yield
    }) : () -> ()
    %lt3A = arith.constant 15 : i32
    %lt3A_3 = arith.cmpi slt, %arg1, %lt3A : i32
    %convert_element_type3A = arith.extui %lt3A_3 : i1 to i32
    %cond3A = arith.constant 0 : i32
    %cond3A_4 = arith.cmpi ne, %convert_element_type3A, %cond3A : i32
    scf.if %cond3A_4 {
      %mul3A_82 = arith.constant 10000 : i32
      %mul3A_83 = arith.muli %arg0, %mul3A_82 : i32
      %add3A_84 = arith.addi %mul3A_83, %mul3A_0 : i32
      %add3A_85 = arith.constant 400 : i32
      %add3A_86 = arith.addi %add3A_84, %add3A_85 : i32
      %add3A_87 = arith.constant 400 : i32
      %add3A_88 = arith.addi %mul3A_0, %add3A_87 : i32
      "tpu.region"() ({
        %run_scoped3A = tpu.sem_alloc : memref<!tpu.dma_semaphore, #tpu.memory_space<semaphore_mem>>
        %dma_start3A_89 = arith.constant 0 : i32
        %dma_start3A_90 = tpu.memref_slice %arg6[%add3A_88, %dma_start3A_89] : memref<10008x128xf32, #tpu.memory_space<vmem_shared>> -> memref<240x128xf32, #tpu.memory_space<vmem_shared>>
        %dma_start3A_91 = arith.constant 0 : i32
        %dma_start3A_92 = tpu.memref_slice %arg2[%add3A_86, %dma_start3A_91] : memref<20000x128xf32, #tpu.memory_space<hbm>> -> memref<240x128xf32, #tpu.memory_space<hbm>>
        tpu.enqueue_dma source(%dma_start3A_92 : memref<240x128xf32, #tpu.memory_space<hbm>>) target(%dma_start3A_90 : memref<240x128xf32, #tpu.memory_space<vmem_shared>>) target_semaphore(%run_scoped3A : memref<!tpu.dma_semaphore, #tpu.memory_space<semaphore_mem>>)
        %dma_wait3A_93 = arith.constant 0 : i32
        %dma_wait3A_94 = tpu.memref_slice %arg6[%add3A_88, %dma_wait3A_93] : memref<10008x128xf32, #tpu.memory_space<vmem_shared>> -> memref<240x128xf32, #tpu.memory_space<vmem_shared>>
        %dma_wait3A_95 = arith.constant 0 : i32
        %dma_wait3A_96 = tpu.memref_slice %arg2[%add3A_86, %dma_wait3A_95] : memref<20000x128xf32, #tpu.memory_space<hbm>> -> memref<240x128xf32, #tpu.memory_space<hbm>>
        tpu.wait_dma2 semaphore(%run_scoped3A : memref<!tpu.dma_semaphore, #tpu.memory_space<semaphore_mem>>) src(%dma_wait3A_96 : memref<240x128xf32, #tpu.memory_space<hbm>>) dst(%dma_wait3A_94 : memref<240x128xf32, #tpu.memory_space<vmem_shared>>)
        tpu.yield
      }) : () -> ()
    } else {
    }
    %barrier3A = arith.constant 0 : index
    tpu.barrier barrier_id(%barrier3A)
    %dma_start3A = arith.constant 0 : i32
    %dma_start3A_5 = tpu.memref_slice %arg3[%arg0, %arg1, %dma_start3A] : memref<2x16x20224xi32, #tpu.memory_space<hbm>> -> memref<1x1x128xi32, #tpu.memory_space<hbm>>
    %dma_start3A_6 = tpu.memref_squeeze %dma_start3A_5 : memref<1x1x128xi32, #tpu.memory_space<hbm>> -> memref<128xi32, #tpu.memory_space<hbm>>
    %dma_start3A_7 = arith.constant 0 : i32
    %dma_start3A_8 = tpu.memref_slice %arg3[%arg0, %arg1, %dma_start3A_7] : memref<2x16x20224xi32, #tpu.memory_space<hbm>> -> memref<1x1x128xi32, #tpu.memory_space<hbm>>
    %dma_start3A_9 = tpu.memref_squeeze %dma_start3A_8 : memref<1x1x128xi32, #tpu.memory_space<hbm>> -> memref<128xi32, #tpu.memory_space<hbm>>
    tpu.enqueue_dma source(%dma_start3A_9 : memref<128xi32, #tpu.memory_space<hbm>>) target(%arg7 : memref<128xi32, #tpu.memory_space<vmem>>) target_semaphore(%arg15 : memref<!tpu.dma_semaphore, #tpu.memory_space<semaphore_mem>>)
    %dma_start3A_10 = arith.constant 0 : i32
    %dma_start3A_11 = tpu.memref_slice %arg4[%arg1, %dma_start3A_10] : memref<16x20224xi32, #tpu.memory_space<hbm>> -> memref<1x128xi32, #tpu.memory_space<hbm>>
    %dma_start3A_12 = tpu.memref_squeeze %dma_start3A_11 : memref<1x128xi32, #tpu.memory_space<hbm>> -> memref<128xi32, #tpu.memory_space<hbm>>
    %dma_start3A_13 = arith.constant 0 : i32
    %dma_start3A_14 = tpu.memref_slice %arg4[%arg1, %dma_start3A_13] : memref<16x20224xi32, #tpu.memory_space<hbm>> -> memref<1x128xi32, #tpu.memory_space<hbm>>
    %dma_start3A_15 = tpu.memref_squeeze %dma_start3A_14 : memref<1x128xi32, #tpu.memory_space<hbm>> -> memref<128xi32, #tpu.memory_space<hbm>>
    tpu.enqueue_dma source(%dma_start3A_15 : memref<128xi32, #tpu.memory_space<hbm>>) target(%arg9 : memref<128xi32, #tpu.memory_space<vmem>>) target_semaphore(%arg17 : memref<!tpu.dma_semaphore, #tpu.memory_space<semaphore_mem>>)
    %dma_start3A_16 = arith.constant 128 : i32
    %dma_start3A_17 = tpu.memref_slice %arg3[%arg0, %arg1, %dma_start3A_16] : memref<2x16x20224xi32, #tpu.memory_space<hbm>> -> memref<1x1x128xi32, #tpu.memory_space<hbm>>
    %dma_start3A_18 = tpu.memref_squeeze %dma_start3A_17 : memref<1x1x128xi32, #tpu.memory_space<hbm>> -> memref<128xi32, #tpu.memory_space<hbm>>
    %dma_start3A_19 = arith.constant 128 : i32
    %dma_start3A_20 = tpu.memref_slice %arg3[%arg0, %arg1, %dma_start3A_19] : memref<2x16x20224xi32, #tpu.memory_space<hbm>> -> memref<1x1x128xi32, #tpu.memory_space<hbm>>
    %dma_start3A_21 = tpu.memref_squeeze %dma_start3A_20 : memref<1x1x128xi32, #tpu.memory_space<hbm>> -> memref<128xi32, #tpu.memory_space<hbm>>
    tpu.enqueue_dma source(%dma_start3A_21 : memref<128xi32, #tpu.memory_space<hbm>>) target(%arg8 : memref<128xi32, #tpu.memory_space<vmem>>) target_semaphore(%arg16 : memref<!tpu.dma_semaphore, #tpu.memory_space<semaphore_mem>>)
    %dma_start3A_22 = arith.constant 128 : i32
    %dma_start3A_23 = tpu.memref_slice %arg4[%arg1, %dma_start3A_22] : memref<16x20224xi32, #tpu.memory_space<hbm>> -> memref<1x128xi32, #tpu.memory_space<hbm>>
    %dma_start3A_24 = tpu.memref_squeeze %dma_start3A_23 : memref<1x128xi32, #tpu.memory_space<hbm>> -> memref<128xi32, #tpu.memory_space<hbm>>
    %dma_start3A_25 = arith.constant 128 : i32
    %dma_start3A_26 = tpu.memref_slice %arg4[%arg1, %dma_start3A_25] : memref<16x20224xi32, #tpu.memory_space<hbm>> -> memref<1x128xi32, #tpu.memory_space<hbm>>
    %dma_start3A_27 = tpu.memref_squeeze %dma_start3A_26 : memref<1x128xi32, #tpu.memory_space<hbm>> -> memref<128xi32, #tpu.memory_space<hbm>>
    tpu.enqueue_dma source(%dma_start3A_27 : memref<128xi32, #tpu.memory_space<hbm>>) target(%arg10 : memref<128xi32, #tpu.memory_space<vmem>>) target_semaphore(%arg18 : memref<!tpu.dma_semaphore, #tpu.memory_space<semaphore_mem>>)
    %dma_wait3A = arith.constant 0 : i32
    %dma_wait3A_28 = tpu.memref_slice %arg3[%arg0, %arg1, %dma_wait3A] : memref<2x16x20224xi32, #tpu.memory_space<hbm>> -> memref<1x1x128xi32, #tpu.memory_space<hbm>>
    %dma_wait3A_29 = tpu.memref_squeeze %dma_wait3A_28 : memref<1x1x128xi32, #tpu.memory_space<hbm>> -> memref<128xi32, #tpu.memory_space<hbm>>
    %dma_wait3A_30 = arith.constant 0 : i32
    %dma_wait3A_31 = tpu.memref_slice %arg3[%arg0, %arg1, %dma_wait3A_30] : memref<2x16x20224xi32, #tpu.memory_space<hbm>> -> memref<1x1x128xi32, #tpu.memory_space<hbm>>
    %dma_wait3A_32 = tpu.memref_squeeze %dma_wait3A_31 : memref<1x1x128xi32, #tpu.memory_space<hbm>> -> memref<128xi32, #tpu.memory_space<hbm>>
    tpu.wait_dma2 semaphore(%arg15 : memref<!tpu.dma_semaphore, #tpu.memory_space<semaphore_mem>>) src(%dma_wait3A_32 : memref<128xi32, #tpu.memory_space<hbm>>) dst(%arg7 : memref<128xi32, #tpu.memory_space<vmem>>)
    %dma_wait3A_33 = arith.constant 0 : i32
    %dma_wait3A_34 = tpu.memref_slice %arg4[%arg1, %dma_wait3A_33] : memref<16x20224xi32, #tpu.memory_space<hbm>> -> memref<1x128xi32, #tpu.memory_space<hbm>>
    %dma_wait3A_35 = tpu.memref_squeeze %dma_wait3A_34 : memref<1x128xi32, #tpu.memory_space<hbm>> -> memref<128xi32, #tpu.memory_space<hbm>>
    %dma_wait3A_36 = arith.constant 0 : i32
    %dma_wait3A_37 = tpu.memref_slice %arg4[%arg1, %dma_wait3A_36] : memref<16x20224xi32, #tpu.memory_space<hbm>> -> memref<1x128xi32, #tpu.memory_space<hbm>>
    %dma_wait3A_38 = tpu.memref_squeeze %dma_wait3A_37 : memref<1x128xi32, #tpu.memory_space<hbm>> -> memref<128xi32, #tpu.memory_space<hbm>>
    tpu.wait_dma2 semaphore(%arg17 : memref<!tpu.dma_semaphore, #tpu.memory_space<semaphore_mem>>) src(%dma_wait3A_38 : memref<128xi32, #tpu.memory_space<hbm>>) dst(%arg9 : memref<128xi32, #tpu.memory_space<vmem>>)
    %dma_start3A_39 = arith.constant 0 : i32
    %dma_start3A_40 = arith.constant 0 : i32
    %dma_start3A_41 = tpu.memref_slice %arg11[%dma_start3A_39, %dma_start3A_40] : memref<128x128xf32, #tpu.memory_space<vmem>> -> memref<32x128xf32, #tpu.memory_space<vmem>>
    %dma_start3A_42 = arith.constant 0 : i32
    %dma_start3A_43 = tpu.memref_slice %arg7[%dma_start3A_42] : memref<128xi32, #tpu.memory_space<vmem>> -> memref<32xi32, #tpu.memory_space<vmem>>
    %dma_start3A_44 = arith.constant 0 : i32
    %dma_start3A_45 = arith.constant 0 : i32
    %dma_start3A_46 = tpu.memref_slice %arg2[%dma_start3A_44, %dma_start3A_45] : memref<20000x128xf32, #tpu.memory_space<hbm>> -> memref<20000x128xf32, #tpu.memory_space<hbm>>
    tpu.enqueue_indirect_dma source(%dma_start3A_46 : memref<20000x128xf32, #tpu.memory_space<hbm>>) target(%dma_start3A_41 : memref<32x128xf32, #tpu.memory_space<vmem>>) offsets(%dma_start3A_43 : memref<32xi32, #tpu.memory_space<vmem>>) semaphore(%arg13 : memref<!tpu.dma_semaphore, #tpu.memory_space<semaphore_mem>>)
    %dma_start3A_47 = arith.constant 32 : i32
    %dma_start3A_48 = arith.constant 0 : i32
    %dma_start3A_49 = tpu.memref_slice %arg11[%dma_start3A_47, %dma_start3A_48] : memref<128x128xf32, #tpu.memory_space<vmem>> -> memref<32x128xf32, #tpu.memory_space<vmem>>
    %dma_start3A_50 = arith.constant 32 : i32
    %dma_start3A_51 = tpu.memref_slice %arg7[%dma_start3A_50] : memref<128xi32, #tpu.memory_space<vmem>> -> memref<32xi32, #tpu.memory_space<vmem>>
    %dma_start3A_52 = arith.constant 0 : i32
    %dma_start3A_53 = arith.constant 0 : i32
    %dma_start3A_54 = tpu.memref_slice %arg2[%dma_start3A_52, %dma_start3A_53] : memref<20000x128xf32, #tpu.memory_space<hbm>> -> memref<20000x128xf32, #tpu.memory_space<hbm>>
    tpu.enqueue_indirect_dma source(%dma_start3A_54 : memref<20000x128xf32, #tpu.memory_space<hbm>>) target(%dma_start3A_49 : memref<32x128xf32, #tpu.memory_space<vmem>>) offsets(%dma_start3A_51 : memref<32xi32, #tpu.memory_space<vmem>>) semaphore(%arg13 : memref<!tpu.dma_semaphore, #tpu.memory_space<semaphore_mem>>)
    %dma_start3A_55 = arith.constant 64 : i32
    %dma_start3A_56 = arith.constant 0 : i32
    %dma_start3A_57 = tpu.memref_slice %arg11[%dma_start3A_55, %dma_start3A_56] : memref<128x128xf32, #tpu.memory_space<vmem>> -> memref<32x128xf32, #tpu.memory_space<vmem>>
    %dma_start3A_58 = arith.constant 64 : i32
    %dma_start3A_59 = tpu.memref_slice %arg7[%dma_start3A_58] : memref<128xi32, #tpu.memory_space<vmem>> -> memref<32xi32, #tpu.memory_space<vmem>>
    %dma_start3A_60 = arith.constant 0 : i32
    %dma_start3A_61 = arith.constant 0 : i32
    %dma_start3A_62 = tpu.memref_slice %arg2[%dma_start3A_60, %dma_start3A_61] : memref<20000x128xf32, #tpu.memory_space<hbm>> -> memref<20000x128xf32, #tpu.memory_space<hbm>>
    tpu.enqueue_indirect_dma source(%dma_start3A_62 : memref<20000x128xf32, #tpu.memory_space<hbm>>) target(%dma_start3A_57 : memref<32x128xf32, #tpu.memory_space<vmem>>) offsets(%dma_start3A_59 : memref<32xi32, #tpu.memory_space<vmem>>) semaphore(%arg13 : memref<!tpu.dma_semaphore, #tpu.memory_space<semaphore_mem>>)
    %dma_start3A_63 = arith.constant 96 : i32
    %dma_start3A_64 = arith.constant 0 : i32
    %dma_start3A_65 = tpu.memref_slice %arg11[%dma_start3A_63, %dma_start3A_64] : memref<128x128xf32, #tpu.memory_space<vmem>> -> memref<32x128xf32, #tpu.memory_space<vmem>>
    %dma_start3A_66 = arith.constant 96 : i32
    %dma_start3A_67 = tpu.memref_slice %arg7[%dma_start3A_66] : memref<128xi32, #tpu.memory_space<vmem>> -> memref<32xi32, #tpu.memory_space<vmem>>
    %dma_start3A_68 = arith.constant 0 : i32
    %dma_start3A_69 = arith.constant 0 : i32
    %dma_start3A_70 = tpu.memref_slice %arg2[%dma_start3A_68, %dma_start3A_69] : memref<20000x128xf32, #tpu.memory_space<hbm>> -> memref<20000x128xf32, #tpu.memory_space<hbm>>
    tpu.enqueue_indirect_dma source(%dma_start3A_70 : memref<20000x128xf32, #tpu.memory_space<hbm>>) target(%dma_start3A_65 : memref<32x128xf32, #tpu.memory_space<vmem>>) offsets(%dma_start3A_67 : memref<32xi32, #tpu.memory_space<vmem>>) semaphore(%arg13 : memref<!tpu.dma_semaphore, #tpu.memory_space<semaphore_mem>>)
    %scan3A = arith.constant 0 : i32
    %scan3A_71 = arith.constant 0 : i32
    %scan3A_72 = arith.constant 79 : i32
    %scan3A_73 = arith.addi %scan3A_71, %scan3A_72 : i32
    %scan3A_74 = arith.constant 1 : i32
    scf.for %scan3A_82 = %scan3A_71 to %scan3A_73 step %scan3A_74  : i32 {
      %mul3A_83 = arith.constant 2 : i32
      %mul3A_84 = arith.muli %scan3A_82, %mul3A_83 : i32
      %add3A_85 = arith.constant 0 : i32
      %add3A_86 = arith.addi %mul3A_84, %add3A_85 : i32
      %add3A_87 = arith.constant 1 : i32
      %add3A_88 = arith.addi %add3A_86, %add3A_87 : i32
      %lt3A_89 = arith.constant 158 : i32
      %lt3A_90 = arith.cmpi slt, %add3A_88, %lt3A_89 : i32
      %convert_element_type3A_91 = arith.extui %lt3A_90 : i1 to i32
      %cond3A_92 = arith.constant 0 : i32
      %cond3A_93 = arith.cmpi ne, %convert_element_type3A_91, %cond3A_92 : i32
      scf.if %cond3A_93 {
        %add3A_181 = arith.constant 1 : i32
        %add3A_182 = arith.addi %add3A_86, %add3A_181 : i32
        %mul3A_183 = arith.constant 128 : i32
        %mul3A_184 = arith.muli %add3A_182, %mul3A_183 : i32
        %dma_wait3A_185 = tpu.memref_slice %arg3[%arg0, %arg1, %mul3A_184] : memref<2x16x20224xi32, #tpu.memory_space<hbm>> -> memref<1x1x128xi32, #tpu.memory_space<hbm>>
        %dma_wait3A_186 = tpu.memref_squeeze %dma_wait3A_185 : memref<1x1x128xi32, #tpu.memory_space<hbm>> -> memref<128xi32, #tpu.memory_space<hbm>>
        %dma_wait3A_187 = tpu.memref_slice %arg3[%arg0, %arg1, %mul3A_184] : memref<2x16x20224xi32, #tpu.memory_space<hbm>> -> memref<1x1x128xi32, #tpu.memory_space<hbm>>
        %dma_wait3A_188 = tpu.memref_squeeze %dma_wait3A_187 : memref<1x1x128xi32, #tpu.memory_space<hbm>> -> memref<128xi32, #tpu.memory_space<hbm>>
        tpu.wait_dma2 semaphore(%arg16 : memref<!tpu.dma_semaphore, #tpu.memory_space<semaphore_mem>>) src(%dma_wait3A_188 : memref<128xi32, #tpu.memory_space<hbm>>) dst(%arg8 : memref<128xi32, #tpu.memory_space<vmem>>)
        %mul3A_189 = arith.constant 128 : i32
        %mul3A_190 = arith.muli %add3A_182, %mul3A_189 : i32
        %dma_wait3A_191 = tpu.memref_slice %arg4[%arg1, %mul3A_190] : memref<16x20224xi32, #tpu.memory_space<hbm>> -> memref<1x128xi32, #tpu.memory_space<hbm>>
        %dma_wait3A_192 = tpu.memref_squeeze %dma_wait3A_191 : memref<1x128xi32, #tpu.memory_space<hbm>> -> memref<128xi32, #tpu.memory_space<hbm>>
        %dma_wait3A_193 = tpu.memref_slice %arg4[%arg1, %mul3A_190] : memref<16x20224xi32, #tpu.memory_space<hbm>> -> memref<1x128xi32, #tpu.memory_space<hbm>>
        %dma_wait3A_194 = tpu.memref_squeeze %dma_wait3A_193 : memref<1x128xi32, #tpu.memory_space<hbm>> -> memref<128xi32, #tpu.memory_space<hbm>>
        tpu.wait_dma2 semaphore(%arg18 : memref<!tpu.dma_semaphore, #tpu.memory_space<semaphore_mem>>) src(%dma_wait3A_194 : memref<128xi32, #tpu.memory_space<hbm>>) dst(%arg10 : memref<128xi32, #tpu.memory_space<vmem>>)
        %dma_start3A_195 = arith.constant 0 : i32
        %dma_start3A_196 = arith.constant 0 : i32
        %dma_start3A_197 = tpu.memref_slice %arg12[%dma_start3A_195, %dma_start3A_196] : memref<128x128xf32, #tpu.memory_space<vmem>> -> memref<32x128xf32, #tpu.memory_space<vmem>>
        %dma_start3A_198 = arith.constant 0 : i32
        %dma_start3A_199 = tpu.memref_slice %arg8[%dma_start3A_198] : memref<128xi32, #tpu.memory_space<vmem>> -> memref<32xi32, #tpu.memory_space<vmem>>
        %dma_start3A_200 = arith.constant 0 : i32
        %dma_start3A_201 = arith.constant 0 : i32
        %dma_start3A_202 = tpu.memref_slice %arg2[%dma_start3A_200, %dma_start3A_201] : memref<20000x128xf32, #tpu.memory_space<hbm>> -> memref<20000x128xf32, #tpu.memory_space<hbm>>
        tpu.enqueue_indirect_dma source(%dma_start3A_202 : memref<20000x128xf32, #tpu.memory_space<hbm>>) target(%dma_start3A_197 : memref<32x128xf32, #tpu.memory_space<vmem>>) offsets(%dma_start3A_199 : memref<32xi32, #tpu.memory_space<vmem>>) semaphore(%arg14 : memref<!tpu.dma_semaphore, #tpu.memory_space<semaphore_mem>>)
        %dma_start3A_203 = arith.constant 32 : i32
        %dma_start3A_204 = arith.constant 0 : i32
        %dma_start3A_205 = tpu.memref_slice %arg12[%dma_start3A_203, %dma_start3A_204] : memref<128x128xf32, #tpu.memory_space<vmem>> -> memref<32x128xf32, #tpu.memory_space<vmem>>
        %dma_start3A_206 = arith.constant 32 : i32
        %dma_start3A_207 = tpu.memref_slice %arg8[%dma_start3A_206] : memref<128xi32, #tpu.memory_space<vmem>> -> memref<32xi32, #tpu.memory_space<vmem>>
        %dma_start3A_208 = arith.constant 0 : i32
        %dma_start3A_209 = arith.constant 0 : i32
        %dma_start3A_210 = tpu.memref_slice %arg2[%dma_start3A_208, %dma_start3A_209] : memref<20000x128xf32, #tpu.memory_space<hbm>> -> memref<20000x128xf32, #tpu.memory_space<hbm>>
        tpu.enqueue_indirect_dma source(%dma_start3A_210 : memref<20000x128xf32, #tpu.memory_space<hbm>>) target(%dma_start3A_205 : memref<32x128xf32, #tpu.memory_space<vmem>>) offsets(%dma_start3A_207 : memref<32xi32, #tpu.memory_space<vmem>>) semaphore(%arg14 : memref<!tpu.dma_semaphore, #tpu.memory_space<semaphore_mem>>)
        %dma_start3A_211 = arith.constant 64 : i32
        %dma_start3A_212 = arith.constant 0 : i32
        %dma_start3A_213 = tpu.memref_slice %arg12[%dma_start3A_211, %dma_start3A_212] : memref<128x128xf32, #tpu.memory_space<vmem>> -> memref<32x128xf32, #tpu.memory_space<vmem>>
        %dma_start3A_214 = arith.constant 64 : i32
        %dma_start3A_215 = tpu.memref_slice %arg8[%dma_start3A_214] : memref<128xi32, #tpu.memory_space<vmem>> -> memref<32xi32, #tpu.memory_space<vmem>>
        %dma_start3A_216 = arith.constant 0 : i32
        %dma_start3A_217 = arith.constant 0 : i32
        %dma_start3A_218 = tpu.memref_slice %arg2[%dma_start3A_216, %dma_start3A_217] : memref<20000x128xf32, #tpu.memory_space<hbm>> -> memref<20000x128xf32, #tpu.memory_space<hbm>>
        tpu.enqueue_indirect_dma source(%dma_start3A_218 : memref<20000x128xf32, #tpu.memory_space<hbm>>) target(%dma_start3A_213 : memref<32x128xf32, #tpu.memory_space<vmem>>) offsets(%dma_start3A_215 : memref<32xi32, #tpu.memory_space<vmem>>) semaphore(%arg14 : memref<!tpu.dma_semaphore, #tpu.memory_space<semaphore_mem>>)
        %dma_start3A_219 = arith.constant 96 : i32
        %dma_start3A_220 = arith.constant 0 : i32
        %dma_start3A_221 = tpu.memref_slice %arg12[%dma_start3A_219, %dma_start3A_220] : memref<128x128xf32, #tpu.memory_space<vmem>> -> memref<32x128xf32, #tpu.memory_space<vmem>>
        %dma_start3A_222 = arith.constant 96 : i32
        %dma_start3A_223 = tpu.memref_slice %arg8[%dma_start3A_222] : memref<128xi32, #tpu.memory_space<vmem>> -> memref<32xi32, #tpu.memory_space<vmem>>
        %dma_start3A_224 = arith.constant 0 : i32
        %dma_start3A_225 = arith.constant 0 : i32
        %dma_start3A_226 = tpu.memref_slice %arg2[%dma_start3A_224, %dma_start3A_225] : memref<20000x128xf32, #tpu.memory_space<hbm>> -> memref<20000x128xf32, #tpu.memory_space<hbm>>
        tpu.enqueue_indirect_dma source(%dma_start3A_226 : memref<20000x128xf32, #tpu.memory_space<hbm>>) target(%dma_start3A_221 : memref<32x128xf32, #tpu.memory_space<vmem>>) offsets(%dma_start3A_223 : memref<32xi32, #tpu.memory_space<vmem>>) semaphore(%arg14 : memref<!tpu.dma_semaphore, #tpu.memory_space<semaphore_mem>>)
      } else {
      }
      %dma_wait3A_94 = arith.constant 0 : i32
      %dma_wait3A_95 = arith.constant 0 : i32
      %dma_wait3A_96 = tpu.memref_slice %arg11[%dma_wait3A_94, %dma_wait3A_95] : memref<128x128xf32, #tpu.memory_space<vmem>> -> memref<32x128xf32, #tpu.memory_space<vmem>>
      %dma_wait3A_97 = arith.constant 0 : i32
      %dma_wait3A_98 = tpu.memref_slice %arg7[%dma_wait3A_97] : memref<128xi32, #tpu.memory_space<vmem>> -> memref<32xi32, #tpu.memory_space<vmem>>
      %dma_wait3A_99 = arith.constant 0 : i32
      %dma_wait3A_100 = arith.constant 0 : i32
      %dma_wait3A_101 = tpu.memref_slice %arg2[%dma_wait3A_99, %dma_wait3A_100] : memref<20000x128xf32, #tpu.memory_space<hbm>> -> memref<20000x128xf32, #tpu.memory_space<hbm>>
      tpu.wait_indirect_dma semaphore(%arg13 : memref<!tpu.dma_semaphore, #tpu.memory_space<semaphore_mem>>) src(%dma_wait3A_101 : memref<20000x128xf32, #tpu.memory_space<hbm>>) dst(%dma_wait3A_96 : memref<32x128xf32, #tpu.memory_space<vmem>>)
      %dma_wait3A_102 = arith.constant 32 : i32
      %dma_wait3A_103 = arith.constant 0 : i32
      %dma_wait3A_104 = tpu.memref_slice %arg11[%dma_wait3A_102, %dma_wait3A_103] : memref<128x128xf32, #tpu.memory_space<vmem>> -> memref<32x128xf32, #tpu.memory_space<vmem>>
      %dma_wait3A_105 = arith.constant 32 : i32
      %dma_wait3A_106 = tpu.memref_slice %arg7[%dma_wait3A_105] : memref<128xi32, #tpu.memory_space<vmem>> -> memref<32xi32, #tpu.memory_space<vmem>>
      %dma_wait3A_107 = arith.constant 0 : i32
      %dma_wait3A_108 = arith.constant 0 : i32
      %dma_wait3A_109 = tpu.memref_slice %arg2[%dma_wait3A_107, %dma_wait3A_108] : memref<20000x128xf32, #tpu.memory_space<hbm>> -> memref<20000x128xf32, #tpu.memory_space<hbm>>
      tpu.wait_indirect_dma semaphore(%arg13 : memref<!tpu.dma_semaphore, #tpu.memory_space<semaphore_mem>>) src(%dma_wait3A_109 : memref<20000x128xf32, #tpu.memory_space<hbm>>) dst(%dma_wait3A_104 : memref<32x128xf32, #tpu.memory_space<vmem>>)
      %dma_wait3A_110 = arith.constant 64 : i32
      %dma_wait3A_111 = arith.constant 0 : i32
      %dma_wait3A_112 = tpu.memref_slice %arg11[%dma_wait3A_110, %dma_wait3A_111] : memref<128x128xf32, #tpu.memory_space<vmem>> -> memref<32x128xf32, #tpu.memory_space<vmem>>
      %dma_wait3A_113 = arith.constant 64 : i32
      %dma_wait3A_114 = tpu.memref_slice %arg7[%dma_wait3A_113] : memref<128xi32, #tpu.memory_space<vmem>> -> memref<32xi32, #tpu.memory_space<vmem>>
      %dma_wait3A_115 = arith.constant 0 : i32
      %dma_wait3A_116 = arith.constant 0 : i32
      %dma_wait3A_117 = tpu.memref_slice %arg2[%dma_wait3A_115, %dma_wait3A_116] : memref<20000x128xf32, #tpu.memory_space<hbm>> -> memref<20000x128xf32, #tpu.memory_space<hbm>>
      tpu.wait_indirect_dma semaphore(%arg13 : memref<!tpu.dma_semaphore, #tpu.memory_space<semaphore_mem>>) src(%dma_wait3A_117 : memref<20000x128xf32, #tpu.memory_space<hbm>>) dst(%dma_wait3A_112 : memref<32x128xf32, #tpu.memory_space<vmem>>)
      %dma_wait3A_118 = arith.constant 96 : i32
      %dma_wait3A_119 = arith.constant 0 : i32
      %dma_wait3A_120 = tpu.memref_slice %arg11[%dma_wait3A_118, %dma_wait3A_119] : memref<128x128xf32, #tpu.memory_space<vmem>> -> memref<32x128xf32, #tpu.memory_space<vmem>>
      %dma_wait3A_121 = arith.constant 96 : i32
      %dma_wait3A_122 = tpu.memref_slice %arg7[%dma_wait3A_121] : memref<128xi32, #tpu.memory_space<vmem>> -> memref<32xi32, #tpu.memory_space<vmem>>
      %dma_wait3A_123 = arith.constant 0 : i32
      %dma_wait3A_124 = arith.constant 0 : i32
      %dma_wait3A_125 = tpu.memref_slice %arg2[%dma_wait3A_123, %dma_wait3A_124] : memref<20000x128xf32, #tpu.memory_space<hbm>> -> memref<20000x128xf32, #tpu.memory_space<hbm>>
      tpu.wait_indirect_dma semaphore(%arg13 : memref<!tpu.dma_semaphore, #tpu.memory_space<semaphore_mem>>) src(%dma_wait3A_125 : memref<20000x128xf32, #tpu.memory_space<hbm>>) dst(%dma_wait3A_120 : memref<32x128xf32, #tpu.memory_space<vmem>>)
      "tpu.region"() ({
        %run_scoped3A = tpu.sem_alloc : memref<!tpu.dma_semaphore, #tpu.memory_space<semaphore_mem>>
        %dma_start3A_181 = arith.constant 0 : i32
        %dma_start3A_182 = arith.constant 0 : i32
        %dma_start3A_183 = tpu.memref_slice %arg6[%dma_start3A_181, %dma_start3A_182] : memref<10008x128xf32, #tpu.memory_space<vmem_shared>> -> memref<10008x128xf32, #tpu.memory_space<vmem_shared>>
        tpu.enqueue_indirect_dma source(%arg11 : memref<128x128xf32, #tpu.memory_space<vmem>>) target(%dma_start3A_183 : memref<10008x128xf32, #tpu.memory_space<vmem_shared>>) offsets(%arg9 : memref<128xi32, #tpu.memory_space<vmem>>) semaphore(%run_scoped3A : memref<!tpu.dma_semaphore, #tpu.memory_space<semaphore_mem>>) {add = true}
        %dma_wait3A_184 = arith.constant 0 : i32
        %dma_wait3A_185 = arith.constant 0 : i32
        %dma_wait3A_186 = tpu.memref_slice %arg6[%dma_wait3A_184, %dma_wait3A_185] : memref<10008x128xf32, #tpu.memory_space<vmem_shared>> -> memref<10008x128xf32, #tpu.memory_space<vmem_shared>>
        tpu.wait_indirect_dma semaphore(%run_scoped3A : memref<!tpu.dma_semaphore, #tpu.memory_space<semaphore_mem>>) src(%arg11 : memref<128x128xf32, #tpu.memory_space<vmem>>) dst(%dma_wait3A_186 : memref<10008x128xf32, #tpu.memory_space<vmem_shared>>)
        tpu.yield
      }) : () -> ()
      %add3A_126 = arith.constant 2 : i32
      %add3A_127 = arith.addi %add3A_86, %add3A_126 : i32
      %lt3A_128 = arith.constant 158 : i32
      %lt3A_129 = arith.cmpi slt, %add3A_127, %lt3A_128 : i32
      %convert_element_type3A_130 = arith.extui %lt3A_129 : i1 to i32
      %cond3A_131 = arith.constant 0 : i32
      %cond3A_132 = arith.cmpi ne, %convert_element_type3A_130, %cond3A_131 : i32
      scf.if %cond3A_132 {
        %add3A_181 = arith.constant 2 : i32
        %add3A_182 = arith.addi %add3A_86, %add3A_181 : i32
        %mul3A_183 = arith.constant 128 : i32
        %mul3A_184 = arith.muli %add3A_182, %mul3A_183 : i32
        %dma_start3A_185 = tpu.memref_slice %arg3[%arg0, %arg1, %mul3A_184] : memref<2x16x20224xi32, #tpu.memory_space<hbm>> -> memref<1x1x128xi32, #tpu.memory_space<hbm>>
        %dma_start3A_186 = tpu.memref_squeeze %dma_start3A_185 : memref<1x1x128xi32, #tpu.memory_space<hbm>> -> memref<128xi32, #tpu.memory_space<hbm>>
        %dma_start3A_187 = tpu.memref_slice %arg3[%arg0, %arg1, %mul3A_184] : memref<2x16x20224xi32, #tpu.memory_space<hbm>> -> memref<1x1x128xi32, #tpu.memory_space<hbm>>
        %dma_start3A_188 = tpu.memref_squeeze %dma_start3A_187 : memref<1x1x128xi32, #tpu.memory_space<hbm>> -> memref<128xi32, #tpu.memory_space<hbm>>
        tpu.enqueue_dma source(%dma_start3A_188 : memref<128xi32, #tpu.memory_space<hbm>>) target(%arg7 : memref<128xi32, #tpu.memory_space<vmem>>) target_semaphore(%arg15 : memref<!tpu.dma_semaphore, #tpu.memory_space<semaphore_mem>>)
        %mul3A_189 = arith.constant 128 : i32
        %mul3A_190 = arith.muli %add3A_182, %mul3A_189 : i32
        %dma_start3A_191 = tpu.memref_slice %arg4[%arg1, %mul3A_190] : memref<16x20224xi32, #tpu.memory_space<hbm>> -> memref<1x128xi32, #tpu.memory_space<hbm>>
        %dma_start3A_192 = tpu.memref_squeeze %dma_start3A_191 : memref<1x128xi32, #tpu.memory_space<hbm>> -> memref<128xi32, #tpu.memory_space<hbm>>
        %dma_start3A_193 = tpu.memref_slice %arg4[%arg1, %mul3A_190] : memref<16x20224xi32, #tpu.memory_space<hbm>> -> memref<1x128xi32, #tpu.memory_space<hbm>>
        %dma_start3A_194 = tpu.memref_squeeze %dma_start3A_193 : memref<1x128xi32, #tpu.memory_space<hbm>> -> memref<128xi32, #tpu.memory_space<hbm>>
        tpu.enqueue_dma source(%dma_start3A_194 : memref<128xi32, #tpu.memory_space<hbm>>) target(%arg9 : memref<128xi32, #tpu.memory_space<vmem>>) target_semaphore(%arg17 : memref<!tpu.dma_semaphore, #tpu.memory_space<semaphore_mem>>)
      } else {
      }
      %add3A_133 = arith.constant 1 : i32
      %add3A_134 = arith.addi %mul3A_84, %add3A_133 : i32
      %add3A_135 = arith.constant 1 : i32
      %add3A_136 = arith.addi %add3A_134, %add3A_135 : i32
      %lt3A_137 = arith.constant 158 : i32
      %lt3A_138 = arith.cmpi slt, %add3A_136, %lt3A_137 : i32
      %convert_element_type3A_139 = arith.extui %lt3A_138 : i1 to i32
      %cond3A_140 = arith.constant 0 : i32
      %cond3A_141 = arith.cmpi ne, %convert_element_type3A_139, %cond3A_140 : i32
      scf.if %cond3A_141 {
        %add3A_181 = arith.constant 1 : i32
        %add3A_182 = arith.addi %add3A_134, %add3A_181 : i32
        %mul3A_183 = arith.constant 128 : i32
        %mul3A_184 = arith.muli %add3A_182, %mul3A_183 : i32
        %dma_wait3A_185 = tpu.memref_slice %arg3[%arg0, %arg1, %mul3A_184] : memref<2x16x20224xi32, #tpu.memory_space<hbm>> -> memref<1x1x128xi32, #tpu.memory_space<hbm>>
        %dma_wait3A_186 = tpu.memref_squeeze %dma_wait3A_185 : memref<1x1x128xi32, #tpu.memory_space<hbm>> -> memref<128xi32, #tpu.memory_space<hbm>>
        %dma_wait3A_187 = tpu.memref_slice %arg3[%arg0, %arg1, %mul3A_184] : memref<2x16x20224xi32, #tpu.memory_space<hbm>> -> memref<1x1x128xi32, #tpu.memory_space<hbm>>
        %dma_wait3A_188 = tpu.memref_squeeze %dma_wait3A_187 : memref<1x1x128xi32, #tpu.memory_space<hbm>> -> memref<128xi32, #tpu.memory_space<hbm>>
        tpu.wait_dma2 semaphore(%arg15 : memref<!tpu.dma_semaphore, #tpu.memory_space<semaphore_mem>>) src(%dma_wait3A_188 : memref<128xi32, #tpu.memory_space<hbm>>) dst(%arg7 : memref<128xi32, #tpu.memory_space<vmem>>)
        %mul3A_189 = arith.constant 128 : i32
        %mul3A_190 = arith.muli %add3A_182, %mul3A_189 : i32
        %dma_wait3A_191 = tpu.memref_slice %arg4[%arg1, %mul3A_190] : memref<16x20224xi32, #tpu.memory_space<hbm>> -> memref<1x128xi32, #tpu.memory_space<hbm>>
        %dma_wait3A_192 = tpu.memref_squeeze %dma_wait3A_191 : memref<1x128xi32, #tpu.memory_space<hbm>> -> memref<128xi32, #tpu.memory_space<hbm>>
        %dma_wait3A_193 = tpu.memref_slice %arg4[%arg1, %mul3A_190] : memref<16x20224xi32, #tpu.memory_space<hbm>> -> memref<1x128xi32, #tpu.memory_space<hbm>>
        %dma_wait3A_194 = tpu.memref_squeeze %dma_wait3A_193 : memref<1x128xi32, #tpu.memory_space<hbm>> -> memref<128xi32, #tpu.memory_space<hbm>>
        tpu.wait_dma2 semaphore(%arg17 : memref<!tpu.dma_semaphore, #tpu.memory_space<semaphore_mem>>) src(%dma_wait3A_194 : memref<128xi32, #tpu.memory_space<hbm>>) dst(%arg9 : memref<128xi32, #tpu.memory_space<vmem>>)
        %dma_start3A_195 = arith.constant 0 : i32
        %dma_start3A_196 = arith.constant 0 : i32
        %dma_start3A_197 = tpu.memref_slice %arg11[%dma_start3A_195, %dma_start3A_196] : memref<128x128xf32, #tpu.memory_space<vmem>> -> memref<32x128xf32, #tpu.memory_space<vmem>>
        %dma_start3A_198 = arith.constant 0 : i32
        %dma_start3A_199 = tpu.memref_slice %arg7[%dma_start3A_198] : memref<128xi32, #tpu.memory_space<vmem>> -> memref<32xi32, #tpu.memory_space<vmem>>
        %dma_start3A_200 = arith.constant 0 : i32
        %dma_start3A_201 = arith.constant 0 : i32
        %dma_start3A_202 = tpu.memref_slice %arg2[%dma_start3A_200, %dma_start3A_201] : memref<20000x128xf32, #tpu.memory_space<hbm>> -> memref<20000x128xf32, #tpu.memory_space<hbm>>
        tpu.enqueue_indirect_dma source(%dma_start3A_202 : memref<20000x128xf32, #tpu.memory_space<hbm>>) target(%dma_start3A_197 : memref<32x128xf32, #tpu.memory_space<vmem>>) offsets(%dma_start3A_199 : memref<32xi32, #tpu.memory_space<vmem>>) semaphore(%arg13 : memref<!tpu.dma_semaphore, #tpu.memory_space<semaphore_mem>>)
        %dma_start3A_203 = arith.constant 32 : i32
        %dma_start3A_204 = arith.constant 0 : i32
        %dma_start3A_205 = tpu.memref_slice %arg11[%dma_start3A_203, %dma_start3A_204] : memref<128x128xf32, #tpu.memory_space<vmem>> -> memref<32x128xf32, #tpu.memory_space<vmem>>
        %dma_start3A_206 = arith.constant 32 : i32
        %dma_start3A_207 = tpu.memref_slice %arg7[%dma_start3A_206] : memref<128xi32, #tpu.memory_space<vmem>> -> memref<32xi32, #tpu.memory_space<vmem>>
        %dma_start3A_208 = arith.constant 0 : i32
        %dma_start3A_209 = arith.constant 0 : i32
        %dma_start3A_210 = tpu.memref_slice %arg2[%dma_start3A_208, %dma_start3A_209] : memref<20000x128xf32, #tpu.memory_space<hbm>> -> memref<20000x128xf32, #tpu.memory_space<hbm>>
        tpu.enqueue_indirect_dma source(%dma_start3A_210 : memref<20000x128xf32, #tpu.memory_space<hbm>>) target(%dma_start3A_205 : memref<32x128xf32, #tpu.memory_space<vmem>>) offsets(%dma_start3A_207 : memref<32xi32, #tpu.memory_space<vmem>>) semaphore(%arg13 : memref<!tpu.dma_semaphore, #tpu.memory_space<semaphore_mem>>)
        %dma_start3A_211 = arith.constant 64 : i32
        %dma_start3A_212 = arith.constant 0 : i32
        %dma_start3A_213 = tpu.memref_slice %arg11[%dma_start3A_211, %dma_start3A_212] : memref<128x128xf32, #tpu.memory_space<vmem>> -> memref<32x128xf32, #tpu.memory_space<vmem>>
        %dma_start3A_214 = arith.constant 64 : i32
        %dma_start3A_215 = tpu.memref_slice %arg7[%dma_start3A_214] : memref<128xi32, #tpu.memory_space<vmem>> -> memref<32xi32, #tpu.memory_space<vmem>>
        %dma_start3A_216 = arith.constant 0 : i32
        %dma_start3A_217 = arith.constant 0 : i32
        %dma_start3A_218 = tpu.memref_slice %arg2[%dma_start3A_216, %dma_start3A_217] : memref<20000x128xf32, #tpu.memory_space<hbm>> -> memref<20000x128xf32, #tpu.memory_space<hbm>>
        tpu.enqueue_indirect_dma source(%dma_start3A_218 : memref<20000x128xf32, #tpu.memory_space<hbm>>) target(%dma_start3A_213 : memref<32x128xf32, #tpu.memory_space<vmem>>) offsets(%dma_start3A_215 : memref<32xi32, #tpu.memory_space<vmem>>) semaphore(%arg13 : memref<!tpu.dma_semaphore, #tpu.memory_space<semaphore_mem>>)
        %dma_start3A_219 = arith.constant 96 : i32
        %dma_start3A_220 = arith.constant 0 : i32
        %dma_start3A_221 = tpu.memref_slice %arg11[%dma_start3A_219, %dma_start3A_220] : memref<128x128xf32, #tpu.memory_space<vmem>> -> memref<32x128xf32, #tpu.memory_space<vmem>>
        %dma_start3A_222 = arith.constant 96 : i32
        %dma_start3A_223 = tpu.memref_slice %arg7[%dma_start3A_222] : memref<128xi32, #tpu.memory_space<vmem>> -> memref<32xi32, #tpu.memory_space<vmem>>
        %dma_start3A_224 = arith.constant 0 : i32
        %dma_start3A_225 = arith.constant 0 : i32
        %dma_start3A_226 = tpu.memref_slice %arg2[%dma_start3A_224, %dma_start3A_225] : memref<20000x128xf32, #tpu.memory_space<hbm>> -> memref<20000x128xf32, #tpu.memory_space<hbm>>
        tpu.enqueue_indirect_dma source(%dma_start3A_226 : memref<20000x128xf32, #tpu.memory_space<hbm>>) target(%dma_start3A_221 : memref<32x128xf32, #tpu.memory_space<vmem>>) offsets(%dma_start3A_223 : memref<32xi32, #tpu.memory_space<vmem>>) semaphore(%arg13 : memref<!tpu.dma_semaphore, #tpu.memory_space<semaphore_mem>>)
      } else {
      }
      %dma_wait3A_142 = arith.constant 0 : i32
      %dma_wait3A_143 = arith.constant 0 : i32
      %dma_wait3A_144 = tpu.memref_slice %arg12[%dma_wait3A_142, %dma_wait3A_143] : memref<128x128xf32, #tpu.memory_space<vmem>> -> memref<32x128xf32, #tpu.memory_space<vmem>>
      %dma_wait3A_145 = arith.constant 0 : i32
      %dma_wait3A_146 = tpu.memref_slice %arg8[%dma_wait3A_145] : memref<128xi32, #tpu.memory_space<vmem>> -> memref<32xi32, #tpu.memory_space<vmem>>
      %dma_wait3A_147 = arith.constant 0 : i32
      %dma_wait3A_148 = arith.constant 0 : i32
      %dma_wait3A_149 = tpu.memref_slice %arg2[%dma_wait3A_147, %dma_wait3A_148] : memref<20000x128xf32, #tpu.memory_space<hbm>> -> memref<20000x128xf32, #tpu.memory_space<hbm>>
      tpu.wait_indirect_dma semaphore(%arg14 : memref<!tpu.dma_semaphore, #tpu.memory_space<semaphore_mem>>) src(%dma_wait3A_149 : memref<20000x128xf32, #tpu.memory_space<hbm>>) dst(%dma_wait3A_144 : memref<32x128xf32, #tpu.memory_space<vmem>>)
      %dma_wait3A_150 = arith.constant 32 : i32
      %dma_wait3A_151 = arith.constant 0 : i32
      %dma_wait3A_152 = tpu.memref_slice %arg12[%dma_wait3A_150, %dma_wait3A_151] : memref<128x128xf32, #tpu.memory_space<vmem>> -> memref<32x128xf32, #tpu.memory_space<vmem>>
      %dma_wait3A_153 = arith.constant 32 : i32
      %dma_wait3A_154 = tpu.memref_slice %arg8[%dma_wait3A_153] : memref<128xi32, #tpu.memory_space<vmem>> -> memref<32xi32, #tpu.memory_space<vmem>>
      %dma_wait3A_155 = arith.constant 0 : i32
      %dma_wait3A_156 = arith.constant 0 : i32
      %dma_wait3A_157 = tpu.memref_slice %arg2[%dma_wait3A_155, %dma_wait3A_156] : memref<20000x128xf32, #tpu.memory_space<hbm>> -> memref<20000x128xf32, #tpu.memory_space<hbm>>
      tpu.wait_indirect_dma semaphore(%arg14 : memref<!tpu.dma_semaphore, #tpu.memory_space<semaphore_mem>>) src(%dma_wait3A_157 : memref<20000x128xf32, #tpu.memory_space<hbm>>) dst(%dma_wait3A_152 : memref<32x128xf32, #tpu.memory_space<vmem>>)
      %dma_wait3A_158 = arith.constant 64 : i32
      %dma_wait3A_159 = arith.constant 0 : i32
      %dma_wait3A_160 = tpu.memref_slice %arg12[%dma_wait3A_158, %dma_wait3A_159] : memref<128x128xf32, #tpu.memory_space<vmem>> -> memref<32x128xf32, #tpu.memory_space<vmem>>
      %dma_wait3A_161 = arith.constant 64 : i32
      %dma_wait3A_162 = tpu.memref_slice %arg8[%dma_wait3A_161] : memref<128xi32, #tpu.memory_space<vmem>> -> memref<32xi32, #tpu.memory_space<vmem>>
      %dma_wait3A_163 = arith.constant 0 : i32
      %dma_wait3A_164 = arith.constant 0 : i32
      %dma_wait3A_165 = tpu.memref_slice %arg2[%dma_wait3A_163, %dma_wait3A_164] : memref<20000x128xf32, #tpu.memory_space<hbm>> -> memref<20000x128xf32, #tpu.memory_space<hbm>>
      tpu.wait_indirect_dma semaphore(%arg14 : memref<!tpu.dma_semaphore, #tpu.memory_space<semaphore_mem>>) src(%dma_wait3A_165 : memref<20000x128xf32, #tpu.memory_space<hbm>>) dst(%dma_wait3A_160 : memref<32x128xf32, #tpu.memory_space<vmem>>)
      %dma_wait3A_166 = arith.constant 96 : i32
      %dma_wait3A_167 = arith.constant 0 : i32
      %dma_wait3A_168 = tpu.memref_slice %arg12[%dma_wait3A_166, %dma_wait3A_167] : memref<128x128xf32, #tpu.memory_space<vmem>> -> memref<32x128xf32, #tpu.memory_space<vmem>>
      %dma_wait3A_169 = arith.constant 96 : i32
      %dma_wait3A_170 = tpu.memref_slice %arg8[%dma_wait3A_169] : memref<128xi32, #tpu.memory_space<vmem>> -> memref<32xi32, #tpu.memory_space<vmem>>
      %dma_wait3A_171 = arith.constant 0 : i32
      %dma_wait3A_172 = arith.constant 0 : i32
      %dma_wait3A_173 = tpu.memref_slice %arg2[%dma_wait3A_171, %dma_wait3A_172] : memref<20000x128xf32, #tpu.memory_space<hbm>> -> memref<20000x128xf32, #tpu.memory_space<hbm>>
      tpu.wait_indirect_dma semaphore(%arg14 : memref<!tpu.dma_semaphore, #tpu.memory_space<semaphore_mem>>) src(%dma_wait3A_173 : memref<20000x128xf32, #tpu.memory_space<hbm>>) dst(%dma_wait3A_168 : memref<32x128xf32, #tpu.memory_space<vmem>>)
      "tpu.region"() ({
        %run_scoped3A = tpu.sem_alloc : memref<!tpu.dma_semaphore, #tpu.memory_space<semaphore_mem>>
        %dma_start3A_181 = arith.constant 0 : i32
        %dma_start3A_182 = arith.constant 0 : i32
        %dma_start3A_183 = tpu.memref_slice %arg6[%dma_start3A_181, %dma_start3A_182] : memref<10008x128xf32, #tpu.memory_space<vmem_shared>> -> memref<10008x128xf32, #tpu.memory_space<vmem_shared>>
        tpu.enqueue_indirect_dma source(%arg12 : memref<128x128xf32, #tpu.memory_space<vmem>>) target(%dma_start3A_183 : memref<10008x128xf32, #tpu.memory_space<vmem_shared>>) offsets(%arg10 : memref<128xi32, #tpu.memory_space<vmem>>) semaphore(%run_scoped3A : memref<!tpu.dma_semaphore, #tpu.memory_space<semaphore_mem>>) {add = true}
        %dma_wait3A_184 = arith.constant 0 : i32
        %dma_wait3A_185 = arith.constant 0 : i32
        %dma_wait3A_186 = tpu.memref_slice %arg6[%dma_wait3A_184, %dma_wait3A_185] : memref<10008x128xf32, #tpu.memory_space<vmem_shared>> -> memref<10008x128xf32, #tpu.memory_space<vmem_shared>>
        tpu.wait_indirect_dma semaphore(%run_scoped3A : memref<!tpu.dma_semaphore, #tpu.memory_space<semaphore_mem>>) src(%arg12 : memref<128x128xf32, #tpu.memory_space<vmem>>) dst(%dma_wait3A_186 : memref<10008x128xf32, #tpu.memory_space<vmem_shared>>)
        tpu.yield
      }) : () -> ()
      %add3A_174 = arith.constant 2 : i32
      %add3A_175 = arith.addi %add3A_134, %add3A_174 : i32
      %lt3A_176 = arith.constant 158 : i32
      %lt3A_177 = arith.cmpi slt, %add3A_175, %lt3A_176 : i32
      %convert_element_type3A_178 = arith.extui %lt3A_177 : i1 to i32
      %cond3A_179 = arith.constant 0 : i32
      %cond3A_180 = arith.cmpi ne, %convert_element_type3A_178, %cond3A_179 : i32
      scf.if %cond3A_180 {
        %add3A_181 = arith.constant 2 : i32
        %add3A_182 = arith.addi %add3A_134, %add3A_181 : i32
        %mul3A_183 = arith.constant 128 : i32
        %mul3A_184 = arith.muli %add3A_182, %mul3A_183 : i32
        %dma_start3A_185 = tpu.memref_slice %arg3[%arg0, %arg1, %mul3A_184] : memref<2x16x20224xi32, #tpu.memory_space<hbm>> -> memref<1x1x128xi32, #tpu.memory_space<hbm>>
        %dma_start3A_186 = tpu.memref_squeeze %dma_start3A_185 : memref<1x1x128xi32, #tpu.memory_space<hbm>> -> memref<128xi32, #tpu.memory_space<hbm>>
        %dma_start3A_187 = tpu.memref_slice %arg3[%arg0, %arg1, %mul3A_184] : memref<2x16x20224xi32, #tpu.memory_space<hbm>> -> memref<1x1x128xi32, #tpu.memory_space<hbm>>
        %dma_start3A_188 = tpu.memref_squeeze %dma_start3A_187 : memref<1x1x128xi32, #tpu.memory_space<hbm>> -> memref<128xi32, #tpu.memory_space<hbm>>
        tpu.enqueue_dma source(%dma_start3A_188 : memref<128xi32, #tpu.memory_space<hbm>>) target(%arg8 : memref<128xi32, #tpu.memory_space<vmem>>) target_semaphore(%arg16 : memref<!tpu.dma_semaphore, #tpu.memory_space<semaphore_mem>>)
        %mul3A_189 = arith.constant 128 : i32
        %mul3A_190 = arith.muli %add3A_182, %mul3A_189 : i32
        %dma_start3A_191 = tpu.memref_slice %arg4[%arg1, %mul3A_190] : memref<16x20224xi32, #tpu.memory_space<hbm>> -> memref<1x128xi32, #tpu.memory_space<hbm>>
        %dma_start3A_192 = tpu.memref_squeeze %dma_start3A_191 : memref<1x128xi32, #tpu.memory_space<hbm>> -> memref<128xi32, #tpu.memory_space<hbm>>
        %dma_start3A_193 = tpu.memref_slice %arg4[%arg1, %mul3A_190] : memref<16x20224xi32, #tpu.memory_space<hbm>> -> memref<1x128xi32, #tpu.memory_space<hbm>>
        %dma_start3A_194 = tpu.memref_squeeze %dma_start3A_193 : memref<1x128xi32, #tpu.memory_space<hbm>> -> memref<128xi32, #tpu.memory_space<hbm>>
        tpu.enqueue_dma source(%dma_start3A_194 : memref<128xi32, #tpu.memory_space<hbm>>) target(%arg10 : memref<128xi32, #tpu.memory_space<vmem>>) target_semaphore(%arg18 : memref<!tpu.dma_semaphore, #tpu.memory_space<semaphore_mem>>)
      } else {
      }
    }
    %scan3A_75 = arith.constant 79 : i32
    %barrier3A_76 = arith.constant 0 : index
    tpu.barrier barrier_id(%barrier3A_76)
    "tpu.region"() ({
      %run_scoped3A = tpu.sem_alloc : memref<!tpu.dma_semaphore, #tpu.memory_space<semaphore_mem>>
      %dma_start3A_82 = arith.constant 0 : i32
      %dma_start3A_83 = tpu.memref_slice %arg5[%arg0, %mul3A_0, %dma_start3A_82] : memref<2x10000x128xf32, #tpu.memory_space<hbm>> -> memref<1x400x128xf32, #tpu.memory_space<hbm>>
      %dma_start3A_84 = tpu.memref_squeeze %dma_start3A_83 : memref<1x400x128xf32, #tpu.memory_space<hbm>> -> memref<400x128xf32, #tpu.memory_space<hbm>>
      %dma_start3A_85 = arith.constant 0 : i32
      %dma_start3A_86 = tpu.memref_slice %arg6[%mul3A_0, %dma_start3A_85] : memref<10008x128xf32, #tpu.memory_space<vmem_shared>> -> memref<400x128xf32, #tpu.memory_space<vmem_shared>>
      tpu.enqueue_dma source(%dma_start3A_86 : memref<400x128xf32, #tpu.memory_space<vmem_shared>>) target(%dma_start3A_84 : memref<400x128xf32, #tpu.memory_space<hbm>>) target_semaphore(%run_scoped3A : memref<!tpu.dma_semaphore, #tpu.memory_space<semaphore_mem>>)
      %dma_wait3A_87 = arith.constant 0 : i32
      %dma_wait3A_88 = tpu.memref_slice %arg5[%arg0, %mul3A_0, %dma_wait3A_87] : memref<2x10000x128xf32, #tpu.memory_space<hbm>> -> memref<1x400x128xf32, #tpu.memory_space<hbm>>
      %dma_wait3A_89 = tpu.memref_squeeze %dma_wait3A_88 : memref<1x400x128xf32, #tpu.memory_space<hbm>> -> memref<400x128xf32, #tpu.memory_space<hbm>>
      %dma_wait3A_90 = arith.constant 0 : i32
      %dma_wait3A_91 = tpu.memref_slice %arg6[%mul3A_0, %dma_wait3A_90] : memref<10008x128xf32, #tpu.memory_space<vmem_shared>> -> memref<400x128xf32, #tpu.memory_space<vmem_shared>>
      tpu.wait_dma2 semaphore(%run_scoped3A : memref<!tpu.dma_semaphore, #tpu.memory_space<semaphore_mem>>) src(%dma_wait3A_91 : memref<400x128xf32, #tpu.memory_space<vmem_shared>>) dst(%dma_wait3A_89 : memref<400x128xf32, #tpu.memory_space<hbm>>)
      tpu.yield
    }) : () -> ()
    %lt3A_77 = arith.constant 15 : i32
    %lt3A_78 = arith.cmpi slt, %arg1, %lt3A_77 : i32
    %convert_element_type3A_79 = arith.extui %lt3A_78 : i1 to i32
    %cond3A_80 = arith.constant 0 : i32
    %cond3A_81 = arith.cmpi ne, %convert_element_type3A_79, %cond3A_80 : i32
    scf.if %cond3A_81 {
      %add3A_82 = arith.constant 400 : i32
      %add3A_83 = arith.addi %mul3A_0, %add3A_82 : i32
      %add3A_84 = arith.constant 400 : i32
      %add3A_85 = arith.addi %mul3A_0, %add3A_84 : i32
      "tpu.region"() ({
        %run_scoped3A = tpu.sem_alloc : memref<!tpu.dma_semaphore, #tpu.memory_space<semaphore_mem>>
        %dma_start3A_86 = arith.constant 0 : i32
        %dma_start3A_87 = tpu.memref_slice %arg5[%arg0, %add3A_85, %dma_start3A_86] : memref<2x10000x128xf32, #tpu.memory_space<hbm>> -> memref<1x240x128xf32, #tpu.memory_space<hbm>>
        %dma_start3A_88 = tpu.memref_squeeze %dma_start3A_87 : memref<1x240x128xf32, #tpu.memory_space<hbm>> -> memref<240x128xf32, #tpu.memory_space<hbm>>
        %dma_start3A_89 = arith.constant 0 : i32
        %dma_start3A_90 = tpu.memref_slice %arg6[%add3A_83, %dma_start3A_89] : memref<10008x128xf32, #tpu.memory_space<vmem_shared>> -> memref<240x128xf32, #tpu.memory_space<vmem_shared>>
        tpu.enqueue_dma source(%dma_start3A_90 : memref<240x128xf32, #tpu.memory_space<vmem_shared>>) target(%dma_start3A_88 : memref<240x128xf32, #tpu.memory_space<hbm>>) target_semaphore(%run_scoped3A : memref<!tpu.dma_semaphore, #tpu.memory_space<semaphore_mem>>)
        %dma_wait3A_91 = arith.constant 0 : i32
        %dma_wait3A_92 = tpu.memref_slice %arg5[%arg0, %add3A_85, %dma_wait3A_91] : memref<2x10000x128xf32, #tpu.memory_space<hbm>> -> memref<1x240x128xf32, #tpu.memory_space<hbm>>
        %dma_wait3A_93 = tpu.memref_squeeze %dma_wait3A_92 : memref<1x240x128xf32, #tpu.memory_space<hbm>> -> memref<240x128xf32, #tpu.memory_space<hbm>>
        %dma_wait3A_94 = arith.constant 0 : i32
        %dma_wait3A_95 = tpu.memref_slice %arg6[%add3A_83, %dma_wait3A_94] : memref<10008x128xf32, #tpu.memory_space<vmem_shared>> -> memref<240x128xf32, #tpu.memory_space<vmem_shared>>
        tpu.wait_dma2 semaphore(%run_scoped3A : memref<!tpu.dma_semaphore, #tpu.memory_space<semaphore_mem>>) src(%dma_wait3A_95 : memref<240x128xf32, #tpu.memory_space<vmem_shared>>) dst(%dma_wait3A_93 : memref<240x128xf32, #tpu.memory_space<hbm>>)
        tpu.yield
      }) : () -> ()
    } else {
    }
    return
  }
}

#map = affine_map<(d0, d1) -> (0, 0)>
#map1 = affine_map<(d0, d1) -> (0, 0, 0)>
module attributes {stable_mosaic.version = 14 : i64} {
  func.func @_agg_body(%arg0: i32, %arg1: i32, %arg2: memref<20000x128xf32, #tpu.memory_space<hbm>>, %arg3: memref<2x16x20224xi32, #tpu.memory_space<hbm>>, %arg4: memref<16x20224xi32, #tpu.memory_space<hbm>>, %arg5: memref<2x10000x128xf32, #tpu.memory_space<hbm>>, %arg6: memref<10008x128xf32, #tpu.memory_space<vmem_shared>>, %arg7: memref<128xi32, #tpu.memory_space<vmem>>, %arg8: memref<128xi32, #tpu.memory_space<vmem>>, %arg9: memref<128xi32, #tpu.memory_space<vmem>>, %arg10: memref<128xi32, #tpu.memory_space<vmem>>, %arg11: memref<128x128xf32, #tpu.memory_space<vmem>>, %arg12: memref<128x128xf32, #tpu.memory_space<vmem>>, %arg13: memref<!tpu.dma_semaphore, #tpu.memory_space<semaphore_mem>>, %arg14: memref<!tpu.dma_semaphore, #tpu.memory_space<semaphore_mem>>, %arg15: memref<!tpu.dma_semaphore, #tpu.memory_space<semaphore_mem>>, %arg16: memref<!tpu.dma_semaphore, #tpu.memory_space<semaphore_mem>>, %arg17: memref<!tpu.dma_semaphore, #tpu.memory_space<semaphore_mem>>, %arg18: memref<!tpu.dma_semaphore, #tpu.memory_space<semaphore_mem>>) attributes {dimension_semantics = [#tpu.dimension_semantics<core_parallel>, #tpu.dimension_semantics<subcore_parallel>], iteration_bounds = array<i64: 2, 16>, scalar_prefetch = 0 : i64, scratch_operands = 13 : i64, tpu.core_type = #tpu.core_type<sc_vector_subcore>, window_params = [{transform_indices = #map}, {transform_indices = #map1}, {transform_indices = #map}, {transform_indices = #map1}]} {
    %mul3A = arith.constant 640 : i32
    %mul3A_0 = arith.muli %arg1, %mul3A : i32
    %mul3A_1 = arith.constant 10000 : i32
    %mul3A_2 = arith.muli %arg0, %mul3A_1 : i32
    %add3A = arith.addi %mul3A_2, %mul3A_0 : i32
    "tpu.region"() ({
      %run_scoped3A = tpu.sem_alloc : memref<!tpu.dma_semaphore, #tpu.memory_space<semaphore_mem>>
      %dma_start3A_82 = arith.constant 0 : i32
      %dma_start3A_83 = tpu.memref_slice %arg6[%mul3A_0, %dma_start3A_82] : memref<10008x128xf32, #tpu.memory_space<vmem_shared>> -> memref<400x128xf32, #tpu.memory_space<vmem_shared>>
      %dma_start3A_84 = arith.constant 0 : i32
      %dma_start3A_85 = tpu.memref_slice %arg2[%add3A, %dma_start3A_84] : memref<20000x128xf32, #tpu.memory_space<hbm>> -> memref<400x128xf32, #tpu.memory_space<hbm>>
      tpu.enqueue_dma source(%dma_start3A_85 : memref<400x128xf32, #tpu.memory_space<hbm>>) target(%dma_start3A_83 : memref<400x128xf32, #tpu.memory_space<vmem_shared>>) target_semaphore(%run_scoped3A : memref<!tpu.dma_semaphore, #tpu.memory_space<semaphore_mem>>)
      %dma_wait3A_86 = arith.constant 0 : i32
      %dma_wait3A_87 = tpu.memref_slice %arg6[%mul3A_0, %dma_wait3A_86] : memref<10008x128xf32, #tpu.memory_space<vmem_shared>> -> memref<400x128xf32, #tpu.memory_space<vmem_shared>>
      %dma_wait3A_88 = arith.constant 0 : i32
      %dma_wait3A_89 = tpu.memref_slice %arg2[%add3A, %dma_wait3A_88] : memref<20000x128xf32, #tpu.memory_space<hbm>> -> memref<400x128xf32, #tpu.memory_space<hbm>>
      tpu.wait_dma2 semaphore(%run_scoped3A : memref<!tpu.dma_semaphore, #tpu.memory_space<semaphore_mem>>) src(%dma_wait3A_89 : memref<400x128xf32, #tpu.memory_space<hbm>>) dst(%dma_wait3A_87 : memref<400x128xf32, #tpu.memory_space<vmem_shared>>)
      tpu.yield
    }) : () -> ()
    %lt3A = arith.constant 15 : i32
    %lt3A_3 = arith.cmpi slt, %arg1, %lt3A : i32
    %convert_element_type3A = arith.extui %lt3A_3 : i1 to i32
    %cond3A = arith.constant 0 : i32
    %cond3A_4 = arith.cmpi ne, %convert_element_type3A, %cond3A : i32
    scf.if %cond3A_4 {
      %mul3A_82 = arith.constant 10000 : i32
      %mul3A_83 = arith.muli %arg0, %mul3A_82 : i32
      %add3A_84 = arith.addi %mul3A_83, %mul3A_0 : i32
      %add3A_85 = arith.constant 400 : i32
      %add3A_86 = arith.addi %add3A_84, %add3A_85 : i32
      %add3A_87 = arith.constant 400 : i32
      %add3A_88 = arith.addi %mul3A_0, %add3A_87 : i32
      "tpu.region"() ({
        %run_scoped3A = tpu.sem_alloc : memref<!tpu.dma_semaphore, #tpu.memory_space<semaphore_mem>>
        %dma_start3A_89 = arith.constant 0 : i32
        %dma_start3A_90 = tpu.memref_slice %arg6[%add3A_88, %dma_start3A_89] : memref<10008x128xf32, #tpu.memory_space<vmem_shared>> -> memref<240x128xf32, #tpu.memory_space<vmem_shared>>
        %dma_start3A_91 = arith.constant 0 : i32
        %dma_start3A_92 = tpu.memref_slice %arg2[%add3A_86, %dma_start3A_91] : memref<20000x128xf32, #tpu.memory_space<hbm>> -> memref<240x128xf32, #tpu.memory_space<hbm>>
        tpu.enqueue_dma source(%dma_start3A_92 : memref<240x128xf32, #tpu.memory_space<hbm>>) target(%dma_start3A_90 : memref<240x128xf32, #tpu.memory_space<vmem_shared>>) target_semaphore(%run_scoped3A : memref<!tpu.dma_semaphore, #tpu.memory_space<semaphore_mem>>)
        %dma_wait3A_93 = arith.constant 0 : i32
        %dma_wait3A_94 = tpu.memref_slice %arg6[%add3A_88, %dma_wait3A_93] : memref<10008x128xf32, #tpu.memory_space<vmem_shared>> -> memref<240x128xf32, #tpu.memory_space<vmem_shared>>
        %dma_wait3A_95 = arith.constant 0 : i32
        %dma_wait3A_96 = tpu.memref_slice %arg2[%add3A_86, %dma_wait3A_95] : memref<20000x128xf32, #tpu.memory_space<hbm>> -> memref<240x128xf32, #tpu.memory_space<hbm>>
        tpu.wait_dma2 semaphore(%run_scoped3A : memref<!tpu.dma_semaphore, #tpu.memory_space<semaphore_mem>>) src(%dma_wait3A_96 : memref<240x128xf32, #tpu.memory_space<hbm>>) dst(%dma_wait3A_94 : memref<240x128xf32, #tpu.memory_space<vmem_shared>>)
        tpu.yield
      }) : () -> ()
    } else {
    }
    %barrier3A = arith.constant 0 : index
    tpu.barrier barrier_id(%barrier3A)
    %dma_start3A = arith.constant 0 : i32
    %dma_start3A_5 = tpu.memref_slice %arg3[%arg0, %arg1, %dma_start3A] : memref<2x16x20224xi32, #tpu.memory_space<hbm>> -> memref<1x1x128xi32, #tpu.memory_space<hbm>>
    %dma_start3A_6 = tpu.memref_squeeze %dma_start3A_5 : memref<1x1x128xi32, #tpu.memory_space<hbm>> -> memref<128xi32, #tpu.memory_space<hbm>>
    %dma_start3A_7 = arith.constant 0 : i32
    %dma_start3A_8 = tpu.memref_slice %arg3[%arg0, %arg1, %dma_start3A_7] : memref<2x16x20224xi32, #tpu.memory_space<hbm>> -> memref<1x1x128xi32, #tpu.memory_space<hbm>>
    %dma_start3A_9 = tpu.memref_squeeze %dma_start3A_8 : memref<1x1x128xi32, #tpu.memory_space<hbm>> -> memref<128xi32, #tpu.memory_space<hbm>>
    tpu.enqueue_dma source(%dma_start3A_9 : memref<128xi32, #tpu.memory_space<hbm>>) target(%arg7 : memref<128xi32, #tpu.memory_space<vmem>>) target_semaphore(%arg15 : memref<!tpu.dma_semaphore, #tpu.memory_space<semaphore_mem>>)
    %dma_start3A_10 = arith.constant 0 : i32
    %dma_start3A_11 = tpu.memref_slice %arg4[%arg1, %dma_start3A_10] : memref<16x20224xi32, #tpu.memory_space<hbm>> -> memref<1x128xi32, #tpu.memory_space<hbm>>
    %dma_start3A_12 = tpu.memref_squeeze %dma_start3A_11 : memref<1x128xi32, #tpu.memory_space<hbm>> -> memref<128xi32, #tpu.memory_space<hbm>>
    %dma_start3A_13 = arith.constant 0 : i32
    %dma_start3A_14 = tpu.memref_slice %arg4[%arg1, %dma_start3A_13] : memref<16x20224xi32, #tpu.memory_space<hbm>> -> memref<1x128xi32, #tpu.memory_space<hbm>>
    %dma_start3A_15 = tpu.memref_squeeze %dma_start3A_14 : memref<1x128xi32, #tpu.memory_space<hbm>> -> memref<128xi32, #tpu.memory_space<hbm>>
    tpu.enqueue_dma source(%dma_start3A_15 : memref<128xi32, #tpu.memory_space<hbm>>) target(%arg9 : memref<128xi32, #tpu.memory_space<vmem>>) target_semaphore(%arg17 : memref<!tpu.dma_semaphore, #tpu.memory_space<semaphore_mem>>)
    %dma_start3A_16 = arith.constant 128 : i32
    %dma_start3A_17 = tpu.memref_slice %arg3[%arg0, %arg1, %dma_start3A_16] : memref<2x16x20224xi32, #tpu.memory_space<hbm>> -> memref<1x1x128xi32, #tpu.memory_space<hbm>>
    %dma_start3A_18 = tpu.memref_squeeze %dma_start3A_17 : memref<1x1x128xi32, #tpu.memory_space<hbm>> -> memref<128xi32, #tpu.memory_space<hbm>>
    %dma_start3A_19 = arith.constant 128 : i32
    %dma_start3A_20 = tpu.memref_slice %arg3[%arg0, %arg1, %dma_start3A_19] : memref<2x16x20224xi32, #tpu.memory_space<hbm>> -> memref<1x1x128xi32, #tpu.memory_space<hbm>>
    %dma_start3A_21 = tpu.memref_squeeze %dma_start3A_20 : memref<1x1x128xi32, #tpu.memory_space<hbm>> -> memref<128xi32, #tpu.memory_space<hbm>>
    tpu.enqueue_dma source(%dma_start3A_21 : memref<128xi32, #tpu.memory_space<hbm>>) target(%arg8 : memref<128xi32, #tpu.memory_space<vmem>>) target_semaphore(%arg16 : memref<!tpu.dma_semaphore, #tpu.memory_space<semaphore_mem>>)
    %dma_start3A_22 = arith.constant 128 : i32
    %dma_start3A_23 = tpu.memref_slice %arg4[%arg1, %dma_start3A_22] : memref<16x20224xi32, #tpu.memory_space<hbm>> -> memref<1x128xi32, #tpu.memory_space<hbm>>
    %dma_start3A_24 = tpu.memref_squeeze %dma_start3A_23 : memref<1x128xi32, #tpu.memory_space<hbm>> -> memref<128xi32, #tpu.memory_space<hbm>>
    %dma_start3A_25 = arith.constant 128 : i32
    %dma_start3A_26 = tpu.memref_slice %arg4[%arg1, %dma_start3A_25] : memref<16x20224xi32, #tpu.memory_space<hbm>> -> memref<1x128xi32, #tpu.memory_space<hbm>>
    %dma_start3A_27 = tpu.memref_squeeze %dma_start3A_26 : memref<1x128xi32, #tpu.memory_space<hbm>> -> memref<128xi32, #tpu.memory_space<hbm>>
    tpu.enqueue_dma source(%dma_start3A_27 : memref<128xi32, #tpu.memory_space<hbm>>) target(%arg10 : memref<128xi32, #tpu.memory_space<vmem>>) target_semaphore(%arg18 : memref<!tpu.dma_semaphore, #tpu.memory_space<semaphore_mem>>)
    %dma_wait3A = arith.constant 0 : i32
    %dma_wait3A_28 = tpu.memref_slice %arg3[%arg0, %arg1, %dma_wait3A] : memref<2x16x20224xi32, #tpu.memory_space<hbm>> -> memref<1x1x128xi32, #tpu.memory_space<hbm>>
    %dma_wait3A_29 = tpu.memref_squeeze %dma_wait3A_28 : memref<1x1x128xi32, #tpu.memory_space<hbm>> -> memref<128xi32, #tpu.memory_space<hbm>>
    %dma_wait3A_30 = arith.constant 0 : i32
    %dma_wait3A_31 = tpu.memref_slice %arg3[%arg0, %arg1, %dma_wait3A_30] : memref<2x16x20224xi32, #tpu.memory_space<hbm>> -> memref<1x1x128xi32, #tpu.memory_space<hbm>>
    %dma_wait3A_32 = tpu.memref_squeeze %dma_wait3A_31 : memref<1x1x128xi32, #tpu.memory_space<hbm>> -> memref<128xi32, #tpu.memory_space<hbm>>
    tpu.wait_dma2 semaphore(%arg15 : memref<!tpu.dma_semaphore, #tpu.memory_space<semaphore_mem>>) src(%dma_wait3A_32 : memref<128xi32, #tpu.memory_space<hbm>>) dst(%arg7 : memref<128xi32, #tpu.memory_space<vmem>>)
    %dma_wait3A_33 = arith.constant 0 : i32
    %dma_wait3A_34 = tpu.memref_slice %arg4[%arg1, %dma_wait3A_33] : memref<16x20224xi32, #tpu.memory_space<hbm>> -> memref<1x128xi32, #tpu.memory_space<hbm>>
    %dma_wait3A_35 = tpu.memref_squeeze %dma_wait3A_34 : memref<1x128xi32, #tpu.memory_space<hbm>> -> memref<128xi32, #tpu.memory_space<hbm>>
    %dma_wait3A_36 = arith.constant 0 : i32
    %dma_wait3A_37 = tpu.memref_slice %arg4[%arg1, %dma_wait3A_36] : memref<16x20224xi32, #tpu.memory_space<hbm>> -> memref<1x128xi32, #tpu.memory_space<hbm>>
    %dma_wait3A_38 = tpu.memref_squeeze %dma_wait3A_37 : memref<1x128xi32, #tpu.memory_space<hbm>> -> memref<128xi32, #tpu.memory_space<hbm>>
    tpu.wait_dma2 semaphore(%arg17 : memref<!tpu.dma_semaphore, #tpu.memory_space<semaphore_mem>>) src(%dma_wait3A_38 : memref<128xi32, #tpu.memory_space<hbm>>) dst(%arg9 : memref<128xi32, #tpu.memory_space<vmem>>)
    %dma_start3A_39 = arith.constant 0 : i32
    %dma_start3A_40 = arith.constant 0 : i32
    %dma_start3A_41 = tpu.memref_slice %arg11[%dma_start3A_39, %dma_start3A_40] : memref<128x128xf32, #tpu.memory_space<vmem>> -> memref<32x128xf32, #tpu.memory_space<vmem>>
    %dma_start3A_42 = arith.constant 0 : i32
    %dma_start3A_43 = tpu.memref_slice %arg7[%dma_start3A_42] : memref<128xi32, #tpu.memory_space<vmem>> -> memref<32xi32, #tpu.memory_space<vmem>>
    %dma_start3A_44 = arith.constant 0 : i32
    %dma_start3A_45 = arith.constant 0 : i32
    %dma_start3A_46 = tpu.memref_slice %arg2[%dma_start3A_44, %dma_start3A_45] : memref<20000x128xf32, #tpu.memory_space<hbm>> -> memref<20000x128xf32, #tpu.memory_space<hbm>>
    tpu.enqueue_indirect_dma source(%dma_start3A_46 : memref<20000x128xf32, #tpu.memory_space<hbm>>) target(%dma_start3A_41 : memref<32x128xf32, #tpu.memory_space<vmem>>) offsets(%dma_start3A_43 : memref<32xi32, #tpu.memory_space<vmem>>) semaphore(%arg13 : memref<!tpu.dma_semaphore, #tpu.memory_space<semaphore_mem>>)
    %dma_start3A_47 = arith.constant 32 : i32
    %dma_start3A_48 = arith.constant 0 : i32
    %dma_start3A_49 = tpu.memref_slice %arg11[%dma_start3A_47, %dma_start3A_48] : memref<128x128xf32, #tpu.memory_space<vmem>> -> memref<32x128xf32, #tpu.memory_space<vmem>>
    %dma_start3A_50 = arith.constant 32 : i32
    %dma_start3A_51 = tpu.memref_slice %arg7[%dma_start3A_50] : memref<128xi32, #tpu.memory_space<vmem>> -> memref<32xi32, #tpu.memory_space<vmem>>
    %dma_start3A_52 = arith.constant 0 : i32
    %dma_start3A_53 = arith.constant 0 : i32
    %dma_start3A_54 = tpu.memref_slice %arg2[%dma_start3A_52, %dma_start3A_53] : memref<20000x128xf32, #tpu.memory_space<hbm>> -> memref<20000x128xf32, #tpu.memory_space<hbm>>
    tpu.enqueue_indirect_dma source(%dma_start3A_54 : memref<20000x128xf32, #tpu.memory_space<hbm>>) target(%dma_start3A_49 : memref<32x128xf32, #tpu.memory_space<vmem>>) offsets(%dma_start3A_51 : memref<32xi32, #tpu.memory_space<vmem>>) semaphore(%arg13 : memref<!tpu.dma_semaphore, #tpu.memory_space<semaphore_mem>>)
    %dma_start3A_55 = arith.constant 64 : i32
    %dma_start3A_56 = arith.constant 0 : i32
    %dma_start3A_57 = tpu.memref_slice %arg11[%dma_start3A_55, %dma_start3A_56] : memref<128x128xf32, #tpu.memory_space<vmem>> -> memref<32x128xf32, #tpu.memory_space<vmem>>
    %dma_start3A_58 = arith.constant 64 : i32
    %dma_start3A_59 = tpu.memref_slice %arg7[%dma_start3A_58] : memref<128xi32, #tpu.memory_space<vmem>> -> memref<32xi32, #tpu.memory_space<vmem>>
    %dma_start3A_60 = arith.constant 0 : i32
    %dma_start3A_61 = arith.constant 0 : i32
    %dma_start3A_62 = tpu.memref_slice %arg2[%dma_start3A_60, %dma_start3A_61] : memref<20000x128xf32, #tpu.memory_space<hbm>> -> memref<20000x128xf32, #tpu.memory_space<hbm>>
    tpu.enqueue_indirect_dma source(%dma_start3A_62 : memref<20000x128xf32, #tpu.memory_space<hbm>>) target(%dma_start3A_57 : memref<32x128xf32, #tpu.memory_space<vmem>>) offsets(%dma_start3A_59 : memref<32xi32, #tpu.memory_space<vmem>>) semaphore(%arg13 : memref<!tpu.dma_semaphore, #tpu.memory_space<semaphore_mem>>)
    %dma_start3A_63 = arith.constant 96 : i32
    %dma_start3A_64 = arith.constant 0 : i32
    %dma_start3A_65 = tpu.memref_slice %arg11[%dma_start3A_63, %dma_start3A_64] : memref<128x128xf32, #tpu.memory_space<vmem>> -> memref<32x128xf32, #tpu.memory_space<vmem>>
    %dma_start3A_66 = arith.constant 96 : i32
    %dma_start3A_67 = tpu.memref_slice %arg7[%dma_start3A_66] : memref<128xi32, #tpu.memory_space<vmem>> -> memref<32xi32, #tpu.memory_space<vmem>>
    %dma_start3A_68 = arith.constant 0 : i32
    %dma_start3A_69 = arith.constant 0 : i32
    %dma_start3A_70 = tpu.memref_slice %arg2[%dma_start3A_68, %dma_start3A_69] : memref<20000x128xf32, #tpu.memory_space<hbm>> -> memref<20000x128xf32, #tpu.memory_space<hbm>>
    tpu.enqueue_indirect_dma source(%dma_start3A_70 : memref<20000x128xf32, #tpu.memory_space<hbm>>) target(%dma_start3A_65 : memref<32x128xf32, #tpu.memory_space<vmem>>) offsets(%dma_start3A_67 : memref<32xi32, #tpu.memory_space<vmem>>) semaphore(%arg13 : memref<!tpu.dma_semaphore, #tpu.memory_space<semaphore_mem>>)
    %scan3A = arith.constant 0 : i32
    %scan3A_71 = arith.constant 0 : i32
    %scan3A_72 = arith.constant 79 : i32
    %scan3A_73 = arith.addi %scan3A_71, %scan3A_72 : i32
    %scan3A_74 = arith.constant 1 : i32
    scf.for %scan3A_82 = %scan3A_71 to %scan3A_73 step %scan3A_74  : i32 {
      %mul3A_83 = arith.constant 2 : i32
      %mul3A_84 = arith.muli %scan3A_82, %mul3A_83 : i32
      %add3A_85 = arith.constant 0 : i32
      %add3A_86 = arith.addi %mul3A_84, %add3A_85 : i32
      %add3A_87 = arith.constant 1 : i32
      %add3A_88 = arith.addi %add3A_86, %add3A_87 : i32
      %lt3A_89 = arith.constant 158 : i32
      %lt3A_90 = arith.cmpi slt, %add3A_88, %lt3A_89 : i32
      %convert_element_type3A_91 = arith.extui %lt3A_90 : i1 to i32
      %cond3A_92 = arith.constant 0 : i32
      %cond3A_93 = arith.cmpi ne, %convert_element_type3A_91, %cond3A_92 : i32
      scf.if %cond3A_93 {
        %add3A_181 = arith.constant 1 : i32
        %add3A_182 = arith.addi %add3A_86, %add3A_181 : i32
        %mul3A_183 = arith.constant 128 : i32
        %mul3A_184 = arith.muli %add3A_182, %mul3A_183 : i32
        %dma_wait3A_185 = tpu.memref_slice %arg3[%arg0, %arg1, %mul3A_184] : memref<2x16x20224xi32, #tpu.memory_space<hbm>> -> memref<1x1x128xi32, #tpu.memory_space<hbm>>
        %dma_wait3A_186 = tpu.memref_squeeze %dma_wait3A_185 : memref<1x1x128xi32, #tpu.memory_space<hbm>> -> memref<128xi32, #tpu.memory_space<hbm>>
        %dma_wait3A_187 = tpu.memref_slice %arg3[%arg0, %arg1, %mul3A_184] : memref<2x16x20224xi32, #tpu.memory_space<hbm>> -> memref<1x1x128xi32, #tpu.memory_space<hbm>>
        %dma_wait3A_188 = tpu.memref_squeeze %dma_wait3A_187 : memref<1x1x128xi32, #tpu.memory_space<hbm>> -> memref<128xi32, #tpu.memory_space<hbm>>
        tpu.wait_dma2 semaphore(%arg16 : memref<!tpu.dma_semaphore, #tpu.memory_space<semaphore_mem>>) src(%dma_wait3A_188 : memref<128xi32, #tpu.memory_space<hbm>>) dst(%arg8 : memref<128xi32, #tpu.memory_space<vmem>>)
        %mul3A_189 = arith.constant 128 : i32
        %mul3A_190 = arith.muli %add3A_182, %mul3A_189 : i32
        %dma_wait3A_191 = tpu.memref_slice %arg4[%arg1, %mul3A_190] : memref<16x20224xi32, #tpu.memory_space<hbm>> -> memref<1x128xi32, #tpu.memory_space<hbm>>
        %dma_wait3A_192 = tpu.memref_squeeze %dma_wait3A_191 : memref<1x128xi32, #tpu.memory_space<hbm>> -> memref<128xi32, #tpu.memory_space<hbm>>
        %dma_wait3A_193 = tpu.memref_slice %arg4[%arg1, %mul3A_190] : memref<16x20224xi32, #tpu.memory_space<hbm>> -> memref<1x128xi32, #tpu.memory_space<hbm>>
        %dma_wait3A_194 = tpu.memref_squeeze %dma_wait3A_193 : memref<1x128xi32, #tpu.memory_space<hbm>> -> memref<128xi32, #tpu.memory_space<hbm>>
        tpu.wait_dma2 semaphore(%arg18 : memref<!tpu.dma_semaphore, #tpu.memory_space<semaphore_mem>>) src(%dma_wait3A_194 : memref<128xi32, #tpu.memory_space<hbm>>) dst(%arg10 : memref<128xi32, #tpu.memory_space<vmem>>)
        %dma_start3A_195 = arith.constant 0 : i32
        %dma_start3A_196 = arith.constant 0 : i32
        %dma_start3A_197 = tpu.memref_slice %arg12[%dma_start3A_195, %dma_start3A_196] : memref<128x128xf32, #tpu.memory_space<vmem>> -> memref<32x128xf32, #tpu.memory_space<vmem>>
        %dma_start3A_198 = arith.constant 0 : i32
        %dma_start3A_199 = tpu.memref_slice %arg8[%dma_start3A_198] : memref<128xi32, #tpu.memory_space<vmem>> -> memref<32xi32, #tpu.memory_space<vmem>>
        %dma_start3A_200 = arith.constant 0 : i32
        %dma_start3A_201 = arith.constant 0 : i32
        %dma_start3A_202 = tpu.memref_slice %arg2[%dma_start3A_200, %dma_start3A_201] : memref<20000x128xf32, #tpu.memory_space<hbm>> -> memref<20000x128xf32, #tpu.memory_space<hbm>>
        tpu.enqueue_indirect_dma source(%dma_start3A_202 : memref<20000x128xf32, #tpu.memory_space<hbm>>) target(%dma_start3A_197 : memref<32x128xf32, #tpu.memory_space<vmem>>) offsets(%dma_start3A_199 : memref<32xi32, #tpu.memory_space<vmem>>) semaphore(%arg14 : memref<!tpu.dma_semaphore, #tpu.memory_space<semaphore_mem>>)
        %dma_start3A_203 = arith.constant 32 : i32
        %dma_start3A_204 = arith.constant 0 : i32
        %dma_start3A_205 = tpu.memref_slice %arg12[%dma_start3A_203, %dma_start3A_204] : memref<128x128xf32, #tpu.memory_space<vmem>> -> memref<32x128xf32, #tpu.memory_space<vmem>>
        %dma_start3A_206 = arith.constant 32 : i32
        %dma_start3A_207 = tpu.memref_slice %arg8[%dma_start3A_206] : memref<128xi32, #tpu.memory_space<vmem>> -> memref<32xi32, #tpu.memory_space<vmem>>
        %dma_start3A_208 = arith.constant 0 : i32
        %dma_start3A_209 = arith.constant 0 : i32
        %dma_start3A_210 = tpu.memref_slice %arg2[%dma_start3A_208, %dma_start3A_209] : memref<20000x128xf32, #tpu.memory_space<hbm>> -> memref<20000x128xf32, #tpu.memory_space<hbm>>
        tpu.enqueue_indirect_dma source(%dma_start3A_210 : memref<20000x128xf32, #tpu.memory_space<hbm>>) target(%dma_start3A_205 : memref<32x128xf32, #tpu.memory_space<vmem>>) offsets(%dma_start3A_207 : memref<32xi32, #tpu.memory_space<vmem>>) semaphore(%arg14 : memref<!tpu.dma_semaphore, #tpu.memory_space<semaphore_mem>>)
        %dma_start3A_211 = arith.constant 64 : i32
        %dma_start3A_212 = arith.constant 0 : i32
        %dma_start3A_213 = tpu.memref_slice %arg12[%dma_start3A_211, %dma_start3A_212] : memref<128x128xf32, #tpu.memory_space<vmem>> -> memref<32x128xf32, #tpu.memory_space<vmem>>
        %dma_start3A_214 = arith.constant 64 : i32
        %dma_start3A_215 = tpu.memref_slice %arg8[%dma_start3A_214] : memref<128xi32, #tpu.memory_space<vmem>> -> memref<32xi32, #tpu.memory_space<vmem>>
        %dma_start3A_216 = arith.constant 0 : i32
        %dma_start3A_217 = arith.constant 0 : i32
        %dma_start3A_218 = tpu.memref_slice %arg2[%dma_start3A_216, %dma_start3A_217] : memref<20000x128xf32, #tpu.memory_space<hbm>> -> memref<20000x128xf32, #tpu.memory_space<hbm>>
        tpu.enqueue_indirect_dma source(%dma_start3A_218 : memref<20000x128xf32, #tpu.memory_space<hbm>>) target(%dma_start3A_213 : memref<32x128xf32, #tpu.memory_space<vmem>>) offsets(%dma_start3A_215 : memref<32xi32, #tpu.memory_space<vmem>>) semaphore(%arg14 : memref<!tpu.dma_semaphore, #tpu.memory_space<semaphore_mem>>)
        %dma_start3A_219 = arith.constant 96 : i32
        %dma_start3A_220 = arith.constant 0 : i32
        %dma_start3A_221 = tpu.memref_slice %arg12[%dma_start3A_219, %dma_start3A_220] : memref<128x128xf32, #tpu.memory_space<vmem>> -> memref<32x128xf32, #tpu.memory_space<vmem>>
        %dma_start3A_222 = arith.constant 96 : i32
        %dma_start3A_223 = tpu.memref_slice %arg8[%dma_start3A_222] : memref<128xi32, #tpu.memory_space<vmem>> -> memref<32xi32, #tpu.memory_space<vmem>>
        %dma_start3A_224 = arith.constant 0 : i32
        %dma_start3A_225 = arith.constant 0 : i32
        %dma_start3A_226 = tpu.memref_slice %arg2[%dma_start3A_224, %dma_start3A_225] : memref<20000x128xf32, #tpu.memory_space<hbm>> -> memref<20000x128xf32, #tpu.memory_space<hbm>>
        tpu.enqueue_indirect_dma source(%dma_start3A_226 : memref<20000x128xf32, #tpu.memory_space<hbm>>) target(%dma_start3A_221 : memref<32x128xf32, #tpu.memory_space<vmem>>) offsets(%dma_start3A_223 : memref<32xi32, #tpu.memory_space<vmem>>) semaphore(%arg14 : memref<!tpu.dma_semaphore, #tpu.memory_space<semaphore_mem>>)
      } else {
      }
      %dma_wait3A_94 = arith.constant 0 : i32
      %dma_wait3A_95 = arith.constant 0 : i32
      %dma_wait3A_96 = tpu.memref_slice %arg11[%dma_wait3A_94, %dma_wait3A_95] : memref<128x128xf32, #tpu.memory_space<vmem>> -> memref<32x128xf32, #tpu.memory_space<vmem>>
      %dma_wait3A_97 = arith.constant 0 : i32
      %dma_wait3A_98 = tpu.memref_slice %arg7[%dma_wait3A_97] : memref<128xi32, #tpu.memory_space<vmem>> -> memref<32xi32, #tpu.memory_space<vmem>>
      %dma_wait3A_99 = arith.constant 0 : i32
      %dma_wait3A_100 = arith.constant 0 : i32
      %dma_wait3A_101 = tpu.memref_slice %arg2[%dma_wait3A_99, %dma_wait3A_100] : memref<20000x128xf32, #tpu.memory_space<hbm>> -> memref<20000x128xf32, #tpu.memory_space<hbm>>
      tpu.wait_indirect_dma semaphore(%arg13 : memref<!tpu.dma_semaphore, #tpu.memory_space<semaphore_mem>>) src(%dma_wait3A_101 : memref<20000x128xf32, #tpu.memory_space<hbm>>) dst(%dma_wait3A_96 : memref<32x128xf32, #tpu.memory_space<vmem>>)
      %dma_wait3A_102 = arith.constant 32 : i32
      %dma_wait3A_103 = arith.constant 0 : i32
      %dma_wait3A_104 = tpu.memref_slice %arg11[%dma_wait3A_102, %dma_wait3A_103] : memref<128x128xf32, #tpu.memory_space<vmem>> -> memref<32x128xf32, #tpu.memory_space<vmem>>
      %dma_wait3A_105 = arith.constant 32 : i32
      %dma_wait3A_106 = tpu.memref_slice %arg7[%dma_wait3A_105] : memref<128xi32, #tpu.memory_space<vmem>> -> memref<32xi32, #tpu.memory_space<vmem>>
      %dma_wait3A_107 = arith.constant 0 : i32
      %dma_wait3A_108 = arith.constant 0 : i32
      %dma_wait3A_109 = tpu.memref_slice %arg2[%dma_wait3A_107, %dma_wait3A_108] : memref<20000x128xf32, #tpu.memory_space<hbm>> -> memref<20000x128xf32, #tpu.memory_space<hbm>>
      tpu.wait_indirect_dma semaphore(%arg13 : memref<!tpu.dma_semaphore, #tpu.memory_space<semaphore_mem>>) src(%dma_wait3A_109 : memref<20000x128xf32, #tpu.memory_space<hbm>>) dst(%dma_wait3A_104 : memref<32x128xf32, #tpu.memory_space<vmem>>)
      %dma_wait3A_110 = arith.constant 64 : i32
      %dma_wait3A_111 = arith.constant 0 : i32
      %dma_wait3A_112 = tpu.memref_slice %arg11[%dma_wait3A_110, %dma_wait3A_111] : memref<128x128xf32, #tpu.memory_space<vmem>> -> memref<32x128xf32, #tpu.memory_space<vmem>>
      %dma_wait3A_113 = arith.constant 64 : i32
      %dma_wait3A_114 = tpu.memref_slice %arg7[%dma_wait3A_113] : memref<128xi32, #tpu.memory_space<vmem>> -> memref<32xi32, #tpu.memory_space<vmem>>
      %dma_wait3A_115 = arith.constant 0 : i32
      %dma_wait3A_116 = arith.constant 0 : i32
      %dma_wait3A_117 = tpu.memref_slice %arg2[%dma_wait3A_115, %dma_wait3A_116] : memref<20000x128xf32, #tpu.memory_space<hbm>> -> memref<20000x128xf32, #tpu.memory_space<hbm>>
      tpu.wait_indirect_dma semaphore(%arg13 : memref<!tpu.dma_semaphore, #tpu.memory_space<semaphore_mem>>) src(%dma_wait3A_117 : memref<20000x128xf32, #tpu.memory_space<hbm>>) dst(%dma_wait3A_112 : memref<32x128xf32, #tpu.memory_space<vmem>>)
      %dma_wait3A_118 = arith.constant 96 : i32
      %dma_wait3A_119 = arith.constant 0 : i32
      %dma_wait3A_120 = tpu.memref_slice %arg11[%dma_wait3A_118, %dma_wait3A_119] : memref<128x128xf32, #tpu.memory_space<vmem>> -> memref<32x128xf32, #tpu.memory_space<vmem>>
      %dma_wait3A_121 = arith.constant 96 : i32
      %dma_wait3A_122 = tpu.memref_slice %arg7[%dma_wait3A_121] : memref<128xi32, #tpu.memory_space<vmem>> -> memref<32xi32, #tpu.memory_space<vmem>>
      %dma_wait3A_123 = arith.constant 0 : i32
      %dma_wait3A_124 = arith.constant 0 : i32
      %dma_wait3A_125 = tpu.memref_slice %arg2[%dma_wait3A_123, %dma_wait3A_124] : memref<20000x128xf32, #tpu.memory_space<hbm>> -> memref<20000x128xf32, #tpu.memory_space<hbm>>
      tpu.wait_indirect_dma semaphore(%arg13 : memref<!tpu.dma_semaphore, #tpu.memory_space<semaphore_mem>>) src(%dma_wait3A_125 : memref<20000x128xf32, #tpu.memory_space<hbm>>) dst(%dma_wait3A_120 : memref<32x128xf32, #tpu.memory_space<vmem>>)
      "tpu.region"() ({
        %run_scoped3A = tpu.sem_alloc : memref<!tpu.dma_semaphore, #tpu.memory_space<semaphore_mem>>
        %dma_start3A_181 = arith.constant 0 : i32
        %dma_start3A_182 = arith.constant 0 : i32
        %dma_start3A_183 = tpu.memref_slice %arg6[%dma_start3A_181, %dma_start3A_182] : memref<10008x128xf32, #tpu.memory_space<vmem_shared>> -> memref<10008x128xf32, #tpu.memory_space<vmem_shared>>
        tpu.enqueue_indirect_dma source(%arg11 : memref<128x128xf32, #tpu.memory_space<vmem>>) target(%dma_start3A_183 : memref<10008x128xf32, #tpu.memory_space<vmem_shared>>) offsets(%arg9 : memref<128xi32, #tpu.memory_space<vmem>>) semaphore(%run_scoped3A : memref<!tpu.dma_semaphore, #tpu.memory_space<semaphore_mem>>) {add = true}
        %dma_wait3A_184 = arith.constant 0 : i32
        %dma_wait3A_185 = arith.constant 0 : i32
        %dma_wait3A_186 = tpu.memref_slice %arg6[%dma_wait3A_184, %dma_wait3A_185] : memref<10008x128xf32, #tpu.memory_space<vmem_shared>> -> memref<10008x128xf32, #tpu.memory_space<vmem_shared>>
        tpu.wait_indirect_dma semaphore(%run_scoped3A : memref<!tpu.dma_semaphore, #tpu.memory_space<semaphore_mem>>) src(%arg11 : memref<128x128xf32, #tpu.memory_space<vmem>>) dst(%dma_wait3A_186 : memref<10008x128xf32, #tpu.memory_space<vmem_shared>>)
        tpu.yield
      }) : () -> ()
      %add3A_126 = arith.constant 2 : i32
      %add3A_127 = arith.addi %add3A_86, %add3A_126 : i32
      %lt3A_128 = arith.constant 158 : i32
      %lt3A_129 = arith.cmpi slt, %add3A_127, %lt3A_128 : i32
      %convert_element_type3A_130 = arith.extui %lt3A_129 : i1 to i32
      %cond3A_131 = arith.constant 0 : i32
      %cond3A_132 = arith.cmpi ne, %convert_element_type3A_130, %cond3A_131 : i32
      scf.if %cond3A_132 {
        %add3A_181 = arith.constant 2 : i32
        %add3A_182 = arith.addi %add3A_86, %add3A_181 : i32
        %mul3A_183 = arith.constant 128 : i32
        %mul3A_184 = arith.muli %add3A_182, %mul3A_183 : i32
        %dma_start3A_185 = tpu.memref_slice %arg3[%arg0, %arg1, %mul3A_184] : memref<2x16x20224xi32, #tpu.memory_space<hbm>> -> memref<1x1x128xi32, #tpu.memory_space<hbm>>
        %dma_start3A_186 = tpu.memref_squeeze %dma_start3A_185 : memref<1x1x128xi32, #tpu.memory_space<hbm>> -> memref<128xi32, #tpu.memory_space<hbm>>
        %dma_start3A_187 = tpu.memref_slice %arg3[%arg0, %arg1, %mul3A_184] : memref<2x16x20224xi32, #tpu.memory_space<hbm>> -> memref<1x1x128xi32, #tpu.memory_space<hbm>>
        %dma_start3A_188 = tpu.memref_squeeze %dma_start3A_187 : memref<1x1x128xi32, #tpu.memory_space<hbm>> -> memref<128xi32, #tpu.memory_space<hbm>>
        tpu.enqueue_dma source(%dma_start3A_188 : memref<128xi32, #tpu.memory_space<hbm>>) target(%arg7 : memref<128xi32, #tpu.memory_space<vmem>>) target_semaphore(%arg15 : memref<!tpu.dma_semaphore, #tpu.memory_space<semaphore_mem>>)
        %mul3A_189 = arith.constant 128 : i32
        %mul3A_190 = arith.muli %add3A_182, %mul3A_189 : i32
        %dma_start3A_191 = tpu.memref_slice %arg4[%arg1, %mul3A_190] : memref<16x20224xi32, #tpu.memory_space<hbm>> -> memref<1x128xi32, #tpu.memory_space<hbm>>
        %dma_start3A_192 = tpu.memref_squeeze %dma_start3A_191 : memref<1x128xi32, #tpu.memory_space<hbm>> -> memref<128xi32, #tpu.memory_space<hbm>>
        %dma_start3A_193 = tpu.memref_slice %arg4[%arg1, %mul3A_190] : memref<16x20224xi32, #tpu.memory_space<hbm>> -> memref<1x128xi32, #tpu.memory_space<hbm>>
        %dma_start3A_194 = tpu.memref_squeeze %dma_start3A_193 : memref<1x128xi32, #tpu.memory_space<hbm>> -> memref<128xi32, #tpu.memory_space<hbm>>
        tpu.enqueue_dma source(%dma_start3A_194 : memref<128xi32, #tpu.memory_space<hbm>>) target(%arg9 : memref<128xi32, #tpu.memory_space<vmem>>) target_semaphore(%arg17 : memref<!tpu.dma_semaphore, #tpu.memory_space<semaphore_mem>>)
      } else {
      }
      %add3A_133 = arith.constant 1 : i32
      %add3A_134 = arith.addi %mul3A_84, %add3A_133 : i32
      %add3A_135 = arith.constant 1 : i32
      %add3A_136 = arith.addi %add3A_134, %add3A_135 : i32
      %lt3A_137 = arith.constant 158 : i32
      %lt3A_138 = arith.cmpi slt, %add3A_136, %lt3A_137 : i32
      %convert_element_type3A_139 = arith.extui %lt3A_138 : i1 to i32
      %cond3A_140 = arith.constant 0 : i32
      %cond3A_141 = arith.cmpi ne, %convert_element_type3A_139, %cond3A_140 : i32
      scf.if %cond3A_141 {
        %add3A_181 = arith.constant 1 : i32
        %add3A_182 = arith.addi %add3A_134, %add3A_181 : i32
        %mul3A_183 = arith.constant 128 : i32
        %mul3A_184 = arith.muli %add3A_182, %mul3A_183 : i32
        %dma_wait3A_185 = tpu.memref_slice %arg3[%arg0, %arg1, %mul3A_184] : memref<2x16x20224xi32, #tpu.memory_space<hbm>> -> memref<1x1x128xi32, #tpu.memory_space<hbm>>
        %dma_wait3A_186 = tpu.memref_squeeze %dma_wait3A_185 : memref<1x1x128xi32, #tpu.memory_space<hbm>> -> memref<128xi32, #tpu.memory_space<hbm>>
        %dma_wait3A_187 = tpu.memref_slice %arg3[%arg0, %arg1, %mul3A_184] : memref<2x16x20224xi32, #tpu.memory_space<hbm>> -> memref<1x1x128xi32, #tpu.memory_space<hbm>>
        %dma_wait3A_188 = tpu.memref_squeeze %dma_wait3A_187 : memref<1x1x128xi32, #tpu.memory_space<hbm>> -> memref<128xi32, #tpu.memory_space<hbm>>
        tpu.wait_dma2 semaphore(%arg15 : memref<!tpu.dma_semaphore, #tpu.memory_space<semaphore_mem>>) src(%dma_wait3A_188 : memref<128xi32, #tpu.memory_space<hbm>>) dst(%arg7 : memref<128xi32, #tpu.memory_space<vmem>>)
        %mul3A_189 = arith.constant 128 : i32
        %mul3A_190 = arith.muli %add3A_182, %mul3A_189 : i32
        %dma_wait3A_191 = tpu.memref_slice %arg4[%arg1, %mul3A_190] : memref<16x20224xi32, #tpu.memory_space<hbm>> -> memref<1x128xi32, #tpu.memory_space<hbm>>
        %dma_wait3A_192 = tpu.memref_squeeze %dma_wait3A_191 : memref<1x128xi32, #tpu.memory_space<hbm>> -> memref<128xi32, #tpu.memory_space<hbm>>
        %dma_wait3A_193 = tpu.memref_slice %arg4[%arg1, %mul3A_190] : memref<16x20224xi32, #tpu.memory_space<hbm>> -> memref<1x128xi32, #tpu.memory_space<hbm>>
        %dma_wait3A_194 = tpu.memref_squeeze %dma_wait3A_193 : memref<1x128xi32, #tpu.memory_space<hbm>> -> memref<128xi32, #tpu.memory_space<hbm>>
        tpu.wait_dma2 semaphore(%arg17 : memref<!tpu.dma_semaphore, #tpu.memory_space<semaphore_mem>>) src(%dma_wait3A_194 : memref<128xi32, #tpu.memory_space<hbm>>) dst(%arg9 : memref<128xi32, #tpu.memory_space<vmem>>)
        %dma_start3A_195 = arith.constant 0 : i32
        %dma_start3A_196 = arith.constant 0 : i32
        %dma_start3A_197 = tpu.memref_slice %arg11[%dma_start3A_195, %dma_start3A_196] : memref<128x128xf32, #tpu.memory_space<vmem>> -> memref<32x128xf32, #tpu.memory_space<vmem>>
        %dma_start3A_198 = arith.constant 0 : i32
        %dma_start3A_199 = tpu.memref_slice %arg7[%dma_start3A_198] : memref<128xi32, #tpu.memory_space<vmem>> -> memref<32xi32, #tpu.memory_space<vmem>>
        %dma_start3A_200 = arith.constant 0 : i32
        %dma_start3A_201 = arith.constant 0 : i32
        %dma_start3A_202 = tpu.memref_slice %arg2[%dma_start3A_200, %dma_start3A_201] : memref<20000x128xf32, #tpu.memory_space<hbm>> -> memref<20000x128xf32, #tpu.memory_space<hbm>>
        tpu.enqueue_indirect_dma source(%dma_start3A_202 : memref<20000x128xf32, #tpu.memory_space<hbm>>) target(%dma_start3A_197 : memref<32x128xf32, #tpu.memory_space<vmem>>) offsets(%dma_start3A_199 : memref<32xi32, #tpu.memory_space<vmem>>) semaphore(%arg13 : memref<!tpu.dma_semaphore, #tpu.memory_space<semaphore_mem>>)
        %dma_start3A_203 = arith.constant 32 : i32
        %dma_start3A_204 = arith.constant 0 : i32
        %dma_start3A_205 = tpu.memref_slice %arg11[%dma_start3A_203, %dma_start3A_204] : memref<128x128xf32, #tpu.memory_space<vmem>> -> memref<32x128xf32, #tpu.memory_space<vmem>>
        %dma_start3A_206 = arith.constant 32 : i32
        %dma_start3A_207 = tpu.memref_slice %arg7[%dma_start3A_206] : memref<128xi32, #tpu.memory_space<vmem>> -> memref<32xi32, #tpu.memory_space<vmem>>
        %dma_start3A_208 = arith.constant 0 : i32
        %dma_start3A_209 = arith.constant 0 : i32
        %dma_start3A_210 = tpu.memref_slice %arg2[%dma_start3A_208, %dma_start3A_209] : memref<20000x128xf32, #tpu.memory_space<hbm>> -> memref<20000x128xf32, #tpu.memory_space<hbm>>
        tpu.enqueue_indirect_dma source(%dma_start3A_210 : memref<20000x128xf32, #tpu.memory_space<hbm>>) target(%dma_start3A_205 : memref<32x128xf32, #tpu.memory_space<vmem>>) offsets(%dma_start3A_207 : memref<32xi32, #tpu.memory_space<vmem>>) semaphore(%arg13 : memref<!tpu.dma_semaphore, #tpu.memory_space<semaphore_mem>>)
        %dma_start3A_211 = arith.constant 64 : i32
        %dma_start3A_212 = arith.constant 0 : i32
        %dma_start3A_213 = tpu.memref_slice %arg11[%dma_start3A_211, %dma_start3A_212] : memref<128x128xf32, #tpu.memory_space<vmem>> -> memref<32x128xf32, #tpu.memory_space<vmem>>
        %dma_start3A_214 = arith.constant 64 : i32
        %dma_start3A_215 = tpu.memref_slice %arg7[%dma_start3A_214] : memref<128xi32, #tpu.memory_space<vmem>> -> memref<32xi32, #tpu.memory_space<vmem>>
        %dma_start3A_216 = arith.constant 0 : i32
        %dma_start3A_217 = arith.constant 0 : i32
        %dma_start3A_218 = tpu.memref_slice %arg2[%dma_start3A_216, %dma_start3A_217] : memref<20000x128xf32, #tpu.memory_space<hbm>> -> memref<20000x128xf32, #tpu.memory_space<hbm>>
        tpu.enqueue_indirect_dma source(%dma_start3A_218 : memref<20000x128xf32, #tpu.memory_space<hbm>>) target(%dma_start3A_213 : memref<32x128xf32, #tpu.memory_space<vmem>>) offsets(%dma_start3A_215 : memref<32xi32, #tpu.memory_space<vmem>>) semaphore(%arg13 : memref<!tpu.dma_semaphore, #tpu.memory_space<semaphore_mem>>)
        %dma_start3A_219 = arith.constant 96 : i32
        %dma_start3A_220 = arith.constant 0 : i32
        %dma_start3A_221 = tpu.memref_slice %arg11[%dma_start3A_219, %dma_start3A_220] : memref<128x128xf32, #tpu.memory_space<vmem>> -> memref<32x128xf32, #tpu.memory_space<vmem>>
        %dma_start3A_222 = arith.constant 96 : i32
        %dma_start3A_223 = tpu.memref_slice %arg7[%dma_start3A_222] : memref<128xi32, #tpu.memory_space<vmem>> -> memref<32xi32, #tpu.memory_space<vmem>>
        %dma_start3A_224 = arith.constant 0 : i32
        %dma_start3A_225 = arith.constant 0 : i32
        %dma_start3A_226 = tpu.memref_slice %arg2[%dma_start3A_224, %dma_start3A_225] : memref<20000x128xf32, #tpu.memory_space<hbm>> -> memref<20000x128xf32, #tpu.memory_space<hbm>>
        tpu.enqueue_indirect_dma source(%dma_start3A_226 : memref<20000x128xf32, #tpu.memory_space<hbm>>) target(%dma_start3A_221 : memref<32x128xf32, #tpu.memory_space<vmem>>) offsets(%dma_start3A_223 : memref<32xi32, #tpu.memory_space<vmem>>) semaphore(%arg13 : memref<!tpu.dma_semaphore, #tpu.memory_space<semaphore_mem>>)
      } else {
      }
      %dma_wait3A_142 = arith.constant 0 : i32
      %dma_wait3A_143 = arith.constant 0 : i32
      %dma_wait3A_144 = tpu.memref_slice %arg12[%dma_wait3A_142, %dma_wait3A_143] : memref<128x128xf32, #tpu.memory_space<vmem>> -> memref<32x128xf32, #tpu.memory_space<vmem>>
      %dma_wait3A_145 = arith.constant 0 : i32
      %dma_wait3A_146 = tpu.memref_slice %arg8[%dma_wait3A_145] : memref<128xi32, #tpu.memory_space<vmem>> -> memref<32xi32, #tpu.memory_space<vmem>>
      %dma_wait3A_147 = arith.constant 0 : i32
      %dma_wait3A_148 = arith.constant 0 : i32
      %dma_wait3A_149 = tpu.memref_slice %arg2[%dma_wait3A_147, %dma_wait3A_148] : memref<20000x128xf32, #tpu.memory_space<hbm>> -> memref<20000x128xf32, #tpu.memory_space<hbm>>
      tpu.wait_indirect_dma semaphore(%arg14 : memref<!tpu.dma_semaphore, #tpu.memory_space<semaphore_mem>>) src(%dma_wait3A_149 : memref<20000x128xf32, #tpu.memory_space<hbm>>) dst(%dma_wait3A_144 : memref<32x128xf32, #tpu.memory_space<vmem>>)
      %dma_wait3A_150 = arith.constant 32 : i32
      %dma_wait3A_151 = arith.constant 0 : i32
      %dma_wait3A_152 = tpu.memref_slice %arg12[%dma_wait3A_150, %dma_wait3A_151] : memref<128x128xf32, #tpu.memory_space<vmem>> -> memref<32x128xf32, #tpu.memory_space<vmem>>
      %dma_wait3A_153 = arith.constant 32 : i32
      %dma_wait3A_154 = tpu.memref_slice %arg8[%dma_wait3A_153] : memref<128xi32, #tpu.memory_space<vmem>> -> memref<32xi32, #tpu.memory_space<vmem>>
      %dma_wait3A_155 = arith.constant 0 : i32
      %dma_wait3A_156 = arith.constant 0 : i32
      %dma_wait3A_157 = tpu.memref_slice %arg2[%dma_wait3A_155, %dma_wait3A_156] : memref<20000x128xf32, #tpu.memory_space<hbm>> -> memref<20000x128xf32, #tpu.memory_space<hbm>>
      tpu.wait_indirect_dma semaphore(%arg14 : memref<!tpu.dma_semaphore, #tpu.memory_space<semaphore_mem>>) src(%dma_wait3A_157 : memref<20000x128xf32, #tpu.memory_space<hbm>>) dst(%dma_wait3A_152 : memref<32x128xf32, #tpu.memory_space<vmem>>)
      %dma_wait3A_158 = arith.constant 64 : i32
      %dma_wait3A_159 = arith.constant 0 : i32
      %dma_wait3A_160 = tpu.memref_slice %arg12[%dma_wait3A_158, %dma_wait3A_159] : memref<128x128xf32, #tpu.memory_space<vmem>> -> memref<32x128xf32, #tpu.memory_space<vmem>>
      %dma_wait3A_161 = arith.constant 64 : i32
      %dma_wait3A_162 = tpu.memref_slice %arg8[%dma_wait3A_161] : memref<128xi32, #tpu.memory_space<vmem>> -> memref<32xi32, #tpu.memory_space<vmem>>
      %dma_wait3A_163 = arith.constant 0 : i32
      %dma_wait3A_164 = arith.constant 0 : i32
      %dma_wait3A_165 = tpu.memref_slice %arg2[%dma_wait3A_163, %dma_wait3A_164] : memref<20000x128xf32, #tpu.memory_space<hbm>> -> memref<20000x128xf32, #tpu.memory_space<hbm>>
      tpu.wait_indirect_dma semaphore(%arg14 : memref<!tpu.dma_semaphore, #tpu.memory_space<semaphore_mem>>) src(%dma_wait3A_165 : memref<20000x128xf32, #tpu.memory_space<hbm>>) dst(%dma_wait3A_160 : memref<32x128xf32, #tpu.memory_space<vmem>>)
      %dma_wait3A_166 = arith.constant 96 : i32
      %dma_wait3A_167 = arith.constant 0 : i32
      %dma_wait3A_168 = tpu.memref_slice %arg12[%dma_wait3A_166, %dma_wait3A_167] : memref<128x128xf32, #tpu.memory_space<vmem>> -> memref<32x128xf32, #tpu.memory_space<vmem>>
      %dma_wait3A_169 = arith.constant 96 : i32
      %dma_wait3A_170 = tpu.memref_slice %arg8[%dma_wait3A_169] : memref<128xi32, #tpu.memory_space<vmem>> -> memref<32xi32, #tpu.memory_space<vmem>>
      %dma_wait3A_171 = arith.constant 0 : i32
      %dma_wait3A_172 = arith.constant 0 : i32
      %dma_wait3A_173 = tpu.memref_slice %arg2[%dma_wait3A_171, %dma_wait3A_172] : memref<20000x128xf32, #tpu.memory_space<hbm>> -> memref<20000x128xf32, #tpu.memory_space<hbm>>
      tpu.wait_indirect_dma semaphore(%arg14 : memref<!tpu.dma_semaphore, #tpu.memory_space<semaphore_mem>>) src(%dma_wait3A_173 : memref<20000x128xf32, #tpu.memory_space<hbm>>) dst(%dma_wait3A_168 : memref<32x128xf32, #tpu.memory_space<vmem>>)
      "tpu.region"() ({
        %run_scoped3A = tpu.sem_alloc : memref<!tpu.dma_semaphore, #tpu.memory_space<semaphore_mem>>
        %dma_start3A_181 = arith.constant 0 : i32
        %dma_start3A_182 = arith.constant 0 : i32
        %dma_start3A_183 = tpu.memref_slice %arg6[%dma_start3A_181, %dma_start3A_182] : memref<10008x128xf32, #tpu.memory_space<vmem_shared>> -> memref<10008x128xf32, #tpu.memory_space<vmem_shared>>
        tpu.enqueue_indirect_dma source(%arg12 : memref<128x128xf32, #tpu.memory_space<vmem>>) target(%dma_start3A_183 : memref<10008x128xf32, #tpu.memory_space<vmem_shared>>) offsets(%arg10 : memref<128xi32, #tpu.memory_space<vmem>>) semaphore(%run_scoped3A : memref<!tpu.dma_semaphore, #tpu.memory_space<semaphore_mem>>) {add = true}
        %dma_wait3A_184 = arith.constant 0 : i32
        %dma_wait3A_185 = arith.constant 0 : i32
        %dma_wait3A_186 = tpu.memref_slice %arg6[%dma_wait3A_184, %dma_wait3A_185] : memref<10008x128xf32, #tpu.memory_space<vmem_shared>> -> memref<10008x128xf32, #tpu.memory_space<vmem_shared>>
        tpu.wait_indirect_dma semaphore(%run_scoped3A : memref<!tpu.dma_semaphore, #tpu.memory_space<semaphore_mem>>) src(%arg12 : memref<128x128xf32, #tpu.memory_space<vmem>>) dst(%dma_wait3A_186 : memref<10008x128xf32, #tpu.memory_space<vmem_shared>>)
        tpu.yield
      }) : () -> ()
      %add3A_174 = arith.constant 2 : i32
      %add3A_175 = arith.addi %add3A_134, %add3A_174 : i32
      %lt3A_176 = arith.constant 158 : i32
      %lt3A_177 = arith.cmpi slt, %add3A_175, %lt3A_176 : i32
      %convert_element_type3A_178 = arith.extui %lt3A_177 : i1 to i32
      %cond3A_179 = arith.constant 0 : i32
      %cond3A_180 = arith.cmpi ne, %convert_element_type3A_178, %cond3A_179 : i32
      scf.if %cond3A_180 {
        %add3A_181 = arith.constant 2 : i32
        %add3A_182 = arith.addi %add3A_134, %add3A_181 : i32
        %mul3A_183 = arith.constant 128 : i32
        %mul3A_184 = arith.muli %add3A_182, %mul3A_183 : i32
        %dma_start3A_185 = tpu.memref_slice %arg3[%arg0, %arg1, %mul3A_184] : memref<2x16x20224xi32, #tpu.memory_space<hbm>> -> memref<1x1x128xi32, #tpu.memory_space<hbm>>
        %dma_start3A_186 = tpu.memref_squeeze %dma_start3A_185 : memref<1x1x128xi32, #tpu.memory_space<hbm>> -> memref<128xi32, #tpu.memory_space<hbm>>
        %dma_start3A_187 = tpu.memref_slice %arg3[%arg0, %arg1, %mul3A_184] : memref<2x16x20224xi32, #tpu.memory_space<hbm>> -> memref<1x1x128xi32, #tpu.memory_space<hbm>>
        %dma_start3A_188 = tpu.memref_squeeze %dma_start3A_187 : memref<1x1x128xi32, #tpu.memory_space<hbm>> -> memref<128xi32, #tpu.memory_space<hbm>>
        tpu.enqueue_dma source(%dma_start3A_188 : memref<128xi32, #tpu.memory_space<hbm>>) target(%arg8 : memref<128xi32, #tpu.memory_space<vmem>>) target_semaphore(%arg16 : memref<!tpu.dma_semaphore, #tpu.memory_space<semaphore_mem>>)
        %mul3A_189 = arith.constant 128 : i32
        %mul3A_190 = arith.muli %add3A_182, %mul3A_189 : i32
        %dma_start3A_191 = tpu.memref_slice %arg4[%arg1, %mul3A_190] : memref<16x20224xi32, #tpu.memory_space<hbm>> -> memref<1x128xi32, #tpu.memory_space<hbm>>
        %dma_start3A_192 = tpu.memref_squeeze %dma_start3A_191 : memref<1x128xi32, #tpu.memory_space<hbm>> -> memref<128xi32, #tpu.memory_space<hbm>>
        %dma_start3A_193 = tpu.memref_slice %arg4[%arg1, %mul3A_190] : memref<16x20224xi32, #tpu.memory_space<hbm>> -> memref<1x128xi32, #tpu.memory_space<hbm>>
        %dma_start3A_194 = tpu.memref_squeeze %dma_start3A_193 : memref<1x128xi32, #tpu.memory_space<hbm>> -> memref<128xi32, #tpu.memory_space<hbm>>
        tpu.enqueue_dma source(%dma_start3A_194 : memref<128xi32, #tpu.memory_space<hbm>>) target(%arg10 : memref<128xi32, #tpu.memory_space<vmem>>) target_semaphore(%arg18 : memref<!tpu.dma_semaphore, #tpu.memory_space<semaphore_mem>>)
      } else {
      }
    }
    %scan3A_75 = arith.constant 79 : i32
    %barrier3A_76 = arith.constant 0 : index
    tpu.barrier barrier_id(%barrier3A_76)
    "tpu.region"() ({
      %run_scoped3A = tpu.sem_alloc : memref<!tpu.dma_semaphore, #tpu.memory_space<semaphore_mem>>
      %dma_start3A_82 = arith.constant 0 : i32
      %dma_start3A_83 = tpu.memref_slice %arg5[%arg0, %mul3A_0, %dma_start3A_82] : memref<2x10000x128xf32, #tpu.memory_space<hbm>> -> memref<1x400x128xf32, #tpu.memory_space<hbm>>
      %dma_start3A_84 = tpu.memref_squeeze %dma_start3A_83 : memref<1x400x128xf32, #tpu.memory_space<hbm>> -> memref<400x128xf32, #tpu.memory_space<hbm>>
      %dma_start3A_85 = arith.constant 0 : i32
      %dma_start3A_86 = tpu.memref_slice %arg6[%mul3A_0, %dma_start3A_85] : memref<10008x128xf32, #tpu.memory_space<vmem_shared>> -> memref<400x128xf32, #tpu.memory_space<vmem_shared>>
      tpu.enqueue_dma source(%dma_start3A_86 : memref<400x128xf32, #tpu.memory_space<vmem_shared>>) target(%dma_start3A_84 : memref<400x128xf32, #tpu.memory_space<hbm>>) target_semaphore(%run_scoped3A : memref<!tpu.dma_semaphore, #tpu.memory_space<semaphore_mem>>)
      %dma_wait3A_87 = arith.constant 0 : i32
      %dma_wait3A_88 = tpu.memref_slice %arg5[%arg0, %mul3A_0, %dma_wait3A_87] : memref<2x10000x128xf32, #tpu.memory_space<hbm>> -> memref<1x400x128xf32, #tpu.memory_space<hbm>>
      %dma_wait3A_89 = tpu.memref_squeeze %dma_wait3A_88 : memref<1x400x128xf32, #tpu.memory_space<hbm>> -> memref<400x128xf32, #tpu.memory_space<hbm>>
      %dma_wait3A_90 = arith.constant 0 : i32
      %dma_wait3A_91 = tpu.memref_slice %arg6[%mul3A_0, %dma_wait3A_90] : memref<10008x128xf32, #tpu.memory_space<vmem_shared>> -> memref<400x128xf32, #tpu.memory_space<vmem_shared>>
      tpu.wait_dma2 semaphore(%run_scoped3A : memref<!tpu.dma_semaphore, #tpu.memory_space<semaphore_mem>>) src(%dma_wait3A_91 : memref<400x128xf32, #tpu.memory_space<vmem_shared>>) dst(%dma_wait3A_89 : memref<400x128xf32, #tpu.memory_space<hbm>>)
      tpu.yield
    }) : () -> ()
    %lt3A_77 = arith.constant 15 : i32
    %lt3A_78 = arith.cmpi slt, %arg1, %lt3A_77 : i32
    %convert_element_type3A_79 = arith.extui %lt3A_78 : i1 to i32
    %cond3A_80 = arith.constant 0 : i32
    %cond3A_81 = arith.cmpi ne, %convert_element_type3A_79, %cond3A_80 : i32
    scf.if %cond3A_81 {
      %add3A_82 = arith.constant 400 : i32
      %add3A_83 = arith.addi %mul3A_0, %add3A_82 : i32
      %add3A_84 = arith.constant 400 : i32
      %add3A_85 = arith.addi %mul3A_0, %add3A_84 : i32
      "tpu.region"() ({
        %run_scoped3A = tpu.sem_alloc : memref<!tpu.dma_semaphore, #tpu.memory_space<semaphore_mem>>
        %dma_start3A_86 = arith.constant 0 : i32
        %dma_start3A_87 = tpu.memref_slice %arg5[%arg0, %add3A_85, %dma_start3A_86] : memref<2x10000x128xf32, #tpu.memory_space<hbm>> -> memref<1x240x128xf32, #tpu.memory_space<hbm>>
        %dma_start3A_88 = tpu.memref_squeeze %dma_start3A_87 : memref<1x240x128xf32, #tpu.memory_space<hbm>> -> memref<240x128xf32, #tpu.memory_space<hbm>>
        %dma_start3A_89 = arith.constant 0 : i32
        %dma_start3A_90 = tpu.memref_slice %arg6[%add3A_83, %dma_start3A_89] : memref<10008x128xf32, #tpu.memory_space<vmem_shared>> -> memref<240x128xf32, #tpu.memory_space<vmem_shared>>
        tpu.enqueue_dma source(%dma_start3A_90 : memref<240x128xf32, #tpu.memory_space<vmem_shared>>) target(%dma_start3A_88 : memref<240x128xf32, #tpu.memory_space<hbm>>) target_semaphore(%run_scoped3A : memref<!tpu.dma_semaphore, #tpu.memory_space<semaphore_mem>>)
        %dma_wait3A_91 = arith.constant 0 : i32
        %dma_wait3A_92 = tpu.memref_slice %arg5[%arg0, %add3A_85, %dma_wait3A_91] : memref<2x10000x128xf32, #tpu.memory_space<hbm>> -> memref<1x240x128xf32, #tpu.memory_space<hbm>>
        %dma_wait3A_93 = tpu.memref_squeeze %dma_wait3A_92 : memref<1x240x128xf32, #tpu.memory_space<hbm>> -> memref<240x128xf32, #tpu.memory_space<hbm>>
        %dma_wait3A_94 = arith.constant 0 : i32
        %dma_wait3A_95 = tpu.memref_slice %arg6[%add3A_83, %dma_wait3A_94] : memref<10008x128xf32, #tpu.memory_space<vmem_shared>> -> memref<240x128xf32, #tpu.memory_space<vmem_shared>>
        tpu.wait_dma2 semaphore(%run_scoped3A : memref<!tpu.dma_semaphore, #tpu.memory_space<semaphore_mem>>) src(%dma_wait3A_95 : memref<240x128xf32, #tpu.memory_space<vmem_shared>>) dst(%dma_wait3A_93 : memref<240x128xf32, #tpu.memory_space<hbm>>)
        tpu.yield
      }) : () -> ()
    } else {
    }
    return
  }
}

module attributes {stable_mosaic.version = 14 : i64} {
  func.func @_proj_body(%arg0: i32, %arg1: memref<1000x128xf32, #tpu.memory_space<vmem>>, %arg2: memref<128x256xf32, #tpu.memory_space<vmem>>, %arg3: memref<256xf32, #tpu.memory_space<vmem>>, %arg4: memref<256xf32, #tpu.memory_space<vmem>>, %arg5: memref<256xf32, #tpu.memory_space<vmem>>, %arg6: memref<256x256xf32, #tpu.memory_space<vmem>>, %arg7: memref<1000x32xf32, #tpu.memory_space<vmem>>, %arg8: memref<1000x256xf32, #tpu.memory_space<vmem>>, %arg9: memref<2x1000x128xf32, #tpu.memory_space<vmem>>, %arg10: memref<1000x1xf32, #tpu.memory_space<vmem>>) attributes {dimension_semantics = [#tpu.dimension_semantics<arbitrary>], iteration_bounds = array<i64: 10>, scalar_prefetch = 0 : i64, scratch_operands = 0 : i64, tpu.core_type = #tpu.core_type<tc>, window_params = [{transform_indices = @transform_0, window_bounds = array<i64: 1000, 128>}, {pipeline_mode = #tpu.pipeline_mode<synchronous>, transform_indices = @transform_1, window_bounds = array<i64: 128, 256>}, {pipeline_mode = #tpu.pipeline_mode<synchronous>, transform_indices = @transform_2, window_bounds = array<i64: 256>}, {pipeline_mode = #tpu.pipeline_mode<synchronous>, transform_indices = @transform_3, window_bounds = array<i64: 256>}, {pipeline_mode = #tpu.pipeline_mode<synchronous>, transform_indices = @transform_4, window_bounds = array<i64: 256>}, {pipeline_mode = #tpu.pipeline_mode<synchronous>, transform_indices = @transform_5, window_bounds = array<i64: 256, 256>}, {transform_indices = @transform_6, window_bounds = array<i64: 1000, 32>}, {transform_indices = @transform_7, window_bounds = array<i64: 1000, 256>}, {transform_indices = @transform_8, window_bounds = array<i64: 2, 1000, 128>}, {transform_indices = @transform_9, window_bounds = array<i64: 1000, 1>}]} {
    %get3A = arith.constant 0 : index
    %get3A_0 = arith.constant 0 : index
    %get3A_1 = vector.load %arg1[%get3A, %get3A_0] : memref<1000x128xf32, #tpu.memory_space<vmem>>, vector<1000x128xf32>
    %get3A_2 = arith.constant 0 : index
    %get3A_3 = arith.constant 0 : index
    %get3A_4 = vector.load %arg2[%get3A_2, %get3A_3] : memref<128x256xf32, #tpu.memory_space<vmem>>, vector<128x256xf32>
    %dot_general3A = arith.constant dense<0.000000e+00> : vector<1000x256xf32>
    %dot_general3A_5 = tpu.matmul %get3A_1, %get3A_4, %dot_general3A {dimension_numbers = #tpu.dot_dimension_numbers<[1], [0], [0], [1], [0, 0, 1, 1], [], []>, transpose_lhs_hint = false} : vector<1000x128xf32>, vector<128x256xf32>, vector<1000x256xf32> -> vector<1000x256xf32>
    %get3A_6 = arith.constant 0 : index
    %get3A_7 = vector.load %arg3[%get3A_6] : memref<256xf32, #tpu.memory_space<vmem>>, vector<256xf32>
    %broadcast_in_dim3A = vector.shape_cast %get3A_7 : vector<256xf32> to vector<1x256xf32>
    %add3A = vector.broadcast %broadcast_in_dim3A : vector<1x256xf32> to vector<1000x256xf32>
    %add3A_8 = arith.addf %dot_general3A_5, %add3A : vector<1000x256xf32>
    %get3A_9 = arith.constant 0 : index
    %get3A_10 = vector.load %arg4[%get3A_9] : memref<256xf32, #tpu.memory_space<vmem>>, vector<256xf32>
    %get3A_11 = arith.constant 0 : index
    %get3A_12 = vector.load %arg5[%get3A_11] : memref<256xf32, #tpu.memory_space<vmem>>, vector<256xf32>
    %reduce_sum3A = arith.constant dense<0.000000e+00> : vector<1000xf32>
    %reduce_sum3A_13 = vector.multi_reduction <add>, %add3A_8, %reduce_sum3A [1] : vector<1000x256xf32> to vector<1000xf32>
    %broadcast_in_dim3A_14 = vector.shape_cast %reduce_sum3A_13 : vector<1000xf32> to vector<1000x1xf32>
    %div3A = arith.constant 2.560000e+02 : f32
    %div3A_15 = vector.broadcast %div3A : f32 to vector<1000x1xf32>
    %div3A_16 = arith.divf %broadcast_in_dim3A_14, %div3A_15 : vector<1000x1xf32>
    %sub3A = vector.broadcast %div3A_16 : vector<1000x1xf32> to vector<1000x256xf32>
    %sub3A_17 = arith.subf %add3A_8, %sub3A : vector<1000x256xf32>
    %integer_pow3A = arith.mulf %sub3A_17, %sub3A_17 : vector<1000x256xf32>
    %reduce_sum3A_18 = arith.constant dense<0.000000e+00> : vector<1000xf32>
    %reduce_sum3A_19 = vector.multi_reduction <add>, %integer_pow3A, %reduce_sum3A_18 [1] : vector<1000x256xf32> to vector<1000xf32>
    %broadcast_in_dim3A_20 = vector.shape_cast %reduce_sum3A_19 : vector<1000xf32> to vector<1000x1xf32>
    %div3A_21 = arith.constant 2.560000e+02 : f32
    %div3A_22 = vector.broadcast %div3A_21 : f32 to vector<1000x1xf32>
    %div3A_23 = arith.divf %broadcast_in_dim3A_20, %div3A_22 : vector<1000x1xf32>
    %sub3A_24 = vector.broadcast %div3A_16 : vector<1000x1xf32> to vector<1000x256xf32>
    %sub3A_25 = arith.subf %add3A_8, %sub3A_24 : vector<1000x256xf32>
    %add3A_26 = arith.constant 9.99999974E-6 : f32
    %add3A_27 = vector.broadcast %add3A_26 : f32 to vector<1000x1xf32>
    %add3A_28 = arith.addf %div3A_23, %add3A_27 : vector<1000x1xf32>
    %rsqrt3A = math.rsqrt %add3A_28 : vector<1000x1xf32>
    %mul3A = vector.broadcast %rsqrt3A : vector<1000x1xf32> to vector<1000x256xf32>
    %mul3A_29 = arith.mulf %sub3A_25, %mul3A : vector<1000x256xf32>
    %broadcast_in_dim3A_30 = vector.shape_cast %get3A_10 : vector<256xf32> to vector<1x256xf32>
    %mul3A_31 = vector.broadcast %broadcast_in_dim3A_30 : vector<1x256xf32> to vector<1000x256xf32>
    %mul3A_32 = arith.mulf %mul3A_29, %mul3A_31 : vector<1000x256xf32>
    %broadcast_in_dim3A_33 = vector.shape_cast %get3A_12 : vector<256xf32> to vector<1x256xf32>
    %add3A_34 = vector.broadcast %broadcast_in_dim3A_33 : vector<1x256xf32> to vector<1000x256xf32>
    %add3A_35 = arith.addf %mul3A_32, %add3A_34 : vector<1000x256xf32>
    %swap3A = arith.constant 0 : index
    %swap3A_36 = arith.constant 0 : index
    %swap3A_37 = vector.load %arg8[%swap3A, %swap3A_36] : memref<1000x256xf32, #tpu.memory_space<vmem>>, vector<1000x256xf32>
    tpu.vector_store %arg8[%swap3A, %swap3A_36], %add3A_35 {strides = array<i32>} : memref<1000x256xf32, #tpu.memory_space<vmem>>, vector<1000x256xf32>,
    %get3A_38 = arith.constant 0 : index
    %get3A_39 = arith.constant 0 : index
    %get3A_40 = vector.load %arg7[%get3A_38, %get3A_39] : memref<1000x32xf32, #tpu.memory_space<vmem>>, vector<1000x32xf32>
    %reduce_sum3A_41 = arith.constant dense<0.000000e+00> : vector<1000xf32>
    %reduce_sum3A_42 = vector.multi_reduction <add>, %get3A_40, %reduce_sum3A_41 [1] : vector<1000x32xf32> to vector<1000xf32>
    %broadcast_in_dim3A_43 = vector.shape_cast %reduce_sum3A_42 : vector<1000xf32> to vector<1000x1xf32>
    %add3A_44 = arith.constant 1.000000e+00 : f32
    %add3A_45 = vector.broadcast %add3A_44 : f32 to vector<1000x1xf32>
    %add3A_46 = arith.addf %broadcast_in_dim3A_43, %add3A_45 : vector<1000x1xf32>
    %rsqrt3A_47 = math.rsqrt %add3A_46 : vector<1000x1xf32>
    %swap3A_48 = arith.constant 0 : index
    %swap3A_49 = arith.constant 0 : index
    %swap3A_50 = vector.load %arg10[%swap3A_48, %swap3A_49] : memref<1000x1xf32, #tpu.memory_space<vmem>>, vector<1000x1xf32>
    tpu.vector_store %arg10[%swap3A_48, %swap3A_49], %rsqrt3A_47 {strides = array<i32>} : memref<1000x1xf32, #tpu.memory_space<vmem>>, vector<1000x1xf32>,
    %get3A_51 = arith.constant 0 : index
    %get3A_52 = arith.constant 0 : index
    %get3A_53 = vector.load %arg6[%get3A_51, %get3A_52] : memref<256x256xf32, #tpu.memory_space<vmem>>, vector<256x256xf32>
    %dot_general3A_54 = arith.constant dense<0.000000e+00> : vector<1000x256xf32>
    %dot_general3A_55 = tpu.matmul %add3A_35, %get3A_53, %dot_general3A_54 {dimension_numbers = #tpu.dot_dimension_numbers<[1], [0], [0], [1], [0, 0, 1, 1], [], []>, transpose_lhs_hint = false} : vector<1000x256xf32>, vector<256x256xf32>, vector<1000x256xf32> -> vector<1000x256xf32>
    %mul3A_56 = vector.broadcast %rsqrt3A_47 : vector<1000x1xf32> to vector<1000x256xf32>
    %mul3A_57 = arith.mulf %dot_general3A_55, %mul3A_56 : vector<1000x256xf32>
    %slice3A = vector.extract_strided_slice %mul3A_57 {offsets = [0, 0], sizes = [1000, 128], strides = [1, 1]} : vector<1000x256xf32> to vector<1000x128xf32>
    %swap3A_58 = arith.constant 0 : index
    %swap3A_59 = arith.constant 0 : index
    %swap3A_60 = arith.constant 0 : index
    %swap3A_61 = vector.load %arg9[%swap3A_58, %swap3A_59, %swap3A_60] : memref<2x1000x128xf32, #tpu.memory_space<vmem>>, vector<1x1000x128xf32>
    %swap3A_62 = vector.shape_cast %swap3A_61 : vector<1x1000x128xf32> to vector<1000x128xf32>
    %swap3A_63 = vector.shape_cast %slice3A : vector<1000x128xf32> to vector<1x1000x128xf32>
    tpu.vector_store %arg9[%swap3A_58, %swap3A_59, %swap3A_60], %swap3A_63 {strides = array<i32>} : memref<2x1000x128xf32, #tpu.memory_space<vmem>>, vector<1x1000x128xf32>,
    %slice3A_64 = vector.extract_strided_slice %mul3A_57 {offsets = [0, 128], sizes = [1000, 128], strides = [1, 1]} : vector<1000x256xf32> to vector<1000x128xf32>
    %swap3A_65 = arith.constant 1 : index
    %swap3A_66 = arith.constant 0 : index
    %swap3A_67 = arith.constant 0 : index
    %swap3A_68 = vector.load %arg9[%swap3A_65, %swap3A_66, %swap3A_67] : memref<2x1000x128xf32, #tpu.memory_space<vmem>>, vector<1x1000x128xf32>
    %swap3A_69 = vector.shape_cast %swap3A_68 : vector<1x1000x128xf32> to vector<1000x128xf32>
    %swap3A_70 = vector.shape_cast %slice3A_64 : vector<1000x128xf32> to vector<1x1000x128xf32>
    tpu.vector_store %arg9[%swap3A_65, %swap3A_66, %swap3A_67], %swap3A_70 {strides = array<i32>} : memref<2x1000x128xf32, #tpu.memory_space<vmem>>, vector<1x1000x128xf32>,
    return
  }
  func.func @transform_0(%arg0: i32) -> (i32, i32) {
    %c0_i32 = arith.constant 0 : i32
    %c0_i32_0 = arith.constant 0 : i32
    return %arg0, %c0_i32 : i32, i32
  }
  func.func @transform_1(%arg0: i32) -> (i32, i32) {
    %c0_i32 = arith.constant 0 : i32
    %c0_i32_0 = arith.constant 0 : i32
    %c0_i32_1 = arith.constant 0 : i32
    return %c0_i32, %c0_i32_0 : i32, i32
  }
  func.func @transform_2(%arg0: i32) -> i32 {
    %c0_i32 = arith.constant 0 : i32
    %c0_i32_0 = arith.constant 0 : i32
    return %c0_i32 : i32
  }
  func.func @transform_3(%arg0: i32) -> i32 {
    %c0_i32 = arith.constant 0 : i32
    %c0_i32_0 = arith.constant 0 : i32
    return %c0_i32 : i32
  }
  func.func @transform_4(%arg0: i32) -> i32 {
    %c0_i32 = arith.constant 0 : i32
    %c0_i32_0 = arith.constant 0 : i32
    return %c0_i32 : i32
  }
  func.func @transform_5(%arg0: i32) -> (i32, i32) {
    %c0_i32 = arith.constant 0 : i32
    %c0_i32_0 = arith.constant 0 : i32
    %c0_i32_1 = arith.constant 0 : i32
    return %c0_i32, %c0_i32_0 : i32, i32
  }
  func.func @transform_6(%arg0: i32) -> (i32, i32) {
    %c0_i32 = arith.constant 0 : i32
    %c0_i32_0 = arith.constant 0 : i32
    return %arg0, %c0_i32 : i32, i32
  }
  func.func @transform_7(%arg0: i32) -> (i32, i32) {
    %c0_i32 = arith.constant 0 : i32
    %c0_i32_0 = arith.constant 0 : i32
    return %arg0, %c0_i32 : i32, i32
  }
  func.func @transform_8(%arg0: i32) -> (i32, i32, i32) {
    %c0_i32 = arith.constant 0 : i32
    %c0_i32_0 = arith.constant 0 : i32
    %c0_i32_1 = arith.constant 0 : i32
    return %c0_i32, %arg0, %c0_i32_0 : i32, i32, i32
  }
  func.func @transform_9(%arg0: i32) -> (i32, i32) {
    %c0_i32 = arith.constant 0 : i32
    %c0_i32_0 = arith.constant 0 : i32
    return %arg0, %c0_i32 : i32, i32
  }
}

module attributes {stable_mosaic.version = 14 : i64} {
  func.func @_hop_body(%arg0: i32, %arg1: memref<2x1000x128xf32, #tpu.memory_space<vmem>>, %arg2: memref<1000x1xf32, #tpu.memory_space<vmem>>, %arg3: memref<256xf32, #tpu.memory_space<vmem>>, %arg4: memref<256x256xf32, #tpu.memory_space<vmem>>, %arg5: memref<1000x256xf32, #tpu.memory_space<vmem>>, %arg6: memref<2x1000x128xf32, #tpu.memory_space<vmem>>) attributes {dimension_semantics = [#tpu.dimension_semantics<arbitrary>], iteration_bounds = array<i64: 10>, scalar_prefetch = 0 : i64, scratch_operands = 0 : i64, tpu.core_type = #tpu.core_type<tc>, window_params = [{transform_indices = @transform_0, window_bounds = array<i64: 2, 1000, 128>}, {transform_indices = @transform_1, window_bounds = array<i64: 1000, 1>}, {pipeline_mode = #tpu.pipeline_mode<synchronous>, transform_indices = @transform_2, window_bounds = array<i64: 256>}, {pipeline_mode = #tpu.pipeline_mode<synchronous>, transform_indices = @transform_3, window_bounds = array<i64: 256, 256>}, {transform_indices = @transform_4, window_bounds = array<i64: 1000, 256>}, {transform_indices = @transform_5, window_bounds = array<i64: 2, 1000, 128>}]} {
    %get3A = arith.constant 0 : index
    %get3A_0 = arith.constant 0 : index
    %get3A_1 = vector.load %arg2[%get3A, %get3A_0] : memref<1000x1xf32, #tpu.memory_space<vmem>>, vector<1000x1xf32>
    %get3A_2 = arith.constant 0 : index
    %get3A_3 = arith.constant 0 : index
    %get3A_4 = arith.constant 0 : index
    %get3A_5 = vector.load %arg1[%get3A_2, %get3A_3, %get3A_4] : memref<2x1000x128xf32, #tpu.memory_space<vmem>>, vector<1x1000x128xf32>
    %get3A_6 = vector.shape_cast %get3A_5 : vector<1x1000x128xf32> to vector<1000x128xf32>
    %get3A_7 = arith.constant 1 : index
    %get3A_8 = arith.constant 0 : index
    %get3A_9 = arith.constant 0 : index
    %get3A_10 = vector.load %arg1[%get3A_7, %get3A_8, %get3A_9] : memref<2x1000x128xf32, #tpu.memory_space<vmem>>, vector<1x1000x128xf32>
    %get3A_11 = vector.shape_cast %get3A_10 : vector<1x1000x128xf32> to vector<1000x128xf32>
    %concatenate3A = tpu.concatenate %get3A_6, %get3A_11 in 1 : vector<1000x128xf32>, vector<1000x128xf32> -> vector<1000x256xf32>
    %mul3A = vector.broadcast %get3A_1 : vector<1000x1xf32> to vector<1000x256xf32>
    %mul3A_12 = arith.mulf %concatenate3A, %mul3A : vector<1000x256xf32>
    %get3A_13 = arith.constant 0 : index
    %get3A_14 = vector.load %arg3[%get3A_13] : memref<256xf32, #tpu.memory_space<vmem>>, vector<256xf32>
    %broadcast_in_dim3A = vector.shape_cast %get3A_14 : vector<256xf32> to vector<1x256xf32>
    %add3A = vector.broadcast %broadcast_in_dim3A : vector<1x256xf32> to vector<1000x256xf32>
    %add3A_15 = arith.addf %mul3A_12, %add3A : vector<1000x256xf32>
    %swap3A = arith.constant 0 : index
    %swap3A_16 = arith.constant 0 : index
    %swap3A_17 = vector.load %arg5[%swap3A, %swap3A_16] : memref<1000x256xf32, #tpu.memory_space<vmem>>, vector<1000x256xf32>
    tpu.vector_store %arg5[%swap3A, %swap3A_16], %add3A_15 {strides = array<i32>} : memref<1000x256xf32, #tpu.memory_space<vmem>>, vector<1000x256xf32>,
    %get3A_18 = arith.constant 0 : index
    %get3A_19 = arith.constant 0 : index
    %get3A_20 = vector.load %arg4[%get3A_18, %get3A_19] : memref<256x256xf32, #tpu.memory_space<vmem>>, vector<256x256xf32>
    %dot_general3A = arith.constant dense<0.000000e+00> : vector<1000x256xf32>
    %dot_general3A_21 = tpu.matmul %add3A_15, %get3A_20, %dot_general3A {dimension_numbers = #tpu.dot_dimension_numbers<[1], [0], [0], [1], [0, 0, 1, 1], [], []>, transpose_lhs_hint = false} : vector<1000x256xf32>, vector<256x256xf32>, vector<1000x256xf32> -> vector<1000x256xf32>
    %mul3A_22 = vector.broadcast %get3A_1 : vector<1000x1xf32> to vector<1000x256xf32>
    %mul3A_23 = arith.mulf %dot_general3A_21, %mul3A_22 : vector<1000x256xf32>
    %slice3A = vector.extract_strided_slice %mul3A_23 {offsets = [0, 0], sizes = [1000, 128], strides = [1, 1]} : vector<1000x256xf32> to vector<1000x128xf32>
    %swap3A_24 = arith.constant 0 : index
    %swap3A_25 = arith.constant 0 : index
    %swap3A_26 = arith.constant 0 : index
    %swap3A_27 = vector.load %arg6[%swap3A_24, %swap3A_25, %swap3A_26] : memref<2x1000x128xf32, #tpu.memory_space<vmem>>, vector<1x1000x128xf32>
    %swap3A_28 = vector.shape_cast %swap3A_27 : vector<1x1000x128xf32> to vector<1000x128xf32>
    %swap3A_29 = vector.shape_cast %slice3A : vector<1000x128xf32> to vector<1x1000x128xf32>
    tpu.vector_store %arg6[%swap3A_24, %swap3A_25, %swap3A_26], %swap3A_29 {strides = array<i32>} : memref<2x1000x128xf32, #tpu.memory_space<vmem>>, vector<1x1000x128xf32>,
    %slice3A_30 = vector.extract_strided_slice %mul3A_23 {offsets = [0, 128], sizes = [1000, 128], strides = [1, 1]} : vector<1000x256xf32> to vector<1000x128xf32>
    %swap3A_31 = arith.constant 1 : index
    %swap3A_32 = arith.constant 0 : index
    %swap3A_33 = arith.constant 0 : index
    %swap3A_34 = vector.load %arg6[%swap3A_31, %swap3A_32, %swap3A_33] : memref<2x1000x128xf32, #tpu.memory_space<vmem>>, vector<1x1000x128xf32>
    %swap3A_35 = vector.shape_cast %swap3A_34 : vector<1x1000x128xf32> to vector<1000x128xf32>
    %swap3A_36 = vector.shape_cast %slice3A_30 : vector<1000x128xf32> to vector<1x1000x128xf32>
    tpu.vector_store %arg6[%swap3A_31, %swap3A_32, %swap3A_33], %swap3A_36 {strides = array<i32>} : memref<2x1000x128xf32, #tpu.memory_space<vmem>>, vector<1x1000x128xf32>,
    return
  }
  func.func @transform_0(%arg0: i32) -> (i32, i32, i32) {
    %c0_i32 = arith.constant 0 : i32
    %c0_i32_0 = arith.constant 0 : i32
    %c0_i32_1 = arith.constant 0 : i32
    return %c0_i32, %arg0, %c0_i32_0 : i32, i32, i32
  }
  func.func @transform_1(%arg0: i32) -> (i32, i32) {
    %c0_i32 = arith.constant 0 : i32
    %c0_i32_0 = arith.constant 0 : i32
    return %arg0, %c0_i32 : i32, i32
  }
  func.func @transform_2(%arg0: i32) -> i32 {
    %c0_i32 = arith.constant 0 : i32
    %c0_i32_0 = arith.constant 0 : i32
    return %c0_i32 : i32
  }
  func.func @transform_3(%arg0: i32) -> (i32, i32) {
    %c0_i32 = arith.constant 0 : i32
    %c0_i32_0 = arith.constant 0 : i32
    %c0_i32_1 = arith.constant 0 : i32
    return %c0_i32, %c0_i32_0 : i32, i32
  }
  func.func @transform_4(%arg0: i32) -> (i32, i32) {
    %c0_i32 = arith.constant 0 : i32
    %c0_i32_0 = arith.constant 0 : i32
    return %arg0, %c0_i32 : i32, i32
  }
  func.func @transform_5(%arg0: i32) -> (i32, i32, i32) {
    %c0_i32 = arith.constant 0 : i32
    %c0_i32_0 = arith.constant 0 : i32
    %c0_i32_1 = arith.constant 0 : i32
    return %c0_i32, %arg0, %c0_i32_0 : i32, i32, i32
  }
}

module attributes {stable_mosaic.version = 14 : i64} {
  func.func @_final_body(%arg0: i32, %arg1: memref<1000x256xf32, #tpu.memory_space<vmem>>, %arg2: memref<1000x256xf32, #tpu.memory_space<vmem>>, %arg3: memref<1000x256xf32, #tpu.memory_space<vmem>>, %arg4: memref<2x1000x128xf32, #tpu.memory_space<vmem>>, %arg5: memref<1000x1xf32, #tpu.memory_space<vmem>>, %arg6: memref<256xf32, #tpu.memory_space<vmem>>, %arg7: memref<1024x256xf32, #tpu.memory_space<vmem>>, %arg8: memref<256xf32, #tpu.memory_space<vmem>>, %arg9: memref<256xf32, #tpu.memory_space<vmem>>, %arg10: memref<256xf32, #tpu.memory_space<vmem>>, %arg11: memref<1000x256xf32, #tpu.memory_space<vmem>>) attributes {dimension_semantics = [#tpu.dimension_semantics<arbitrary>], iteration_bounds = array<i64: 10>, scalar_prefetch = 0 : i64, scratch_operands = 0 : i64, tpu.core_type = #tpu.core_type<tc>, window_params = [{transform_indices = @transform_0, window_bounds = array<i64: 1000, 256>}, {transform_indices = @transform_1, window_bounds = array<i64: 1000, 256>}, {transform_indices = @transform_2, window_bounds = array<i64: 1000, 256>}, {transform_indices = @transform_3, window_bounds = array<i64: 2, 1000, 128>}, {transform_indices = @transform_4, window_bounds = array<i64: 1000, 1>}, {pipeline_mode = #tpu.pipeline_mode<synchronous>, transform_indices = @transform_5, window_bounds = array<i64: 256>}, {pipeline_mode = #tpu.pipeline_mode<synchronous>, transform_indices = @transform_6, window_bounds = array<i64: 1024, 256>}, {pipeline_mode = #tpu.pipeline_mode<synchronous>, transform_indices = @transform_7, window_bounds = array<i64: 256>}, {pipeline_mode = #tpu.pipeline_mode<synchronous>, transform_indices = @transform_8, window_bounds = array<i64: 256>}, {pipeline_mode = #tpu.pipeline_mode<synchronous>, transform_indices = @transform_9, window_bounds = array<i64: 256>}, {transform_indices = @transform_10, window_bounds = array<i64: 1000, 256>}]} {
    %get3A = arith.constant 0 : index
    %get3A_0 = arith.constant 0 : index
    %get3A_1 = arith.constant 0 : index
    %get3A_2 = vector.load %arg4[%get3A, %get3A_0, %get3A_1] : memref<2x1000x128xf32, #tpu.memory_space<vmem>>, vector<1x1000x128xf32>
    %get3A_3 = vector.shape_cast %get3A_2 : vector<1x1000x128xf32> to vector<1000x128xf32>
    %get3A_4 = arith.constant 1 : index
    %get3A_5 = arith.constant 0 : index
    %get3A_6 = arith.constant 0 : index
    %get3A_7 = vector.load %arg4[%get3A_4, %get3A_5, %get3A_6] : memref<2x1000x128xf32, #tpu.memory_space<vmem>>, vector<1x1000x128xf32>
    %get3A_8 = vector.shape_cast %get3A_7 : vector<1x1000x128xf32> to vector<1000x128xf32>
    %concatenate3A = tpu.concatenate %get3A_3, %get3A_8 in 1 : vector<1000x128xf32>, vector<1000x128xf32> -> vector<1000x256xf32>
    %get3A_9 = arith.constant 0 : index
    %get3A_10 = arith.constant 0 : index
    %get3A_11 = vector.load %arg5[%get3A_9, %get3A_10] : memref<1000x1xf32, #tpu.memory_space<vmem>>, vector<1000x1xf32>
    %mul3A = vector.broadcast %get3A_11 : vector<1000x1xf32> to vector<1000x256xf32>
    %mul3A_12 = arith.mulf %concatenate3A, %mul3A : vector<1000x256xf32>
    %get3A_13 = arith.constant 0 : index
    %get3A_14 = vector.load %arg6[%get3A_13] : memref<256xf32, #tpu.memory_space<vmem>>, vector<256xf32>
    %broadcast_in_dim3A = vector.shape_cast %get3A_14 : vector<256xf32> to vector<1x256xf32>
    %add3A = vector.broadcast %broadcast_in_dim3A : vector<1x256xf32> to vector<1000x256xf32>
    %add3A_15 = arith.addf %mul3A_12, %add3A : vector<1000x256xf32>
    %get3A_16 = arith.constant 0 : index
    %get3A_17 = arith.constant 0 : index
    %get3A_18 = vector.load %arg1[%get3A_16, %get3A_17] : memref<1000x256xf32, #tpu.memory_space<vmem>>, vector<1000x256xf32>
    %get3A_19 = arith.constant 0 : index
    %get3A_20 = arith.constant 0 : index
    %get3A_21 = vector.load %arg2[%get3A_19, %get3A_20] : memref<1000x256xf32, #tpu.memory_space<vmem>>, vector<1000x256xf32>
    %get3A_22 = arith.constant 0 : index
    %get3A_23 = arith.constant 0 : index
    %get3A_24 = vector.load %arg3[%get3A_22, %get3A_23] : memref<1000x256xf32, #tpu.memory_space<vmem>>, vector<1000x256xf32>
    %concatenate3A_25 = tpu.concatenate %get3A_18, %get3A_21, %get3A_24, %add3A_15 in 1 : vector<1000x256xf32>, vector<1000x256xf32>, vector<1000x256xf32>, vector<1000x256xf32> -> vector<1000x1024xf32>
    %get3A_26 = arith.constant 0 : index
    %get3A_27 = arith.constant 0 : index
    %get3A_28 = vector.load %arg7[%get3A_26, %get3A_27] : memref<1024x256xf32, #tpu.memory_space<vmem>>, vector<1024x256xf32>
    %dot_general3A = arith.constant dense<0.000000e+00> : vector<1000x256xf32>
    %dot_general3A_29 = tpu.matmul %concatenate3A_25, %get3A_28, %dot_general3A {dimension_numbers = #tpu.dot_dimension_numbers<[1], [0], [0], [1], [0, 0, 1, 1], [], []>, transpose_lhs_hint = false} : vector<1000x1024xf32>, vector<1024x256xf32>, vector<1000x256xf32> -> vector<1000x256xf32>
    %get3A_30 = arith.constant 0 : index
    %get3A_31 = vector.load %arg8[%get3A_30] : memref<256xf32, #tpu.memory_space<vmem>>, vector<256xf32>
    %broadcast_in_dim3A_32 = vector.shape_cast %get3A_31 : vector<256xf32> to vector<1x256xf32>
    %add3A_33 = vector.broadcast %broadcast_in_dim3A_32 : vector<1x256xf32> to vector<1000x256xf32>
    %add3A_34 = arith.addf %dot_general3A_29, %add3A_33 : vector<1000x256xf32>
    %get3A_35 = arith.constant 0 : index
    %get3A_36 = vector.load %arg9[%get3A_35] : memref<256xf32, #tpu.memory_space<vmem>>, vector<256xf32>
    %get3A_37 = arith.constant 0 : index
    %get3A_38 = vector.load %arg10[%get3A_37] : memref<256xf32, #tpu.memory_space<vmem>>, vector<256xf32>
    %reduce_sum3A = arith.constant dense<0.000000e+00> : vector<1000xf32>
    %reduce_sum3A_39 = vector.multi_reduction <add>, %add3A_34, %reduce_sum3A [1] : vector<1000x256xf32> to vector<1000xf32>
    %broadcast_in_dim3A_40 = vector.shape_cast %reduce_sum3A_39 : vector<1000xf32> to vector<1000x1xf32>
    %div3A = arith.constant 2.560000e+02 : f32
    %div3A_41 = vector.broadcast %div3A : f32 to vector<1000x1xf32>
    %div3A_42 = arith.divf %broadcast_in_dim3A_40, %div3A_41 : vector<1000x1xf32>
    %sub3A = vector.broadcast %div3A_42 : vector<1000x1xf32> to vector<1000x256xf32>
    %sub3A_43 = arith.subf %add3A_34, %sub3A : vector<1000x256xf32>
    %integer_pow3A = arith.mulf %sub3A_43, %sub3A_43 : vector<1000x256xf32>
    %reduce_sum3A_44 = arith.constant dense<0.000000e+00> : vector<1000xf32>
    %reduce_sum3A_45 = vector.multi_reduction <add>, %integer_pow3A, %reduce_sum3A_44 [1] : vector<1000x256xf32> to vector<1000xf32>
    %broadcast_in_dim3A_46 = vector.shape_cast %reduce_sum3A_45 : vector<1000xf32> to vector<1000x1xf32>
    %div3A_47 = arith.constant 2.560000e+02 : f32
    %div3A_48 = vector.broadcast %div3A_47 : f32 to vector<1000x1xf32>
    %div3A_49 = arith.divf %broadcast_in_dim3A_46, %div3A_48 : vector<1000x1xf32>
    %sub3A_50 = vector.broadcast %div3A_42 : vector<1000x1xf32> to vector<1000x256xf32>
    %sub3A_51 = arith.subf %add3A_34, %sub3A_50 : vector<1000x256xf32>
    %add3A_52 = arith.constant 9.99999974E-6 : f32
    %add3A_53 = vector.broadcast %add3A_52 : f32 to vector<1000x1xf32>
    %add3A_54 = arith.addf %div3A_49, %add3A_53 : vector<1000x1xf32>
    %rsqrt3A = math.rsqrt %add3A_54 : vector<1000x1xf32>
    %mul3A_55 = vector.broadcast %rsqrt3A : vector<1000x1xf32> to vector<1000x256xf32>
    %mul3A_56 = arith.mulf %sub3A_51, %mul3A_55 : vector<1000x256xf32>
    %broadcast_in_dim3A_57 = vector.shape_cast %get3A_36 : vector<256xf32> to vector<1x256xf32>
    %mul3A_58 = vector.broadcast %broadcast_in_dim3A_57 : vector<1x256xf32> to vector<1000x256xf32>
    %mul3A_59 = arith.mulf %mul3A_56, %mul3A_58 : vector<1000x256xf32>
    %broadcast_in_dim3A_60 = vector.shape_cast %get3A_38 : vector<256xf32> to vector<1x256xf32>
    %add3A_61 = vector.broadcast %broadcast_in_dim3A_60 : vector<1x256xf32> to vector<1000x256xf32>
    %add3A_62 = arith.addf %mul3A_59, %add3A_61 : vector<1000x256xf32>
    %swap3A = arith.constant 0 : index
    %swap3A_63 = arith.constant 0 : index
    %swap3A_64 = vector.load %arg11[%swap3A, %swap3A_63] : memref<1000x256xf32, #tpu.memory_space<vmem>>, vector<1000x256xf32>
    tpu.vector_store %arg11[%swap3A, %swap3A_63], %add3A_62 {strides = array<i32>} : memref<1000x256xf32, #tpu.memory_space<vmem>>, vector<1000x256xf32>,
    return
  }
  func.func @transform_0(%arg0: i32) -> (i32, i32) {
    %c0_i32 = arith.constant 0 : i32
    %c0_i32_0 = arith.constant 0 : i32
    return %arg0, %c0_i32 : i32, i32
  }
  func.func @transform_1(%arg0: i32) -> (i32, i32) {
    %c0_i32 = arith.constant 0 : i32
    %c0_i32_0 = arith.constant 0 : i32
    return %arg0, %c0_i32 : i32, i32
  }
  func.func @transform_2(%arg0: i32) -> (i32, i32) {
    %c0_i32 = arith.constant 0 : i32
    %c0_i32_0 = arith.constant 0 : i32
    return %arg0, %c0_i32 : i32, i32
  }
  func.func @transform_3(%arg0: i32) -> (i32, i32, i32) {
    %c0_i32 = arith.constant 0 : i32
    %c0_i32_0 = arith.constant 0 : i32
    %c0_i32_1 = arith.constant 0 : i32
    return %c0_i32, %arg0, %c0_i32_0 : i32, i32, i32
  }
  func.func @transform_4(%arg0: i32) -> (i32, i32) {
    %c0_i32 = arith.constant 0 : i32
    %c0_i32_0 = arith.constant 0 : i32
    return %arg0, %c0_i32 : i32, i32
  }
  func.func @transform_5(%arg0: i32) -> i32 {
    %c0_i32 = arith.constant 0 : i32
    %c0_i32_0 = arith.constant 0 : i32
    return %c0_i32 : i32
  }
  func.func @transform_6(%arg0: i32) -> (i32, i32) {
    %c0_i32 = arith.constant 0 : i32
    %c0_i32_0 = arith.constant 0 : i32
    %c0_i32_1 = arith.constant 0 : i32
    return %c0_i32, %c0_i32_0 : i32, i32
  }
  func.func @transform_7(%arg0: i32) -> i32 {
    %c0_i32 = arith.constant 0 : i32
    %c0_i32_0 = arith.constant 0 : i32
    return %c0_i32 : i32
  }
  func.func @transform_8(%arg0: i32) -> i32 {
    %c0_i32 = arith.constant 0 : i32
    %c0_i32_0 = arith.constant 0 : i32
    return %c0_i32 : i32
  }
  func.func @transform_9(%arg0: i32) -> i32 {
    %c0_i32 = arith.constant 0 : i32
    %c0_i32_0 = arith.constant 0 : i32
    return %c0_i32 : i32
  }
  func.func @transform_10(%arg0: i32) -> (i32, i32) {
    %c0_i32 = arith.constant 0 : i32
    %c0_i32_0 = arith.constant 0 : i32
    return %arg0, %c0_i32 : i32, i32
  }
}

</mosaic_0001>

<sc_bundles>
// kernel: kernel.10.cloned.1.call-start
scs
__scs_entry_jumppad:
0x0: {  	(pc) =	sbr.rel $0x88, $3  }
0x1: {  	(tag) =	ssettag $0x0;
	lr =	simm.s32 $0x1  }
0x2: {  	[smem:$0x3F91] =	sst lr;
	_ =	strace $0xD0000000  }
0x3: {  	_ = 	snop  }
0x4: {  	_ = 	snop  }
0x5: {  	_ = 	snop  }
0x6: {  	_ = 	snop  }
0x7: {  	_ = 	snop  }
__scs_overlays_trampoline_lowered:
0x8: {  	[smem:$0x3FA0] =	sst s0  }
0x9: {  	[smem:$0x3FA1] =	sst s1  }
0xa: {  	[smem:$0x3FA2] =	sst s2  }
0xb: {  	[smem:$0x3FA3] =	sst s3  }
0xc: {  	[smem:$0x3FA4] =	sst s4  }
0xd: {  	[smem:$0x3FA5] =	sst s5  }
0xe: {  	[smem:$0x3FA6] =	sst s6  }
0xf: {  	[smem:$0x3FA7] =	sst s7  }
0x10: {  	[smem:$0x3FA8] =	sst s8  }
0x11: {  	[smem:$0x3FA9] =	sst s9;
	s0 =	simm.s32 @!p0 $0x0  }
0x12: {  	s1 =	sld [smem:$0x3F8F];
	s0 =	simm.s32 @p0 $0x1  }
0x13: {  	[smem:$0x3FAA] =	sst s0;
	s0 =	simm.s32 @!p1 $0x0  }
0x14: {  	s2 =	sld [smem:$0x3F8E];
	s0 =	simm.s32 @p1 $0x1  }
0x15: {  	[smem:$0x3FAB] =	sst s0;
	s0 =	simm.s32 @!p2 $0x0  }
0x16: {  	s3 =	sld [smem:$0x3FDB];
	s0 =	simm.s32 @p2 $0x1  }
0x17: {  	s4 =	simm.s32 $0x1BF5;
	[smem:$0x3FAD] =	sst s0  }
0x18: {  	s0 =	sld [smem:$0x3F90];
	_ =	swait.ge [sflag:s4], $0x0  }
0x19: {  	s7 =	sld [smem:$0x3F91]  }
0x1a: {  	s8 =	sadd.s32 $0xFFFFE003, lr  }
0x1b: {  	s9 =	sadd.s32 $0xFFFFFEF7, lr;
	s5 =	simm.s32 $0xFFFFFFFF;
	p2 =	slt.u32 s8, $0xFFFFF086  }
0x1c: {  	p1 =	slt.u32 s9, $0xF7A;
	s5 =	simm.s32 @!p2 $0x0  }
0x1d: {  	s5 =	simm.s32 @p1 $0x1;
	p0 =	seq.s32 s7, s2  }
0x1e: {  	s7 =	smul.u32 @!p0 $0xF7A, s2;
	p2 =	seq.s32 @!p0 s5, $0x0  }
0x1f: {  	s9 =	smul.u32 $0xF7A, s1;
	s8 =	simm.s32 @!p0 $0x1BF5;
	p2 =	por !p2, p0  }
0x20: {  	[sflag:s8] =	ssyncset.s32 @!p0 $0xFFFFF086;
	s6 =	sadd.s32 @!p0 s3, s7;
	s7 =	simm.s32 @!p0 $0x108  }
0x21: {  	s3 =	sadd.s32 s3, s9;
	s6 =	sadd.s32 @!p0 $0x88, s6;
	s7 =	simm.s32 @p2 $0x1082  }
0x22: {  	[simem:s7], [sflag:s8] =	dma.local @!p0 [hbm:s6], $0xF7A  }
0x23: {  	s9 =	sor.u32 $0xD0000000, s2;
	s6 =	simm.s32 $0x108;
	_ =	swait.ge @!p0 [sflag:s8], $0x0  }
0x24: {  	s3 =	sadd.s32 $0x88, s3;
	s6 =	simm.s32 @!p1 $0x1082;
	[sflag:s4] =	ssyncset.s32 $0xFFFFF086  }
0x25: {  	[simem:s6], [sflag:s4] =	dma.local [hbm:s3], $0xF7A  }
0x26: {  	[smem:$0x3F91] =	sst s1;
	(tag) =	ssettag s2;
	_ =	strace s9  }
0x27: {  	s1 =	sld [smem:$0x3FA1]  }
0x28: {  	s2 =	sld [smem:$0x3FA2]  }
0x29: {  	s4 =	sld [smem:$0x3FA4]  }
0x2a: {  	p0 =	seq.s32 s5, $0x0;
	s5 =	sld [smem:$0x3FA5]  }
0x2b: {  	s6 =	sld [smem:$0x3FA6]  }
0x2c: {  	s7 =	sld [smem:$0x3FA7]  }
0x2d: {  	s3 =	simm.s32 $0x108;
	s8 =	sld [smem:$0x3FA8]  }
0x2e: {  	s3 =	simm.s32 @!p0 $0x1082;
	s9 =	sld [smem:$0x3FA9]  }
0x2f: {  	lr =	sadd.s32 s0, s3;
	s0 =	sld [smem:$0x3FA0]  }
0x30: {  	s3 =	sld [smem:$0x3FA3]  }
0x31: {  	[smem:$0x3FAC] =	sst s10  }
0x32: {  	s10 =	sld [smem:$0x3FAA];
	_ =	sdelay $0x3  }
0x33: {  	p0 =	seq.s32 s10, $0x1;
	s10 =	sld [smem:$0x3FAC];
	_ =	sdelay $0x3  }
0x34: {  	[smem:$0x3FAC] =	sst s10  }
0x35: {  	s10 =	sld [smem:$0x3FAB];
	_ =	sdelay $0x3  }
0x36: {  	p1 =	seq.s32 s10, $0x1;
	s10 =	sld [smem:$0x3FAC];
	_ =	sdelay $0x3  }
0x37: {  	[smem:$0x3FAC] =	sst s10  }
0x38: {  	s10 =	sld [smem:$0x3FAD]  }
0x39: {  	_ = 	snop;
	(pc) =	sbr.ind lr, $3  }
0x3a: {  	_ = 	snop  }
0x3b: {  	_ = 	snop  }
0x3c: {  	p2 =	seq.s32 s10, $0x1;
	s10 =	sld [smem:$0x3FAC]  }
0x3d: {  	_ =	shalt  }
0x3e: {  	_ =	shalt  }
0x3f: {  	_ =	shalt  }
0x40: {  	_ =	shalt  }
0x41: {  	_ =	shalt  }
0x42: {  	_ =	shalt  }
0x43: {  	_ =	shalt  }
0x44: {  	_ =	shalt  }
0x45: {  	_ =	shalt  }
0x46: {  	_ =	shalt  }
0x47: {  	_ =	shalt  }
0x48: {  	_ =	shalt  }
0x49: {  	_ =	shalt  }
0x4a: {  	_ =	shalt  }
0x4b: {  	_ =	shalt  }
0x4c: {  	_ =	shalt  }
0x4d: {  	_ =	shalt  }
0x4e: {  	_ =	shalt  }
0x4f: {  	_ =	shalt  }
0x50: {  	_ =	shalt  }
0x51: {  	_ =	shalt  }
0x52: {  	_ =	shalt  }
0x53: {  	_ =	shalt  }
0x54: {  	_ =	shalt  }
0x55: {  	_ =	shalt  }
0x56: {  	_ =	shalt  }
0x57: {  	_ =	shalt  }
0x58: {  	_ =	shalt  }
0x59: {  	_ =	shalt  }
0x5a: {  	_ =	shalt  }
0x5b: {  	_ =	shalt  }
0x5c: {  	_ =	shalt  }
0x5d: {  	_ =	shalt  }
0x5e: {  	_ =	shalt  }
0x5f: {  	_ =	shalt  }
0x60: {  	_ =	shalt  }
0x61: {  	_ =	shalt  }
0x62: {  	_ =	shalt  }
0x63: {  	_ =	shalt  }
0x64: {  	_ =	shalt  }
0x65: {  	_ =	shalt  }
0x66: {  	_ =	shalt  }
0x67: {  	_ =	shalt  }
0x68: {  	_ =	shalt  }
0x69: {  	_ =	shalt  }
0x6a: {  	_ =	shalt  }
0x6b: {  	_ =	shalt  }
0x6c: {  	_ =	shalt  }
0x6d: {  	_ =	shalt  }
0x6e: {  	_ =	shalt  }
0x6f: {  	_ =	shalt  }
0x70: {  	_ =	shalt  }
0x71: {  	_ =	shalt  }
0x72: {  	_ =	shalt  }
0x73: {  	_ =	shalt  }
0x74: {  	_ =	shalt  }
0x75: {  	_ =	shalt  }
0x76: {  	_ =	shalt  }
0x77: {  	_ =	shalt  }
0x78: {  	_ =	shalt  }
0x79: {  	_ =	shalt  }
0x7a: {  	_ =	shalt  }
0x7b: {  	_ =	shalt  }
0x7c: {  	_ =	shalt  }
0x7d: {  	_ =	shalt  }
0x7e: {  	_ =	shalt  }
0x7f: {  	_ =	shalt  }
0x80: {  	_ =	shalt  }
0x81: {  	_ =	shalt  }
0x82: {  	_ =	shalt  }
0x83: {  	_ =	shalt  }
0x84: {  	_ =	shalt  }
0x85: {  	_ =	shalt  }
0x86: {  	_ =	shalt  }
0x87: {  	_ =	shalt  }
.Lfunc_end0:
.L_simem_size_0:
called_computation_lowered:
.L_overlay_start_0:
0x88: {  	s2 =	sld [smem:$0x3FD9]  }
0x89: {  	s3 =	sld [smem:$0x3FFE];
	_ =	sdelay $0x1  }
0x8a: {  	s1 =	srdreg.scid  }
0x8b: {  	s0 =	sand.u32 $0x1, s1  }
0x8c: {  	s17 =	sshll.u32 s0, $0xA;
	s2 =	sadd.s32 s3, s2  }
0x8d: {  	s2 =	sadd.s32 s2, s17  }
0x8e: {  	[smem:$0x3FB8] =	sst s2  }
0x8f: {  	_ = 	snop  }
0x90: {  	s2 =	sld [smem:$0x3FD0];
	(tm) =	ssettm $0x1  }
0x91: {  	s18 =	sld [smem:$0x3FFB];
	_ =	sdelay $0x3  }
0x92: {  	_ =	strace s18  }
0x93: {  	s3 =	sld [smem:$0x3FFC];
	_ =	sdelay $0x3  }
0x94: {  	_ =	strace s3  }
0x95: {  	s3 =	sld [smem:$0x3FFD];
	_ =	sdelay $0x3  }
0x96: {  	_ =	strace s3  }
0x97: {  	_ =	strace $0x8FFFFFFF  }
0x98: {  	s19 =	sld [smem:$0x3FDB];
	_ =	sdelay $0x1  }
0x99: {  	s4 =	simm.s32 $_scs_section_size  }
0x9a: {  	s5 =	simm.s32 $_size__tile_overlayer_lowered;
	s6 =	simm.s32 $_tile_overlayer_lowered  }
0x9b: {  	s22 =	simm.s32 $0x1BFF;
	s21 =	sshll.u32 s6, $0x1;
	s3 =	sadd.s32 s4, s19  }
0x9c: {  	s7 =	simm.s32 $0x0;
	s20 =	sshll.u32 s5, $0x1;
	s5 =	sadd.s32 s21, s3  }
0x9d: {  	[timem:s7], [sflag:s22] =	dma.local [hbm:s5], s20  }
0x9e: {  	_ =	swait.ge [sflag:s22], s20  }
0x9f: {  	s4 =	ssub.s32 $0x0, s20;
	[sflag:s22] =	ssyncset.done $0x0  }
0xa0: {  	[sflag:s22] =	ssyncadd.s32 s4;
	_ =	sdelay $0x1  }
0xa1: {  	s23 =	simm.s32 $0x1B8B  }
0xa2: {  	_ =	swait.ge [sflag:s23], $0x1  }
0xa3: {  	[sflag:s23] =	ssyncset.done $0x0  }
0xa4: {  	s25 =	simm.s32 $0x1B8E;
	s24 =	sld [smem:$0x3FFE];
	[sflag:s23] =	ssyncadd.s32 $0xFFFFFFFF  }
0xa5: {  	s26 =	simm.s32 $execute0_lowered;
	[smem:$0x3FD2] =	sst s25  }
0xa6: {  	s5 =	sshll.u32 s26, $0x1;
	_ =	strace $0x80000046;
	[dreg:$0x1] =	wrdreg $0xFFFFFFFF  }
0xa7: {  	s28 =	simm.s32 $_size_execute0_lowered;
	s3 =	sadd.s32 s3, s5;
	[dreg:$0x0] =	wrdreg $0x0  }
0xa8: {  	s5 =	sshll.u32 s28, $0x1;
	[dreg:$0x2] =	wrdreg s3  }
0xa9: {  	[dreg:$0x3] =	wrdreg s5  }
0xaa: {  	[dreg:$0x4] =	wrdreg $0xC0  }
0xab: {  	_ =	task [dreg:s7], $0x5FFFF  }
0xac: {  	[dreg:$0x1] =	wrdreg $0xFFFFFFFF  }
0xad: {  	[dreg:$0x0] =	wrdreg $0x60  }
0xae: {  	[dreg:$0x2] =	wrdreg s24  }
0xaf: {  	[dreg:$0x3] =	wrdreg s2  }
0xb0: {  	[dreg:$0x4] =	wrdreg $0x9  }
0xb1: {  	_ =	task.clear_ibuf [dreg:s7], $0x5FFFF;
	_ =	strace $0x90000046  }
0xb2: {  	s29 =	simm.s32 $0x9;
	_ =	strace $0x80000048  }
0xb3: {  	_ =	swait.ge [sflag:s29], $0x1  }
0xb4: {  	[sflag:s29] =	ssyncadd.s32 $0xFFFFFFFF  }
0xb5: {  	_ =	strace $0x90000048  }
0xb6: {  	_ =	sfence  }
0xb7: {  	s30 =	sld [smem:$0x0];
	_ =	sdelay $0x2  }
0xb8: {  	s31 =	sshll.u32 s1, $0xD;
	s1 =	sshrl.u32 s1, $0x2  }
0xb9: {  	s3 =	sand.u32 $0x4000, s31;
	s1 =	sadd.s32 s1, s30  }
0xba: {  	s0 =	sor.u32 s3, s0;
	s1 =	sshll.u32 s1, $0x11  }
0xbb: {  	s0 =	sor.u32 s1, s0  }
0xbc: {  	s0 =	sadd.s32 $0x8F2B, s0  }
0xbd: {  	[sflag:s0] =	ssyncadd.remote.s32 $0x1  }
0xbe: {  	_ =	sfence.sel $0xFFFF  }
0xbf: {  	[dreg:$0x0] =	wrdreg $0xFFFFFFFF;
	(pc) =	sbr.abs _section_cstart, $3  }
0xc0: {  	[dreg:$0x1] =	wrdreg $0xFFFFFFFF  }
0xc1: {  	_ =	task.clear_ibuf [dreg:s7], $0x2FFFF;
	_ =	strace $0x9FFFFFFF  }
0xc2: {  	(tm) =	ssettm $0x7FFFFFFF  }
0xc3: {  	_ =	shalt  }
tec
execute0_lowered:
.L_overlay_start_1:
0x0: {  	(tag) =	ssettag $0x1  }
0x1: {  	s1 =	srdreg.scid  }
0x2: {  	s0 =	stileid.u32;
	s4 =	rddreg [dreg:$0x0];
	s3 =	sand.u32 $0x1, s1  }
0x3: {  	s7 =	rddreg [dreg:$0x1];
	s5 =	sshrl.u32 s0, $0x3;
	s6 =	smul.u32 $0x27800, s3  }
0x4: {  	s2 =	simm.s32 $0x0;
	s1 =	rddreg [dreg:$0x2];
	s8 =	smul.u32 $0x13C00, s5  }
0x5: {  	s10 =	sshll.u32 s0, $0x7;
	[smem:$0x7FF] =	sst s2;
	s9 =	smul.u32 $0x28000, s3  }
0x6: {  	s5 =	smul.u32 $0x14000, s5;
	s10 =	sand.u32 $0x380, s10;
	s3 =	ssub.s32 $0x2, s3  }
0x7: {  	_ =	strace $0x80000047;
	s31 =	sshrl.u32 s3, $0x1;
	s6 =	sadd.s32 s6, s8  }
0x8: {  	s5 =	sadd.s32 s9, s5;
	s8 =	simm.s32 $0x2800;
	s6 =	sor.u32 s10, s6  }
0x9: {  	s9 =	simm.s32 $0x1;
	s5 =	sor.u32 s10, s5;
	s6 =	sshrl.u32 s6, $0x3  }
0xa: {  	s10 =	simm.s32 $0x0;
	s5 =	sshrl.u32 s5, $0x3;
	s4 =	sadd.s32 s6, s4  }
0xb: {  	s6 =	ssub.s32 s3, s31;
	s3 =	sadd.s32 $0x4200, s4;
	s4 =	sadd.s32 s7, s5  }
0xc: {  	v0 =	vimm.f32 $0.0e+00;
	v1 =	vimm.f32 $1.000000000e+00;
	s5 =	smax.u32 s6, $0x1;
	s6 =	simm.s32 $0x80;
	s7 =	simm.s32 $0x400  }
.LBB2_1:
0xd: {  	[tilespmem:s8], [sflag:$0x1] =	stream.strided.gather [hbm4b:s3+s6], $0x2780, s7, s6, $0x38;
	[tilespmem:$0x4F80] =	vst v63  }
0xe: {  	_ =	swait.ge [sflag:s9], $0x2780  }
0xf: {  	[sflag:s9] =	ssyncset.done $0x0  }
0x10: {  	s11 =	simm.s32 $0x0;
	[sflag:s9] =	ssyncadd.s32 $0xFFFFD880  }
.LBB2_2:
0x11: {  	p0 =	sne.s32 s11, $0x9FC0  }
.Ltmp0:
0x12: {  	_ = 	snop;
	(pc) =	sbr.rel @p0 .LBB2_2-.Ltmp0, $3  }
0x13: {  	_ =	sdelay $0x1  }
0x14: {  	s12 =	sshra.s32 s11, $0x2  }
0x15: {  	s11 =	sadd.s32 $0x40, s11;
	[tilespmem:s12+$0x0] =	vst v0  }
0x16: {  	s12 =	simm.s32 $0x0;
	s11 =	simm.s32 $0x40  }
.LBB2_4:
0x17: {  	p0 =	sne.s32 s11, $0x9DC0;
	v2 =	vld [tilespmem:s12+$0x2800];
	_ =	sdelay $0x3  }
.Ltmp1:
0x18: {  	(pc) =	sbr.rel @p0 .LBB2_4-.Ltmp1, $2  }
0x19: {  	_ =	sdelay $0x2  }
0x1a: {  	s12 =	sshra.s32 s11, $0x2;
	s11 =	sadd.s32 $0x40, s11;
	[tilespmem:v2+s2+$0x0] =	vst.idx.add.f32.msk $0xffff, v1  }
0x1b: {  	v2 =	vld [tilespmem:s12+$0x2800];
	_ =	sdelay $0x5  }
0x1c: {  	s10 =	sadd.s32 $0x1, s10  }
0x1d: {  	p0 =	sne.s32 s10, s5  }
.Ltmp2:
0x1e: {  	[tilespmem:v2+s2+$0x0] =	vst.idx.add.f32.msk $0xffff, v1;
	(pc) =	sbr.rel @p0 .LBB2_1-.Ltmp2, $4  }
0x1f: {  	[hbm4b:s4+s6] =	stream.strided.scatter [tilespmem:s2], [sflag:$0x1], $0x2800, s7, s6, $0x38;
	[tilespmem:$0x4F80] =	vst v63  }
0x20: {  	_ =	swait.ge [sflag:s9], $0x2800  }
0x21: {  	[sflag:s9] =	ssyncset.done $0x0  }
0x22: {  	[sflag:s9] =	ssyncadd.s32 $0xFFFFD800  }
0x23: {  	_ =	sfence.sel $0x180000  }
0x24: {  	[bflag:$0x0] =	sbarrier.arrive $0xFFFF  }
0x25: {  	p0 =	sne.s32 s0, $0x0;
	_ =	strace $0x90000047  }
0x26: {  	s0 =	sadd.s32 @!p0 $0x100000, s1;
	[bflag:$0x2] =	sbarrier.arrive $0xFFFF  }
0x27: {  	[sflag:s0] =	ssyncadd.tile.s32 @!p0 $0x1;
	_ =	shalt  }
.Lfunc_end2:
_tile_overlayer_lowered:
.L_overlay_start_2:
0x28: {  	(tag) =	ssettag $0x2  }
0x29: {  	s0 =	rddreg [dreg:$0x0];
	s2 =	stileid.u32  }
0x2a: {  	s1 =	rddreg [dreg:$0x1];
	p0 =	sne.s32 s2, $0x0  }
0x2b: {  	s3 =	rddreg [dreg:$0x2];
	[bflag:$0x3] =	sbarrier.arrive $0xFFFF;
	s2 =	simm.s32 @!p0 $0x1C01  }
0x2c: {  	[timem:s3], [sflag:s2] =	dma.local @!p0 [hbm:s0], s1  }
0x2d: {  	s0 =	simm.s32 @!p0 $0x1  }
0x2e: {  	_ =	swait.ge @!p0 [sflag:s0], s1  }
0x2f: {  	s1 =	ssub.s32 @!p0 $0x0, s1;
	[sflag:s0] =	ssyncset.done @!p0 $0x0  }
0x30: {  	[sflag:s0] =	ssyncadd.s32 @!p0 s1  }
0x31: {  	[bflag:$0x3] =	sbarrier.arrive $0xFFFF  }
0x32: {  	_ =	shalt  }

// kernel: kernel.13.cloned.1.call-start
scs
__scs_entry_jumppad:
0x0: {  	(pc) =	sbr.rel $0x88, $3  }
0x1: {  	(tag) =	ssettag $0x0;
	lr =	simm.s32 $0x1  }
0x2: {  	[smem:$0x3F91] =	sst lr;
	_ =	strace $0xD0000000  }
0x3: {  	_ = 	snop  }
0x4: {  	_ = 	snop  }
0x5: {  	_ = 	snop  }
0x6: {  	_ = 	snop  }
0x7: {  	_ = 	snop  }
__scs_overlays_trampoline_lowered:
0x8: {  	[smem:$0x3FA0] =	sst s0  }
0x9: {  	[smem:$0x3FA1] =	sst s1  }
0xa: {  	[smem:$0x3FA2] =	sst s2  }
0xb: {  	[smem:$0x3FA3] =	sst s3  }
0xc: {  	[smem:$0x3FA4] =	sst s4  }
0xd: {  	[smem:$0x3FA5] =	sst s5  }
0xe: {  	[smem:$0x3FA6] =	sst s6  }
0xf: {  	[smem:$0x3FA7] =	sst s7  }
0x10: {  	[smem:$0x3FA8] =	sst s8  }
0x11: {  	[smem:$0x3FA9] =	sst s9;
	s0 =	simm.s32 @!p0 $0x0  }
0x12: {  	s1 =	sld [smem:$0x3F8F];
	s0 =	simm.s32 @p0 $0x1  }
0x13: {  	[smem:$0x3FAA] =	sst s0;
	s0 =	simm.s32 @!p1 $0x0  }
0x14: {  	s2 =	sld [smem:$0x3F8E];
	s0 =	simm.s32 @p1 $0x1  }
0x15: {  	[smem:$0x3FAB] =	sst s0;
	s0 =	simm.s32 @!p2 $0x0  }
0x16: {  	s3 =	sld [smem:$0x3FDB];
	s0 =	simm.s32 @p2 $0x1  }
0x17: {  	s4 =	simm.s32 $0x1BF5;
	[smem:$0x3FAD] =	sst s0  }
0x18: {  	s0 =	sld [smem:$0x3F90];
	_ =	swait.ge [sflag:s4], $0x0  }
0x19: {  	s7 =	sld [smem:$0x3F91]  }
0x1a: {  	s8 =	sadd.s32 $0xFFFFE003, lr  }
0x1b: {  	s9 =	sadd.s32 $0xFFFFFEF7, lr;
	s5 =	simm.s32 $0xFFFFFFFF;
	p2 =	slt.u32 s8, $0xFFFFF086  }
0x1c: {  	p1 =	slt.u32 s9, $0xF7A;
	s5 =	simm.s32 @!p2 $0x0  }
0x1d: {  	s5 =	simm.s32 @p1 $0x1;
	p0 =	seq.s32 s7, s2  }
0x1e: {  	s7 =	smul.u32 @!p0 $0xF7A, s2;
	p2 =	seq.s32 @!p0 s5, $0x0  }
0x1f: {  	s9 =	smul.u32 $0xF7A, s1;
	s8 =	simm.s32 @!p0 $0x1BF5;
	p2 =	por !p2, p0  }
0x20: {  	[sflag:s8] =	ssyncset.s32 @!p0 $0xFFFFF086;
	s6 =	sadd.s32 @!p0 s3, s7;
	s7 =	simm.s32 @!p0 $0x108  }
0x21: {  	s3 =	sadd.s32 s3, s9;
	s6 =	sadd.s32 @!p0 $0x88, s6;
	s7 =	simm.s32 @p2 $0x1082  }
0x22: {  	[simem:s7], [sflag:s8] =	dma.local @!p0 [hbm:s6], $0xF7A  }
0x23: {  	s9 =	sor.u32 $0xD0000000, s2;
	s6 =	simm.s32 $0x108;
	_ =	swait.ge @!p0 [sflag:s8], $0x0  }
0x24: {  	s3 =	sadd.s32 $0x88, s3;
	s6 =	simm.s32 @!p1 $0x1082;
	[sflag:s4] =	ssyncset.s32 $0xFFFFF086  }
0x25: {  	[simem:s6], [sflag:s4] =	dma.local [hbm:s3], $0xF7A  }
0x26: {  	[smem:$0x3F91] =	sst s1;
	(tag) =	ssettag s2;
	_ =	strace s9  }
0x27: {  	s1 =	sld [smem:$0x3FA1]  }
0x28: {  	s2 =	sld [smem:$0x3FA2]  }
0x29: {  	s4 =	sld [smem:$0x3FA4]  }
0x2a: {  	p0 =	seq.s32 s5, $0x0;
	s5 =	sld [smem:$0x3FA5]  }
0x2b: {  	s6 =	sld [smem:$0x3FA6]  }
0x2c: {  	s7 =	sld [smem:$0x3FA7]  }
0x2d: {  	s3 =	simm.s32 $0x108;
	s8 =	sld [smem:$0x3FA8]  }
0x2e: {  	s3 =	simm.s32 @!p0 $0x1082;
	s9 =	sld [smem:$0x3FA9]  }
0x2f: {  	lr =	sadd.s32 s0, s3;
	s0 =	sld [smem:$0x3FA0]  }
0x30: {  	s3 =	sld [smem:$0x3FA3]  }
0x31: {  	[smem:$0x3FAC] =	sst s10  }
0x32: {  	s10 =	sld [smem:$0x3FAA];
	_ =	sdelay $0x3  }
0x33: {  	p0 =	seq.s32 s10, $0x1;
	s10 =	sld [smem:$0x3FAC];
	_ =	sdelay $0x3  }
0x34: {  	[smem:$0x3FAC] =	sst s10  }
0x35: {  	s10 =	sld [smem:$0x3FAB];
	_ =	sdelay $0x3  }
0x36: {  	p1 =	seq.s32 s10, $0x1;
	s10 =	sld [smem:$0x3FAC];
	_ =	sdelay $0x3  }
0x37: {  	[smem:$0x3FAC] =	sst s10  }
0x38: {  	s10 =	sld [smem:$0x3FAD]  }
0x39: {  	_ = 	snop;
	(pc) =	sbr.ind lr, $3  }
0x3a: {  	_ = 	snop  }
0x3b: {  	_ = 	snop  }
0x3c: {  	p2 =	seq.s32 s10, $0x1;
	s10 =	sld [smem:$0x3FAC]  }
0x3d: {  	_ =	shalt  }
0x3e: {  	_ =	shalt  }
0x3f: {  	_ =	shalt  }
0x40: {  	_ =	shalt  }
0x41: {  	_ =	shalt  }
0x42: {  	_ =	shalt  }
0x43: {  	_ =	shalt  }
0x44: {  	_ =	shalt  }
0x45: {  	_ =	shalt  }
0x46: {  	_ =	shalt  }
0x47: {  	_ =	shalt  }
0x48: {  	_ =	shalt  }
0x49: {  	_ =	shalt  }
0x4a: {  	_ =	shalt  }
0x4b: {  	_ =	shalt  }
0x4c: {  	_ =	shalt  }
0x4d: {  	_ =	shalt  }
0x4e: {  	_ =	shalt  }
0x4f: {  	_ =	shalt  }
0x50: {  	_ =	shalt  }
0x51: {  	_ =	shalt  }
0x52: {  	_ =	shalt  }
0x53: {  	_ =	shalt  }
0x54: {  	_ =	shalt  }
0x55: {  	_ =	shalt  }
0x56: {  	_ =	shalt  }
0x57: {  	_ =	shalt  }
0x58: {  	_ =	shalt  }
0x59: {  	_ =	shalt  }
0x5a: {  	_ =	shalt  }
0x5b: {  	_ =	shalt  }
0x5c: {  	_ =	shalt  }
0x5d: {  	_ =	shalt  }
0x5e: {  	_ =	shalt  }
0x5f: {  	_ =	shalt  }
0x60: {  	_ =	shalt  }
0x61: {  	_ =	shalt  }
0x62: {  	_ =	shalt  }
0x63: {  	_ =	shalt  }
0x64: {  	_ =	shalt  }
0x65: {  	_ =	shalt  }
0x66: {  	_ =	shalt  }
0x67: {  	_ =	shalt  }
0x68: {  	_ =	shalt  }
0x69: {  	_ =	shalt  }
0x6a: {  	_ =	shalt  }
0x6b: {  	_ =	shalt  }
0x6c: {  	_ =	shalt  }
0x6d: {  	_ =	shalt  }
0x6e: {  	_ =	shalt  }
0x6f: {  	_ =	shalt  }
0x70: {  	_ =	shalt  }
0x71: {  	_ =	shalt  }
0x72: {  	_ =	shalt  }
0x73: {  	_ =	shalt  }
0x74: {  	_ =	shalt  }
0x75: {  	_ =	shalt  }
0x76: {  	_ =	shalt  }
0x77: {  	_ =	shalt  }
0x78: {  	_ =	shalt  }
0x79: {  	_ =	shalt  }
0x7a: {  	_ =	shalt  }
0x7b: {  	_ =	shalt  }
0x7c: {  	_ =	shalt  }
0x7d: {  	_ =	shalt  }
0x7e: {  	_ =	shalt  }
0x7f: {  	_ =	shalt  }
0x80: {  	_ =	shalt  }
0x81: {  	_ =	shalt  }
0x82: {  	_ =	shalt  }
0x83: {  	_ =	shalt  }
0x84: {  	_ =	shalt  }
0x85: {  	_ =	shalt  }
0x86: {  	_ =	shalt  }
0x87: {  	_ =	shalt  }
.Lfunc_end0:
.L_simem_size_0:
called_computation.1_lowered:
.L_overlay_start_0:
0x88: {  	s2 =	sld [smem:$0x3FD9]  }
0x89: {  	s3 =	sld [smem:$0x3FFE];
	_ =	sdelay $0x1  }
0x8a: {  	s1 =	srdreg.scid  }
0x8b: {  	s0 =	sand.u32 $0x1, s1  }
0x8c: {  	s16 =	sshll.u32 s0, $0xA;
	s2 =	sadd.s32 s3, s2  }
0x8d: {  	s2 =	sadd.s32 s2, s16  }
0x8e: {  	[smem:$0x3FB8] =	sst s2  }
0x8f: {  	_ = 	snop  }
0x90: {  	(tm) =	ssettm $0x1  }
0x91: {  	s17 =	sld [smem:$0x3FFB];
	_ =	sdelay $0x3  }
0x92: {  	_ =	strace s17  }
0x93: {  	s2 =	sld [smem:$0x3FFC];
	_ =	sdelay $0x3  }
0x94: {  	_ =	strace s2  }
0x95: {  	s2 =	sld [smem:$0x3FFD];
	_ =	sdelay $0x3  }
0x96: {  	_ =	strace s2  }
0x97: {  	_ =	strace $0x8FFFFFFF  }
0x98: {  	s18 =	sld [smem:$0x3FDB];
	_ =	sdelay $0x1  }
0x99: {  	s19 =	simm.s32 $_scs_section_size  }
0x9a: {  	s4 =	simm.s32 $_size__tile_overlayer_lowered;
	s5 =	simm.s32 $_tile_overlayer_lowered  }
0x9b: {  	s22 =	simm.s32 $0x1BFF;
	s21 =	sshll.u32 s5, $0x1;
	s2 =	sadd.s32 s19, s18  }
0x9c: {  	s6 =	simm.s32 $0x0;
	s20 =	sshll.u32 s4, $0x1;
	s4 =	sadd.s32 s21, s2  }
0x9d: {  	[timem:s6], [sflag:s22] =	dma.local [hbm:s4], s20  }
0x9e: {  	_ =	swait.ge [sflag:s22], s20  }
0x9f: {  	s3 =	ssub.s32 $0x0, s20;
	[sflag:s22] =	ssyncset.done $0x0  }
0xa0: {  	[sflag:s22] =	ssyncadd.s32 s3;
	_ =	sdelay $0x1  }
0xa1: {  	s23 =	simm.s32 $0x1B8B  }
0xa2: {  	_ =	swait.ge [sflag:s23], $0x1  }
0xa3: {  	[sflag:s23] =	ssyncset.done $0x0  }
0xa4: {  	s25 =	simm.s32 $0x1B8E;
	s24 =	sld [smem:$0x3FFE];
	[sflag:s23] =	ssyncadd.s32 $0xFFFFFFFF  }
0xa5: {  	s26 =	simm.s32 $execute0_lowered;
	[smem:$0x3FD2] =	sst s25  }
0xa6: {  	s4 =	sshll.u32 s26, $0x1;
	_ =	strace $0x80000049;
	[dreg:$0x1] =	wrdreg $0xFFFFFFFF  }
0xa7: {  	s28 =	simm.s32 $_size_execute0_lowered;
	s2 =	sadd.s32 s2, s4;
	[dreg:$0x0] =	wrdreg $0x0  }
0xa8: {  	s4 =	sshll.u32 s28, $0x1;
	[dreg:$0x2] =	wrdreg s2  }
0xa9: {  	[dreg:$0x3] =	wrdreg s4  }
0xaa: {  	[dreg:$0x4] =	wrdreg $0xC0  }
0xab: {  	_ =	task [dreg:s6], $0x5FFFF  }
0xac: {  	[dreg:$0x1] =	wrdreg $0xFFFFFFFF  }
0xad: {  	[dreg:$0x0] =	wrdreg $0x60  }
0xae: {  	[dreg:$0x2] =	wrdreg s24  }
0xaf: {  	[dreg:$0x3] =	wrdreg $0x0  }
0xb0: {  	[dreg:$0x4] =	wrdreg $0x9  }
0xb1: {  	_ =	task.clear_ibuf [dreg:s6], $0x5FFFF;
	_ =	strace $0x90000049  }
0xb2: {  	s29 =	simm.s32 $0x9;
	_ =	strace $0x8000004B  }
0xb3: {  	_ =	swait.ge [sflag:s29], $0x1  }
0xb4: {  	[sflag:s29] =	ssyncadd.s32 $0xFFFFFFFF  }
0xb5: {  	_ =	strace $0x9000004B  }
0xb6: {  	_ =	sfence  }
0xb7: {  	s30 =	sld [smem:$0x0];
	_ =	sdelay $0x2  }
0xb8: {  	s31 =	sshll.u32 s1, $0xD;
	s1 =	sshrl.u32 s1, $0x2  }
0xb9: {  	s3 =	sand.u32 $0x4000, s31;
	s1 =	sadd.s32 s1, s30  }
0xba: {  	s0 =	sor.u32 s3, s0;
	s1 =	sshll.u32 s1, $0x11  }
0xbb: {  	s0 =	sor.u32 s1, s0  }
0xbc: {  	s0 =	sadd.s32 $0x8F2B, s0  }
0xbd: {  	[sflag:s0] =	ssyncadd.remote.s32 $0x1  }
0xbe: {  	_ =	sfence.sel $0xFFFF  }
0xbf: {  	[dreg:$0x0] =	wrdreg $0xFFFFFFFF;
	(pc) =	sbr.abs _section_cstart, $3  }
0xc0: {  	[dreg:$0x1] =	wrdreg $0xFFFFFFFF  }
0xc1: {  	_ =	task.clear_ibuf [dreg:s6], $0x2FFFF;
	_ =	strace $0x9FFFFFFF  }
0xc2: {  	(tm) =	ssettm $0x7FFFFFFF  }
0xc3: {  	_ =	shalt  }
tec
execute0_lowered:
.L_overlay_start_1:
0x0: {  	(tag) =	ssettag $0x1  }
0x1: {  	s0 =	rddreg [dreg:$0x0]  }
0x2: {  	s1 =	rddreg [dreg:$0x1];
	s3 =	simm.s32 $0x0  }
0x3: {  	s2 =	srdreg.scid;
	s16 =	stileid.u32;
	s28 =	simm.s32 $0x13940  }
0x4: {  	s29 =	simm.s32 $0x13A40;
	[smem:$0x7FF] =	sst s3;
	s4 =	sadd.s32 $0x2BA00, s0  }
0x5: {  	s2 =	sand.u32 $0x1, s2;
	s8 =	smul.u32 $0x280, s16;
	s5 =	sadd.s32 $0x17E00, s0  }
0x6: {  	s6 =	sadd.s32 $0xE000, s0;
	s11 =	smul.u32 $0x50000, s16;
	s0 =	sadd.s32 $0x79C00, s0  }
0x7: {  	s17 =	sshrl.u32 s16, $0x3;
	s18 =	sshll.u32 s16, $0x6;
	s13 =	sshll.u32 s16, $0x7  }
0x8: {  	s21 =	smul.u32 $0x14000, s16;
	p0 =	seq.s32 s16, $0xF;
	s16 =	simm.s32 $0x139A0  }
0x9: {  	_ =	strace $0x8000004A;
	s7 =	ssub.s32 $0x2, s2;
	s9 =	smul.u32 $0x2710, s2  }
0xa: {  	s23 =	sor.u32 $0x1C07, s18;
	s13 =	sand.u32 $0x380, s13;
	s18 =	simm.s32 $0x1  }
0xb: {  	s10 =	sshrl.u32 s7, $0x1;
	s15 =	sshrl.u32 s11, $0x2;
	s11 =	smul.u32 $0x27800, s17  }
0xc: {  	s17 =	simm.s32 $0x1AAC0;
	[dreg:$0x5] =	wrdreg s23;
	s12 =	ssub.s32 s7, s10  }
0xd: {  	s9 =	sadd.s32 s8, s9;
	s7 =	smul.u32 $0x4F000, s2;
	s10 =	sadd.s32 s15, s1  }
0xe: {  	s2 =	smul.u32 $0x138800, s2;
	s8 =	sshll.u32 s8, $0x7;
	s9 =	sshll.u32 s9, $0x4  }
0xf: {  	[dreg:$0x3] =	wrdreg s10;
	s14 =	sadd.s32 $0xC800, s10;
	s8 =	sadd.s32 $0xC800, s8  }
0x10: {  	s26 =	smax.u32 s12, $0x1;
	s12 =	simm.s32 $0x18AC0;
	s15 =	sadd.s32 s4, s9  }
0x11: {  	s19 =	sadd.s32 s7, s11;
	s11 =	sor.u32 s13, s11;
	s24 =	sadd.s32 s21, s2  }
0x12: {  	s2 =	sadd.s32 s2, s8;
	[dreg:$0xd] =	wrdreg s26;
	s26 =	simm.s32 $0x0  }
0x13: {  	[dreg:$0x4] =	wrdreg s15;
	s20 =	sadd.s32 $0x1900, s15;
	s9 =	sor.u32 s13, s19  }
0x14: {  	s13 =	sshrl.u32 s11, $0x3;
	s2 =	sshrl.u32 s2, $0x3;
	s25 =	sadd.s32 $0xC00, s11  }
0x15: {  	s31 =	sadd.s32 $0x800, s11;
	s11 =	simm.s32 $0x17AC0;
	s15 =	simm.s32 $0x13980  }
0x16: {  	s19 =	simm.s32 $0x80;
	[dreg:$0x6] =	wrdreg s20;
	s9 =	sshrl.u32 s9, $0x3  }
0x17: {  	s22 =	sadd.s32 s6, s13;
	s30 =	sadd.s32 s7, s25;
	[dreg:$0xe] =	wrdreg s31  }
0x18: {  	s13 =	simm.s32 $0x19AC0;
	s9 =	sadd.s32 s5, s9;
	[dreg:$0x8] =	wrdreg s22  }
0x19: {  	s10 =	sadd.s32 $0x80, s22;
	[dreg:$0x7] =	wrdreg s9;
	s9 =	sadd.s32 $0x80, s9  }
0x1a: {  	s22 =	simm.s32 $0x7;
	[dreg:$0x9] =	wrdreg s9;
	s9 =	sshrl.u32 s24, $0x3  }
0x1b: {  	[dreg:$0xa] =	wrdreg s10;
	s24 =	simm.s32 $0x2;
	s9 =	sadd.s32 s0, s9  }
0x1c: {  	s0 =	sadd.s32 s0, s2;
	s2 =	sadd.s32 s8, s1;
	[dreg:$0xb] =	wrdreg s9  }
.Ltmp0:
0x1d: {  	s8 =	sshrl.u32 s30, $0x3;
	[dreg:$0xc] =	wrdreg s0;
	(pc) =	sbr.rel .LBB2_1-.Ltmp0, $4  }
0x1e: {  	s0 =	sshrl.u32 s25, $0x3;
	s21 =	sadd.s32 s8, s5;
	s8 =	simm.s32 $0x4  }
0x1f: {  	s9 =	simm.s32 $0x6;
	s20 =	sadd.s32 s0, s6;
	s0 =	sshrl.u32 @!p0 s14, $0x3  }
0x20: {  	s14 =	simm.s32 $0x13960;
	[dreg:$0xf] =	wrdreg s0;
	s0 =	sshrl.u32 @!p0 s2, $0x3  }
0x21: {  	s2 =	simm.s32 $0x13AC0;
	[dreg:$0x10] =	wrdreg s0;
	s0 =	simm.s32 $0x20  }
.LBB2_4:
0x22: {  	[bflag:$0x0] =	sbarrier.arrive $0xFFFF  }
0x23: {  	s23 =	rddreg [dreg:$0x5]  }
0x24: {  	s10 =	rddreg [dreg:$0xb]  }
0x25: {  	s25 =	rddreg [dreg:$0x12]  }
0x26: {  	[hbm:s10], [sflag:s23] =	dma.local [spmem:s25], $0x1900  }
0x27: {  	_ =	swait.ge [sflag:s22], $0x1900  }
0x28: {  	[sflag:s22] =	ssyncset.done $0x0;
	s10 =	rddreg [dreg:$0xc]  }
0x29: {  	s25 =	rddreg [dreg:$0x10];
	[sflag:s22] =	ssyncadd.s32 $0xFFFFE700  }
0x2a: {  	[hbm:s10], [sflag:s23] =	dma.local @!p0 [spmem:s25], $0xF00  }
0x2b: {  	s10 =	simm.s32 @!p0 $0x7  }
0x2c: {  	_ =	swait.ge @!p0 [sflag:s10], $0xF00  }
0x2d: {  	s26 =	rddreg [dreg:$0x11]  }
0x2e: {  	s31 =	rddreg [dreg:$0xd];
	s26 =	sadd.s32 $0x1, s26  }
0x2f: {  	p1 =	sne.s32 s26, s31  }
.Ltmp1:
0x30: {  	_ = 	snop;
	(pc) =	sbr.rel @!p1 .LBB2_5-.Ltmp1, $3  }
0x31: {  	_ =	sdelay $0x1  }
0x32: {  	[sflag:s10] =	ssyncset.done @!p0 $0x0  }
0x33: {  	[sflag:s10] =	ssyncadd.s32 @!p0 $0xFFFFF100  }
.LBB2_1:
0x34: {  	[dreg:$0x11] =	wrdreg s26  }
0x35: {  	s10 =	rddreg [dreg:$0x3]  }
0x36: {  	s26 =	rddreg [dreg:$0x4];
	s25 =	sshrl.u32 s10, $0x3  }
0x37: {  	[dreg:$0x12] =	wrdreg s25  }
0x38: {  	[spmem:s25], [sflag:s23] =	dma.local [hbm:s26], $0x1900  }
0x39: {  	_ =	swait.ge [sflag:s22], $0x1900  }
0x3a: {  	[sflag:s22] =	ssyncset.done $0x0;
	s10 =	rddreg [dreg:$0x6]  }
0x3b: {  	s30 =	simm.s32 @!p0 $0x7;
	s25 =	rddreg [dreg:$0xf];
	[sflag:s22] =	ssyncadd.s32 $0xFFFFE700  }
0x3c: {  	[spmem:s25], [sflag:s23] =	dma.local @!p0 [hbm:s10], $0xF00  }
0x3d: {  	_ =	swait.ge @!p0 [sflag:s30], $0xF00  }
0x3e: {  	[sflag:s30] =	ssyncset.done @!p0 $0x0  }
0x3f: {  	[sflag:s30] =	ssyncadd.s32 @!p0 $0xFFFFF100  }
0x40: {  	[bflag:$0x0] =	sbarrier.arrive $0xFFFF  }
0x41: {  	s23 =	simm.s32 $0x138C0;
	s26 =	rddreg [dreg:$0x7]  }
0x42: {  	[tilespmem:s23], [sflag:$0x3] =	stream.linear.gather [hbm4b:s26+s3], $0x80, $0x38;
	[tilespmem:$0x1BAC0] =	vst v63  }
0x43: {  	s25 =	rddreg [dreg:$0x8];
	s26 =	simm.s32 $0x139C0  }
0x44: {  	[tilespmem:s26], [sflag:$0x5] =	stream.linear.gather [hbm4b:s25+s3], $0x80, $0x38;
	[tilespmem:$0x1BAC0] =	vst v63  }
0x45: {  	s25 =	rddreg [dreg:$0x9]  }
0x46: {  	[tilespmem:s28], [sflag:$0x4] =	stream.linear.gather [hbm4b:s25+s3], $0x80, $0x38;
	[tilespmem:$0x1BAC0] =	vst v63  }
0x47: {  	s26 =	rddreg [dreg:$0xa];
	s25 =	simm.s32 $0x3  }
0x48: {  	[tilespmem:s29], [sflag:$0x6] =	stream.linear.gather [hbm4b:s26+s3], $0x80, $0x38;
	[tilespmem:$0x1BAC0] =	vst v63  }
0x49: {  	_ =	swait.ge [sflag:s25], $0x80  }
0x4a: {  	[sflag:s25] =	ssyncset.done $0x0  }
0x4b: {  	s26 =	simm.s32 $0x5;
	[sflag:s25] =	ssyncadd.s32 $0xFFFFFF80  }
0x4c: {  	_ =	swait.ge [sflag:s26], $0x80  }
0x4d: {  	[sflag:s26] =	ssyncset.done $0x0  }
0x4e: {  	[sflag:s26] =	ssyncadd.s32 $0xFFFFFF80  }
0x4f: {  	[tilespmem:s2], [sflag:$0x1] =	stream.indirect.gather [hbm4b:s4+s0], $0x80, s23, s0, $0xb8;
	[tilespmem:$0x1BAC0] =	vst v63  }
0x50: {  	s25 =	simm.s32 $0x138E0;
	s26 =	simm.s32 $0x14AC0  }
0x51: {  	[tilespmem:s26], [sflag:$0x1] =	stream.indirect.gather [hbm4b:s4+s0], $0x80, s25, s0, $0xb8;
	[tilespmem:$0x1BAC0] =	vst v63  }
0x52: {  	s30 =	simm.s32 $0x0;
	s25 =	simm.s32 $0x13900;
	s26 =	simm.s32 $0x15AC0  }
0x53: {  	[tilespmem:s26], [sflag:$0x1] =	stream.indirect.gather [hbm4b:s4+s0], $0x80, s25, s0, $0xb8;
	[tilespmem:$0x1BAC0] =	vst v63  }
0x54: {  	s31 =	rddreg [dreg:$0xe];
	s25 =	simm.s32 $0x13920;
	s26 =	simm.s32 $0x16AC0  }
0x55: {  	[tilespmem:s26], [sflag:$0x1] =	stream.indirect.gather [hbm4b:s4+s0], $0x80, s25, s0, $0xb8;
	[tilespmem:$0x1BAC0] =	vst v63  }
.LBB2_2:
0x56: {  	_ =	swait.ge [sflag:s8], $0x80  }
0x57: {  	[sflag:s8] =	ssyncset.done $0x0  }
0x58: {  	[sflag:s8] =	ssyncadd.s32 $0xFFFFFF80  }
0x59: {  	_ =	swait.ge [sflag:s9], $0x80  }
0x5a: {  	[sflag:s9] =	ssyncset.done $0x0  }
0x5b: {  	[sflag:s9] =	ssyncadd.s32 $0xFFFFFF80  }
0x5c: {  	[tilespmem:s11], [sflag:$0x2] =	stream.indirect.gather [hbm4b:s4+s0], $0x80, s28, s0, $0xb8;
	[tilespmem:$0x1BAC0] =	vst v63  }
0x5d: {  	_ = 	snop  }
0x5e: {  	[tilespmem:s12], [sflag:$0x2] =	stream.indirect.gather [hbm4b:s4+s0], $0x80, s14, s0, $0xb8;
	[tilespmem:$0x1BAC0] =	vst v63  }
0x5f: {  	_ = 	snop  }
0x60: {  	[tilespmem:s13], [sflag:$0x2] =	stream.indirect.gather [hbm4b:s4+s0], $0x80, s15, s0, $0xb8;
	[tilespmem:$0x1BAC0] =	vst v63  }
0x61: {  	_ = 	snop  }
0x62: {  	[tilespmem:s17], [sflag:$0x2] =	stream.indirect.gather [hbm4b:s4+s0], $0x80, s16, s0, $0xb8;
	[tilespmem:$0x1BAC0] =	vst v63  }
0x63: {  	_ =	swait.ge [sflag:s18], $0x1000  }
0x64: {  	[sflag:s18] =	ssyncset.done $0x0  }
0x65: {  	[sflag:s18] =	ssyncadd.s32 $0xFFFFF000  }
0x66: {  	_ =	swait.ge [sflag:s18], $0x1000  }
0x67: {  	[sflag:s18] =	ssyncset.done $0x0  }
0x68: {  	[sflag:s18] =	ssyncadd.s32 $0xFFFFF000  }
0x69: {  	_ =	swait.ge [sflag:s18], $0x1000  }
0x6a: {  	[sflag:s18] =	ssyncset.done $0x0  }
0x6b: {  	[sflag:s18] =	ssyncadd.s32 $0xFFFFF000  }
0x6c: {  	_ =	swait.ge [sflag:s18], $0x1000  }
0x6d: {  	[sflag:s18] =	ssyncset.done $0x0  }
0x6e: {  	s10 =	simm.s32 $0x139C0;
	p1 =	seq.s32 s30, $0x4E00;
	[sflag:s18] =	ssyncadd.s32 $0xFFFFF000  }
0x6f: {  	[spmem:s1] =	stream.indirect.scatter.add.f32 [tilespmem:s2], [sflag:$0x7], $0x80, s10, s19, $0xb8;
	[tilespmem:$0x1BAC0] =	vst v63  }
0x70: {  	s10 =	sadd.s32 @!p1 s31, s7;
	_ =	swait.ge [sflag:s22], $0x4000  }
0x71: {  	s25 =	simm.s32 @!p1 $0x0;
	s10 =	sshrl.u32 @!p1 s10, $0x3;
	[sflag:s22] =	ssyncset.done $0x0  }
0x72: {  	s23 =	simm.s32 @!p1 $0x138C0;
	s10 =	sadd.s32 @!p1 s5, s10;
	[sflag:s22] =	ssyncadd.s32 $0xFFFFC000  }
0x73: {  	[tilespmem:s23], [sflag:$0x3] =	stream.linear.gather @!p1 [hbm4b:s10+s25], $0x80, $0x38;
	[tilespmem:$0x1BAC0] =	vst v63  }
0x74: {  	s10 =	sshrl.u32 @!p1 s31, $0x3  }
0x75: {  	s26 =	simm.s32 @!p1 $0x139C0;
	s10 =	sadd.s32 @!p1 s6, s10  }
0x76: {  	[tilespmem:s26], [sflag:$0x5] =	stream.linear.gather @!p1 [hbm4b:s10+s25], $0x80, $0x38;
	[tilespmem:$0x1BAC0] =	vst v63  }
0x77: {  	s10 =	simm.s32 @!p1 $0x3  }
0x78: {  	_ =	swait.ge @!p1 [sflag:s10], $0x80  }
0x79: {  	[sflag:s10] =	ssyncset.done @!p1 $0x0  }
0x7a: {  	[sflag:s10] =	ssyncadd.s32 @!p1 $0xFFFFFF80;
	s10 =	simm.s32 @!p1 $0x5  }
0x7b: {  	_ =	swait.ge @!p1 [sflag:s10], $0x80  }
0x7c: {  	[sflag:s10] =	ssyncset.done @!p1 $0x0  }
0x7d: {  	s25 =	simm.s32 @!p1 $0x13AC0;
	[sflag:s10] =	ssyncadd.s32 @!p1 $0xFFFFFF80;
	s10 =	simm.s32 @!p1 $0x20  }
0x7e: {  	[tilespmem:s25], [sflag:$0x1] =	stream.indirect.gather @!p1 [hbm4b:s4+s10], $0x80, s23, s10, $0xb8;
	[tilespmem:$0x1BAC0] =	vst v63  }
0x7f: {  	s23 =	simm.s32 @!p1 $0x138E0;
	s25 =	simm.s32 @!p1 $0x14AC0  }
0x80: {  	[tilespmem:s25], [sflag:$0x1] =	stream.indirect.gather @!p1 [hbm4b:s4+s10], $0x80, s23, s10, $0xb8;
	[tilespmem:$0x1BAC0] =	vst v63  }
0x81: {  	s23 =	simm.s32 @!p1 $0x13900;
	s25 =	simm.s32 @!p1 $0x15AC0  }
0x82: {  	[tilespmem:s25], [sflag:$0x1] =	stream.indirect.gather @!p1 [hbm4b:s4+s10], $0x80, s23, s10, $0xb8;
	[tilespmem:$0x1BAC0] =	vst v63  }
0x83: {  	s23 =	simm.s32 @!p1 $0x13920;
	s25 =	simm.s32 @!p1 $0x16AC0  }
0x84: {  	[tilespmem:s25], [sflag:$0x1] =	stream.indirect.gather @!p1 [hbm4b:s4+s10], $0x80, s23, s10, $0xb8;
	[tilespmem:$0x1BAC0] =	vst v63  }
0x85: {  	_ =	swait.ge [sflag:s24], $0x1000  }
0x86: {  	[sflag:s24] =	ssyncset.done $0x0  }
0x87: {  	[sflag:s24] =	ssyncadd.s32 $0xFFFFF000  }
0x88: {  	_ =	swait.ge [sflag:s24], $0x1000  }
0x89: {  	[sflag:s24] =	ssyncset.done $0x0  }
0x8a: {  	[sflag:s24] =	ssyncadd.s32 $0xFFFFF000  }
0x8b: {  	_ =	swait.ge [sflag:s24], $0x1000  }
0x8c: {  	[sflag:s24] =	ssyncset.done $0x0  }
0x8d: {  	[sflag:s24] =	ssyncadd.s32 $0xFFFFF000  }
0x8e: {  	_ =	swait.ge [sflag:s24], $0x1000  }
0x8f: {  	[sflag:s24] =	ssyncset.done $0x0  }
.Ltmp2:
0x90: {  	[sflag:s24] =	ssyncadd.s32 $0xFFFFF000;
	(pc) =	sbr.rel @p1 .LBB2_4-.Ltmp2, $4  }
0x91: {  	[spmem:s1] =	stream.indirect.scatter.add.f32 [tilespmem:s11], [sflag:$0x7], $0x80, s29, s19, $0xb8;
	[tilespmem:$0x1BAC0] =	vst v63  }
0x92: {  	_ =	swait.ge [sflag:s22], $0x4000  }
0x93: {  	[sflag:s22] =	ssyncset.done $0x0  }
0x94: {  	[sflag:s22] =	ssyncadd.s32 $0xFFFFC000  }
.Ltmp3:
0x95: {  	(pc) =	sbr.rel .LBB2_2-.Ltmp3, $4  }
0x96: {  	s10 =	sadd.s32 s30, s21  }
0x97: {  	[tilespmem:s28], [sflag:$0x4] =	stream.linear.gather [hbm4b:s10+s3], $0x80, $0x38;
	[tilespmem:$0x1BAC0] =	vst v63  }
0x98: {  	s26 =	sadd.s32 s30, s20;
	s31 =	sadd.s32 $0x800, s31;
	s30 =	sadd.s32 $0x100, s30  }
0x99: {  	[tilespmem:s29], [sflag:$0x6] =	stream.linear.gather [hbm4b:s26+s3], $0x80, $0x38;
	[tilespmem:$0x1BAC0] =	vst v63  }
.LBB2_5:
0x9a: {  	_ =	sfence.sel $0x180000  }
0x9b: {  	[bflag:$0x0] =	sbarrier.arrive $0xFFFF  }
0x9c: {  	_ =	strace $0x9000004A  }
0x9d: {  	s0 =	stileid.u32;
	[bflag:$0x2] =	sbarrier.arrive $0xFFFF  }
0x9e: {  	p0 =	sne.s32 s0, $0x0;
	s0 =	rddreg [dreg:$0x2]  }
0x9f: {  	s0 =	sadd.s32 @!p0 $0x100000, s0  }
0xa0: {  	[sflag:s0] =	ssyncadd.tile.s32 @!p0 $0x1;
	_ =	shalt  }
.Lfunc_end2:
_tile_overlayer_lowered:
.L_overlay_start_2:
0xa1: {  	(tag) =	ssettag $0x2  }
0xa2: {  	s0 =	rddreg [dreg:$0x0];
	s2 =	stileid.u32  }
0xa3: {  	s1 =	rddreg [dreg:$0x1];
	p0 =	sne.s32 s2, $0x0  }
0xa4: {  	s3 =	rddreg [dreg:$0x2];
	[bflag:$0x3] =	sbarrier.arrive $0xFFFF;
	s2 =	simm.s32 @!p0 $0x1C07  }
0xa5: {  	[timem:s3], [sflag:s2] =	dma.local @!p0 [hbm:s0], s1  }
0xa6: {  	s0 =	simm.s32 @!p0 $0x7  }
0xa7: {  	_ =	swait.ge @!p0 [sflag:s0], s1  }
0xa8: {  	s1 =	ssub.s32 @!p0 $0x0, s1;
	[sflag:s0] =	ssyncset.done @!p0 $0x0  }
0xa9: {  	[sflag:s0] =	ssyncadd.s32 @!p0 s1  }
0xaa: {  	[bflag:$0x3] =	sbarrier.arrive $0xFFFF  }
0xab: {  	_ =	shalt  }

// kernel: kernel.16.cloned.1.call-start
scs
__scs_entry_jumppad:
0x0: {  	(pc) =	sbr.rel $0x88, $3  }
0x1: {  	(tag) =	ssettag $0x0;
	lr =	simm.s32 $0x1  }
0x2: {  	[smem:$0x3F91] =	sst lr;
	_ =	strace $0xD0000000  }
0x3: {  	_ = 	snop  }
0x4: {  	_ = 	snop  }
0x5: {  	_ = 	snop  }
0x6: {  	_ = 	snop  }
0x7: {  	_ = 	snop  }
__scs_overlays_trampoline_lowered:
0x8: {  	[smem:$0x3FA0] =	sst s0  }
0x9: {  	[smem:$0x3FA1] =	sst s1  }
0xa: {  	[smem:$0x3FA2] =	sst s2  }
0xb: {  	[smem:$0x3FA3] =	sst s3  }
0xc: {  	[smem:$0x3FA4] =	sst s4  }
0xd: {  	[smem:$0x3FA5] =	sst s5  }
0xe: {  	[smem:$0x3FA6] =	sst s6  }
0xf: {  	[smem:$0x3FA7] =	sst s7  }
0x10: {  	[smem:$0x3FA8] =	sst s8  }
0x11: {  	[smem:$0x3FA9] =	sst s9;
	s0 =	simm.s32 @!p0 $0x0  }
0x12: {  	s1 =	sld [smem:$0x3F8F];
	s0 =	simm.s32 @p0 $0x1  }
0x13: {  	[smem:$0x3FAA] =	sst s0;
	s0 =	simm.s32 @!p1 $0x0  }
0x14: {  	s2 =	sld [smem:$0x3F8E];
	s0 =	simm.s32 @p1 $0x1  }
0x15: {  	[smem:$0x3FAB] =	sst s0;
	s0 =	simm.s32 @!p2 $0x0  }
0x16: {  	s3 =	sld [smem:$0x3FDB];
	s0 =	simm.s32 @p2 $0x1  }
0x17: {  	s4 =	simm.s32 $0x1BF5;
	[smem:$0x3FAD] =	sst s0  }
0x18: {  	s0 =	sld [smem:$0x3F90];
	_ =	swait.ge [sflag:s4], $0x0  }
0x19: {  	s7 =	sld [smem:$0x3F91]  }
0x1a: {  	s8 =	sadd.s32 $0xFFFFE003, lr  }
0x1b: {  	s9 =	sadd.s32 $0xFFFFFEF7, lr;
	s5 =	simm.s32 $0xFFFFFFFF;
	p2 =	slt.u32 s8, $0xFFFFF086  }
0x1c: {  	p1 =	slt.u32 s9, $0xF7A;
	s5 =	simm.s32 @!p2 $0x0  }
0x1d: {  	s5 =	simm.s32 @p1 $0x1;
	p0 =	seq.s32 s7, s2  }
0x1e: {  	s7 =	smul.u32 @!p0 $0xF7A, s2;
	p2 =	seq.s32 @!p0 s5, $0x0  }
0x1f: {  	s9 =	smul.u32 $0xF7A, s1;
	s8 =	simm.s32 @!p0 $0x1BF5;
	p2 =	por !p2, p0  }
0x20: {  	[sflag:s8] =	ssyncset.s32 @!p0 $0xFFFFF086;
	s6 =	sadd.s32 @!p0 s3, s7;
	s7 =	simm.s32 @!p0 $0x108  }
0x21: {  	s3 =	sadd.s32 s3, s9;
	s6 =	sadd.s32 @!p0 $0x88, s6;
	s7 =	simm.s32 @p2 $0x1082  }
0x22: {  	[simem:s7], [sflag:s8] =	dma.local @!p0 [hbm:s6], $0xF7A  }
0x23: {  	s9 =	sor.u32 $0xD0000000, s2;
	s6 =	simm.s32 $0x108;
	_ =	swait.ge @!p0 [sflag:s8], $0x0  }
0x24: {  	s3 =	sadd.s32 $0x88, s3;
	s6 =	simm.s32 @!p1 $0x1082;
	[sflag:s4] =	ssyncset.s32 $0xFFFFF086  }
0x25: {  	[simem:s6], [sflag:s4] =	dma.local [hbm:s3], $0xF7A  }
0x26: {  	[smem:$0x3F91] =	sst s1;
	(tag) =	ssettag s2;
	_ =	strace s9  }
0x27: {  	s1 =	sld [smem:$0x3FA1]  }
0x28: {  	s2 =	sld [smem:$0x3FA2]  }
0x29: {  	s4 =	sld [smem:$0x3FA4]  }
0x2a: {  	p0 =	seq.s32 s5, $0x0;
	s5 =	sld [smem:$0x3FA5]  }
0x2b: {  	s6 =	sld [smem:$0x3FA6]  }
0x2c: {  	s7 =	sld [smem:$0x3FA7]  }
0x2d: {  	s3 =	simm.s32 $0x108;
	s8 =	sld [smem:$0x3FA8]  }
0x2e: {  	s3 =	simm.s32 @!p0 $0x1082;
	s9 =	sld [smem:$0x3FA9]  }
0x2f: {  	lr =	sadd.s32 s0, s3;
	s0 =	sld [smem:$0x3FA0]  }
0x30: {  	s3 =	sld [smem:$0x3FA3]  }
0x31: {  	[smem:$0x3FAC] =	sst s10  }
0x32: {  	s10 =	sld [smem:$0x3FAA];
	_ =	sdelay $0x3  }
0x33: {  	p0 =	seq.s32 s10, $0x1;
	s10 =	sld [smem:$0x3FAC];
	_ =	sdelay $0x3  }
0x34: {  	[smem:$0x3FAC] =	sst s10  }
0x35: {  	s10 =	sld [smem:$0x3FAB];
	_ =	sdelay $0x3  }
0x36: {  	p1 =	seq.s32 s10, $0x1;
	s10 =	sld [smem:$0x3FAC];
	_ =	sdelay $0x3  }
0x37: {  	[smem:$0x3FAC] =	sst s10  }
0x38: {  	s10 =	sld [smem:$0x3FAD]  }
0x39: {  	_ = 	snop;
	(pc) =	sbr.ind lr, $3  }
0x3a: {  	_ = 	snop  }
0x3b: {  	_ = 	snop  }
0x3c: {  	p2 =	seq.s32 s10, $0x1;
	s10 =	sld [smem:$0x3FAC]  }
0x3d: {  	_ =	shalt  }
0x3e: {  	_ =	shalt  }
0x3f: {  	_ =	shalt  }
0x40: {  	_ =	shalt  }
0x41: {  	_ =	shalt  }
0x42: {  	_ =	shalt  }
0x43: {  	_ =	shalt  }
0x44: {  	_ =	shalt  }
0x45: {  	_ =	shalt  }
0x46: {  	_ =	shalt  }
0x47: {  	_ =	shalt  }
0x48: {  	_ =	shalt  }
0x49: {  	_ =	shalt  }
0x4a: {  	_ =	shalt  }
0x4b: {  	_ =	shalt  }
0x4c: {  	_ =	shalt  }
0x4d: {  	_ =	shalt  }
0x4e: {  	_ =	shalt  }
0x4f: {  	_ =	shalt  }
0x50: {  	_ =	shalt  }
0x51: {  	_ =	shalt  }
0x52: {  	_ =	shalt  }
0x53: {  	_ =	shalt  }
0x54: {  	_ =	shalt  }
0x55: {  	_ =	shalt  }
0x56: {  	_ =	shalt  }
0x57: {  	_ =	shalt  }
0x58: {  	_ =	shalt  }
0x59: {  	_ =	shalt  }
0x5a: {  	_ =	shalt  }
0x5b: {  	_ =	shalt  }
0x5c: {  	_ =	shalt  }
0x5d: {  	_ =	shalt  }
0x5e: {  	_ =	shalt  }
0x5f: {  	_ =	shalt  }
0x60: {  	_ =	shalt  }
0x61: {  	_ =	shalt  }
0x62: {  	_ =	shalt  }
0x63: {  	_ =	shalt  }
0x64: {  	_ =	shalt  }
0x65: {  	_ =	shalt  }
0x66: {  	_ =	shalt  }
0x67: {  	_ =	shalt  }
0x68: {  	_ =	shalt  }
0x69: {  	_ =	shalt  }
0x6a: {  	_ =	shalt  }
0x6b: {  	_ =	shalt  }
0x6c: {  	_ =	shalt  }
0x6d: {  	_ =	shalt  }
0x6e: {  	_ =	shalt  }
0x6f: {  	_ =	shalt  }
0x70: {  	_ =	shalt  }
0x71: {  	_ =	shalt  }
0x72: {  	_ =	shalt  }
0x73: {  	_ =	shalt  }
0x74: {  	_ =	shalt  }
0x75: {  	_ =	shalt  }
0x76: {  	_ =	shalt  }
0x77: {  	_ =	shalt  }
0x78: {  	_ =	shalt  }
0x79: {  	_ =	shalt  }
0x7a: {  	_ =	shalt  }
0x7b: {  	_ =	shalt  }
0x7c: {  	_ =	shalt  }
0x7d: {  	_ =	shalt  }
0x7e: {  	_ =	shalt  }
0x7f: {  	_ =	shalt  }
0x80: {  	_ =	shalt  }
0x81: {  	_ =	shalt  }
0x82: {  	_ =	shalt  }
0x83: {  	_ =	shalt  }
0x84: {  	_ =	shalt  }
0x85: {  	_ =	shalt  }
0x86: {  	_ =	shalt  }
0x87: {  	_ =	shalt  }
.Lfunc_end0:
.L_simem_size_0:
called_computation.2_lowered:
.L_overlay_start_0:
0x88: {  	s2 =	sld [smem:$0x3FD9]  }
0x89: {  	s3 =	sld [smem:$0x3FFE];
	_ =	sdelay $0x1  }
0x8a: {  	s1 =	srdreg.scid  }
0x8b: {  	s0 =	sand.u32 $0x1, s1  }
0x8c: {  	s16 =	sshll.u32 s0, $0xA;
	s2 =	sadd.s32 s3, s2  }
0x8d: {  	s2 =	sadd.s32 s2, s16  }
0x8e: {  	[smem:$0x3FB8] =	sst s2  }
0x8f: {  	_ = 	snop  }
0x90: {  	(tm) =	ssettm $0x1  }
0x91: {  	s17 =	sld [smem:$0x3FFB];
	_ =	sdelay $0x3  }
0x92: {  	_ =	strace s17  }
0x93: {  	s2 =	sld [smem:$0x3FFC];
	_ =	sdelay $0x3  }
0x94: {  	_ =	strace s2  }
0x95: {  	s2 =	sld [smem:$0x3FFD];
	_ =	sdelay $0x3  }
0x96: {  	_ =	strace s2  }
0x97: {  	_ =	strace $0x8FFFFFFF  }
0x98: {  	s18 =	sld [smem:$0x3FDB];
	_ =	sdelay $0x1  }
0x99: {  	s19 =	simm.s32 $_scs_section_size  }
0x9a: {  	s4 =	simm.s32 $_size__tile_overlayer_lowered;
	s5 =	simm.s32 $_tile_overlayer_lowered  }
0x9b: {  	s22 =	simm.s32 $0x1BFF;
	s21 =	sshll.u32 s5, $0x1;
	s2 =	sadd.s32 s19, s18  }
0x9c: {  	s6 =	simm.s32 $0x0;
	s20 =	sshll.u32 s4, $0x1;
	s4 =	sadd.s32 s21, s2  }
0x9d: {  	[timem:s6], [sflag:s22] =	dma.local [hbm:s4], s20  }
0x9e: {  	_ =	swait.ge [sflag:s22], s20  }
0x9f: {  	s3 =	ssub.s32 $0x0, s20;
	[sflag:s22] =	ssyncset.done $0x0  }
0xa0: {  	[sflag:s22] =	ssyncadd.s32 s3;
	_ =	sdelay $0x1  }
0xa1: {  	s23 =	simm.s32 $0x1B8B  }
0xa2: {  	_ =	swait.ge [sflag:s23], $0x1  }
0xa3: {  	[sflag:s23] =	ssyncset.done $0x0  }
0xa4: {  	s25 =	simm.s32 $0x1B8E;
	s24 =	sld [smem:$0x3FFE];
	[sflag:s23] =	ssyncadd.s32 $0xFFFFFFFF  }
0xa5: {  	s26 =	simm.s32 $execute0_lowered;
	[smem:$0x3FD2] =	sst s25  }
0xa6: {  	s4 =	sshll.u32 s26, $0x1;
	_ =	strace $0x8000004C;
	[dreg:$0x1] =	wrdreg $0xFFFFFFFF  }
0xa7: {  	s28 =	simm.s32 $_size_execute0_lowered;
	s2 =	sadd.s32 s2, s4;
	[dreg:$0x0] =	wrdreg $0x0  }
0xa8: {  	s4 =	sshll.u32 s28, $0x1;
	[dreg:$0x2] =	wrdreg s2  }
0xa9: {  	[dreg:$0x3] =	wrdreg s4  }
0xaa: {  	[dreg:$0x4] =	wrdreg $0xC0  }
0xab: {  	_ =	task [dreg:s6], $0x5FFFF  }
0xac: {  	[dreg:$0x1] =	wrdreg $0xFFFFFFFF  }
0xad: {  	[dreg:$0x0] =	wrdreg $0x60  }
0xae: {  	[dreg:$0x2] =	wrdreg s24  }
0xaf: {  	[dreg:$0x3] =	wrdreg $0x0  }
0xb0: {  	[dreg:$0x4] =	wrdreg $0x9  }
0xb1: {  	_ =	task.clear_ibuf [dreg:s6], $0x5FFFF;
	_ =	strace $0x9000004C  }
0xb2: {  	s29 =	simm.s32 $0x9;
	_ =	strace $0x8000004E  }
0xb3: {  	_ =	swait.ge [sflag:s29], $0x1  }
0xb4: {  	[sflag:s29] =	ssyncadd.s32 $0xFFFFFFFF  }
0xb5: {  	_ =	strace $0x9000004E  }
0xb6: {  	_ =	sfence  }
0xb7: {  	s30 =	sld [smem:$0x0];
	_ =	sdelay $0x2  }
0xb8: {  	s31 =	sshll.u32 s1, $0xD;
	s1 =	sshrl.u32 s1, $0x2  }
0xb9: {  	s3 =	sand.u32 $0x4000, s31;
	s1 =	sadd.s32 s1, s30  }
0xba: {  	s0 =	sor.u32 s3, s0;
	s1 =	sshll.u32 s1, $0x11  }
0xbb: {  	s0 =	sor.u32 s1, s0  }
0xbc: {  	s0 =	sadd.s32 $0x8F2B, s0  }
0xbd: {  	[sflag:s0] =	ssyncadd.remote.s32 $0x1  }
0xbe: {  	_ =	sfence.sel $0xFFFF  }
0xbf: {  	[dreg:$0x0] =	wrdreg $0xFFFFFFFF;
	(pc) =	sbr.abs _section_cstart, $3  }
0xc0: {  	[dreg:$0x1] =	wrdreg $0xFFFFFFFF  }
0xc1: {  	_ =	task.clear_ibuf [dreg:s6], $0x2FFFF;
	_ =	strace $0x9FFFFFFF  }
0xc2: {  	(tm) =	ssettm $0x7FFFFFFF  }
0xc3: {  	_ =	shalt  }
tec
execute0_lowered:
.L_overlay_start_1:
0x0: {  	(tag) =	ssettag $0x1  }
0x1: {  	s0 =	rddreg [dreg:$0x0]  }
0x2: {  	s1 =	rddreg [dreg:$0x1];
	s3 =	simm.s32 $0x0  }
0x3: {  	s2 =	srdreg.scid;
	s16 =	stileid.u32;
	s28 =	simm.s32 $0x13940  }
0x4: {  	s29 =	simm.s32 $0x13A40;
	[smem:$0x7FF] =	sst s3;
	s4 =	sadd.s32 $0x2BA00, s0  }
0x5: {  	s2 =	sand.u32 $0x1, s2;
	s8 =	smul.u32 $0x280, s16;
	s5 =	sadd.s32 $0x17E00, s0  }
0x6: {  	s6 =	sadd.s32 $0xE000, s0;
	s11 =	smul.u32 $0x50000, s16;
	s0 =	sadd.s32 $0xC7E00, s0  }
0x7: {  	s17 =	sshrl.u32 s16, $0x3;
	s18 =	sshll.u32 s16, $0x6;
	s13 =	sshll.u32 s16, $0x7  }
0x8: {  	s21 =	smul.u32 $0x14000, s16;
	p0 =	seq.s32 s16, $0xF;
	s16 =	simm.s32 $0x139A0  }
0x9: {  	_ =	strace $0x8000004D;
	s7 =	ssub.s32 $0x2, s2;
	s9 =	smul.u32 $0x2710, s2  }
0xa: {  	s23 =	sor.u32 $0x1C07, s18;
	s13 =	sand.u32 $0x380, s13;
	s18 =	simm.s32 $0x1  }
0xb: {  	s10 =	sshrl.u32 s7, $0x1;
	s15 =	sshrl.u32 s11, $0x2;
	s11 =	smul.u32 $0x27800, s17  }
0xc: {  	s17 =	simm.s32 $0x1AAC0;
	[dreg:$0x5] =	wrdreg s23;
	s12 =	ssub.s32 s7, s10  }
0xd: {  	s9 =	sadd.s32 s8, s9;
	s7 =	smul.u32 $0x4F000, s2;
	s10 =	sadd.s32 s15, s1  }
0xe: {  	s2 =	smul.u32 $0x138800, s2;
	s8 =	sshll.u32 s8, $0x7;
	s9 =	sshll.u32 s9, $0x4  }
0xf: {  	[dreg:$0x3] =	wrdreg s10;
	s14 =	sadd.s32 $0xC800, s10;
	s8 =	sadd.s32 $0xC800, s8  }
0x10: {  	s26 =	smax.u32 s12, $0x1;
	s12 =	simm.s32 $0x18AC0;
	s15 =	sadd.s32 s4, s9  }
0x11: {  	s19 =	sadd.s32 s7, s11;
	s11 =	sor.u32 s13, s11;
	s24 =	sadd.s32 s21, s2  }
0x12: {  	s2 =	sadd.s32 s2, s8;
	[dreg:$0xd] =	wrdreg s26;
	s26 =	simm.s32 $0x0  }
0x13: {  	[dreg:$0x4] =	wrdreg s15;
	s20 =	sadd.s32 $0x1900, s15;
	s9 =	sor.u32 s13, s19  }
0x14: {  	s13 =	sshrl.u32 s11, $0x3;
	s2 =	sshrl.u32 s2, $0x3;
	s25 =	sadd.s32 $0xC00, s11  }
0x15: {  	s31 =	sadd.s32 $0x800, s11;
	s11 =	simm.s32 $0x17AC0;
	s15 =	simm.s32 $0x13980  }
0x16: {  	s19 =	simm.s32 $0x80;
	[dreg:$0x6] =	wrdreg s20;
	s9 =	sshrl.u32 s9, $0x3  }
0x17: {  	s22 =	sadd.s32 s6, s13;
	s30 =	sadd.s32 s7, s25;
	[dreg:$0xe] =	wrdreg s31  }
0x18: {  	s13 =	simm.s32 $0x19AC0;
	s9 =	sadd.s32 s5, s9;
	[dreg:$0x8] =	wrdreg s22  }
0x19: {  	s10 =	sadd.s32 $0x80, s22;
	[dreg:$0x7] =	wrdreg s9;
	s9 =	sadd.s32 $0x80, s9  }
0x1a: {  	s22 =	simm.s32 $0x7;
	[dreg:$0x9] =	wrdreg s9;
	s9 =	sshrl.u32 s24, $0x3  }
0x1b: {  	[dreg:$0xa] =	wrdreg s10;
	s24 =	simm.s32 $0x2;
	s9 =	sadd.s32 s0, s9  }
0x1c: {  	s0 =	sadd.s32 s0, s2;
	s2 =	sadd.s32 s8, s1;
	[dreg:$0xb] =	wrdreg s9  }
.Ltmp0:
0x1d: {  	s8 =	sshrl.u32 s30, $0x3;
	[dreg:$0xc] =	wrdreg s0;
	(pc) =	sbr.rel .LBB2_1-.Ltmp0, $4  }
0x1e: {  	s0 =	sshrl.u32 s25, $0x3;
	s21 =	sadd.s32 s8, s5;
	s8 =	simm.s32 $0x4  }
0x1f: {  	s9 =	simm.s32 $0x6;
	s20 =	sadd.s32 s0, s6;
	s0 =	sshrl.u32 @!p0 s14, $0x3  }
0x20: {  	s14 =	simm.s32 $0x13960;
	[dreg:$0xf] =	wrdreg s0;
	s0 =	sshrl.u32 @!p0 s2, $0x3  }
0x21: {  	s2 =	simm.s32 $0x13AC0;
	[dreg:$0x10] =	wrdreg s0;
	s0 =	simm.s32 $0x20  }
.LBB2_4:
0x22: {  	[bflag:$0x0] =	sbarrier.arrive $0xFFFF  }
0x23: {  	s23 =	rddreg [dreg:$0x5]  }
0x24: {  	s10 =	rddreg [dreg:$0xb]  }
0x25: {  	s25 =	rddreg [dreg:$0x12]  }
0x26: {  	[hbm:s10], [sflag:s23] =	dma.local [spmem:s25], $0x1900  }
0x27: {  	_ =	swait.ge [sflag:s22], $0x1900  }
0x28: {  	[sflag:s22] =	ssyncset.done $0x0;
	s10 =	rddreg [dreg:$0xc]  }
0x29: {  	s25 =	rddreg [dreg:$0x10];
	[sflag:s22] =	ssyncadd.s32 $0xFFFFE700  }
0x2a: {  	[hbm:s10], [sflag:s23] =	dma.local @!p0 [spmem:s25], $0xF00  }
0x2b: {  	s10 =	simm.s32 @!p0 $0x7  }
0x2c: {  	_ =	swait.ge @!p0 [sflag:s10], $0xF00  }
0x2d: {  	s26 =	rddreg [dreg:$0x11]  }
0x2e: {  	s31 =	rddreg [dreg:$0xd];
	s26 =	sadd.s32 $0x1, s26  }
0x2f: {  	p1 =	sne.s32 s26, s31  }
.Ltmp1:
0x30: {  	_ = 	snop;
	(pc) =	sbr.rel @!p1 .LBB2_5-.Ltmp1, $3  }
0x31: {  	_ =	sdelay $0x1  }
0x32: {  	[sflag:s10] =	ssyncset.done @!p0 $0x0  }
0x33: {  	[sflag:s10] =	ssyncadd.s32 @!p0 $0xFFFFF100  }
.LBB2_1:
0x34: {  	[dreg:$0x11] =	wrdreg s26  }
0x35: {  	s10 =	rddreg [dreg:$0x3]  }
0x36: {  	s26 =	rddreg [dreg:$0x4];
	s25 =	sshrl.u32 s10, $0x3  }
0x37: {  	[dreg:$0x12] =	wrdreg s25  }
0x38: {  	[spmem:s25], [sflag:s23] =	dma.local [hbm:s26], $0x1900  }
0x39: {  	_ =	swait.ge [sflag:s22], $0x1900  }
0x3a: {  	[sflag:s22] =	ssyncset.done $0x0;
	s10 =	rddreg [dreg:$0x6]  }
0x3b: {  	s30 =	simm.s32 @!p0 $0x7;
	s25 =	rddreg [dreg:$0xf];
	[sflag:s22] =	ssyncadd.s32 $0xFFFFE700  }
0x3c: {  	[spmem:s25], [sflag:s23] =	dma.local @!p0 [hbm:s10], $0xF00  }
0x3d: {  	_ =	swait.ge @!p0 [sflag:s30], $0xF00  }
0x3e: {  	[sflag:s30] =	ssyncset.done @!p0 $0x0  }
0x3f: {  	[sflag:s30] =	ssyncadd.s32 @!p0 $0xFFFFF100  }
0x40: {  	[bflag:$0x0] =	sbarrier.arrive $0xFFFF  }
0x41: {  	s23 =	simm.s32 $0x138C0;
	s26 =	rddreg [dreg:$0x7]  }
0x42: {  	[tilespmem:s23], [sflag:$0x3] =	stream.linear.gather [hbm4b:s26+s3], $0x80, $0x38;
	[tilespmem:$0x1BAC0] =	vst v63  }
0x43: {  	s25 =	rddreg [dreg:$0x8];
	s26 =	simm.s32 $0x139C0  }
0x44: {  	[tilespmem:s26], [sflag:$0x5] =	stream.linear.gather [hbm4b:s25+s3], $0x80, $0x38;
	[tilespmem:$0x1BAC0] =	vst v63  }
0x45: {  	s25 =	rddreg [dreg:$0x9]  }
0x46: {  	[tilespmem:s28], [sflag:$0x4] =	stream.linear.gather [hbm4b:s25+s3], $0x80, $0x38;
	[tilespmem:$0x1BAC0] =	vst v63  }
0x47: {  	s26 =	rddreg [dreg:$0xa];
	s25 =	simm.s32 $0x3  }
0x48: {  	[tilespmem:s29], [sflag:$0x6] =	stream.linear.gather [hbm4b:s26+s3], $0x80, $0x38;
	[tilespmem:$0x1BAC0] =	vst v63  }
0x49: {  	_ =	swait.ge [sflag:s25], $0x80  }
0x4a: {  	[sflag:s25] =	ssyncset.done $0x0  }
0x4b: {  	s26 =	simm.s32 $0x5;
	[sflag:s25] =	ssyncadd.s32 $0xFFFFFF80  }
0x4c: {  	_ =	swait.ge [sflag:s26], $0x80  }
0x4d: {  	[sflag:s26] =	ssyncset.done $0x0  }
0x4e: {  	[sflag:s26] =	ssyncadd.s32 $0xFFFFFF80  }
0x4f: {  	[tilespmem:s2], [sflag:$0x1] =	stream.indirect.gather [hbm4b:s4+s0], $0x80, s23, s0, $0xb8;
	[tilespmem:$0x1BAC0] =	vst v63  }
0x50: {  	s25 =	simm.s32 $0x138E0;
	s26 =	simm.s32 $0x14AC0  }
0x51: {  	[tilespmem:s26], [sflag:$0x1] =	stream.indirect.gather [hbm4b:s4+s0], $0x80, s25, s0, $0xb8;
	[tilespmem:$0x1BAC0] =	vst v63  }
0x52: {  	s30 =	simm.s32 $0x0;
	s25 =	simm.s32 $0x13900;
	s26 =	simm.s32 $0x15AC0  }
0x53: {  	[tilespmem:s26], [sflag:$0x1] =	stream.indirect.gather [hbm4b:s4+s0], $0x80, s25, s0, $0xb8;
	[tilespmem:$0x1BAC0] =	vst v63  }
0x54: {  	s31 =	rddreg [dreg:$0xe];
	s25 =	simm.s32 $0x13920;
	s26 =	simm.s32 $0x16AC0  }
0x55: {  	[tilespmem:s26], [sflag:$0x1] =	stream.indirect.gather [hbm4b:s4+s0], $0x80, s25, s0, $0xb8;
	[tilespmem:$0x1BAC0] =	vst v63  }
.LBB2_2:
0x56: {  	_ =	swait.ge [sflag:s8], $0x80  }
0x57: {  	[sflag:s8] =	ssyncset.done $0x0  }
0x58: {  	[sflag:s8] =	ssyncadd.s32 $0xFFFFFF80  }
0x59: {  	_ =	swait.ge [sflag:s9], $0x80  }
0x5a: {  	[sflag:s9] =	ssyncset.done $0x0  }
0x5b: {  	[sflag:s9] =	ssyncadd.s32 $0xFFFFFF80  }
0x5c: {  	[tilespmem:s11], [sflag:$0x2] =	stream.indirect.gather [hbm4b:s4+s0], $0x80, s28, s0, $0xb8;
	[tilespmem:$0x1BAC0] =	vst v63  }
0x5d: {  	_ = 	snop  }
0x5e: {  	[tilespmem:s12], [sflag:$0x2] =	stream.indirect.gather [hbm4b:s4+s0], $0x80, s14, s0, $0xb8;
	[tilespmem:$0x1BAC0] =	vst v63  }
0x5f: {  	_ = 	snop  }
0x60: {  	[tilespmem:s13], [sflag:$0x2] =	stream.indirect.gather [hbm4b:s4+s0], $0x80, s15, s0, $0xb8;
	[tilespmem:$0x1BAC0] =	vst v63  }
0x61: {  	_ = 	snop  }
0x62: {  	[tilespmem:s17], [sflag:$0x2] =	stream.indirect.gather [hbm4b:s4+s0], $0x80, s16, s0, $0xb8;
	[tilespmem:$0x1BAC0] =	vst v63  }
0x63: {  	_ =	swait.ge [sflag:s18], $0x1000  }
0x64: {  	[sflag:s18] =	ssyncset.done $0x0  }
0x65: {  	[sflag:s18] =	ssyncadd.s32 $0xFFFFF000  }
0x66: {  	_ =	swait.ge [sflag:s18], $0x1000  }
0x67: {  	[sflag:s18] =	ssyncset.done $0x0  }
0x68: {  	[sflag:s18] =	ssyncadd.s32 $0xFFFFF000  }
0x69: {  	_ =	swait.ge [sflag:s18], $0x1000  }
0x6a: {  	[sflag:s18] =	ssyncset.done $0x0  }
0x6b: {  	[sflag:s18] =	ssyncadd.s32 $0xFFFFF000  }
0x6c: {  	_ =	swait.ge [sflag:s18], $0x1000  }
0x6d: {  	[sflag:s18] =	ssyncset.done $0x0  }
0x6e: {  	s10 =	simm.s32 $0x139C0;
	p1 =	seq.s32 s30, $0x4E00;
	[sflag:s18] =	ssyncadd.s32 $0xFFFFF000  }
0x6f: {  	[spmem:s1] =	stream.indirect.scatter.add.f32 [tilespmem:s2], [sflag:$0x7], $0x80, s10, s19, $0xb8;
	[tilespmem:$0x1BAC0] =	vst v63  }
0x70: {  	s10 =	sadd.s32 @!p1 s31, s7;
	_ =	swait.ge [sflag:s22], $0x4000  }
0x71: {  	s25 =	simm.s32 @!p1 $0x0;
	s10 =	sshrl.u32 @!p1 s10, $0x3;
	[sflag:s22] =	ssyncset.done $0x0  }
0x72: {  	s23 =	simm.s32 @!p1 $0x138C0;
	s10 =	sadd.s32 @!p1 s5, s10;
	[sflag:s22] =	ssyncadd.s32 $0xFFFFC000  }
0x73: {  	[tilespmem:s23], [sflag:$0x3] =	stream.linear.gather @!p1 [hbm4b:s10+s25], $0x80, $0x38;
	[tilespmem:$0x1BAC0] =	vst v63  }
0x74: {  	s10 =	sshrl.u32 @!p1 s31, $0x3  }
0x75: {  	s26 =	simm.s32 @!p1 $0x139C0;
	s10 =	sadd.s32 @!p1 s6, s10  }
0x76: {  	[tilespmem:s26], [sflag:$0x5] =	stream.linear.gather @!p1 [hbm4b:s10+s25], $0x80, $0x38;
	[tilespmem:$0x1BAC0] =	vst v63  }
0x77: {  	s10 =	simm.s32 @!p1 $0x3  }
0x78: {  	_ =	swait.ge @!p1 [sflag:s10], $0x80  }
0x79: {  	[sflag:s10] =	ssyncset.done @!p1 $0x0  }
0x7a: {  	[sflag:s10] =	ssyncadd.s32 @!p1 $0xFFFFFF80;
	s10 =	simm.s32 @!p1 $0x5  }
0x7b: {  	_ =	swait.ge @!p1 [sflag:s10], $0x80  }
0x7c: {  	[sflag:s10] =	ssyncset.done @!p1 $0x0  }
0x7d: {  	s25 =	simm.s32 @!p1 $0x13AC0;
	[sflag:s10] =	ssyncadd.s32 @!p1 $0xFFFFFF80;
	s10 =	simm.s32 @!p1 $0x20  }
0x7e: {  	[tilespmem:s25], [sflag:$0x1] =	stream.indirect.gather @!p1 [hbm4b:s4+s10], $0x80, s23, s10, $0xb8;
	[tilespmem:$0x1BAC0] =	vst v63  }
0x7f: {  	s23 =	simm.s32 @!p1 $0x138E0;
	s25 =	simm.s32 @!p1 $0x14AC0  }
0x80: {  	[tilespmem:s25], [sflag:$0x1] =	stream.indirect.gather @!p1 [hbm4b:s4+s10], $0x80, s23, s10, $0xb8;
	[tilespmem:$0x1BAC0] =	vst v63  }
0x81: {  	s23 =	simm.s32 @!p1 $0x13900;
	s25 =	simm.s32 @!p1 $0x15AC0  }
0x82: {  	[tilespmem:s25], [sflag:$0x1] =	stream.indirect.gather @!p1 [hbm4b:s4+s10], $0x80, s23, s10, $0xb8;
	[tilespmem:$0x1BAC0] =	vst v63  }
0x83: {  	s23 =	simm.s32 @!p1 $0x13920;
	s25 =	simm.s32 @!p1 $0x16AC0  }
0x84: {  	[tilespmem:s25], [sflag:$0x1] =	stream.indirect.gather @!p1 [hbm4b:s4+s10], $0x80, s23, s10, $0xb8;
	[tilespmem:$0x1BAC0] =	vst v63  }
0x85: {  	_ =	swait.ge [sflag:s24], $0x1000  }
0x86: {  	[sflag:s24] =	ssyncset.done $0x0  }
0x87: {  	[sflag:s24] =	ssyncadd.s32 $0xFFFFF000  }
0x88: {  	_ =	swait.ge [sflag:s24], $0x1000  }
0x89: {  	[sflag:s24] =	ssyncset.done $0x0  }
0x8a: {  	[sflag:s24] =	ssyncadd.s32 $0xFFFFF000  }
0x8b: {  	_ =	swait.ge [sflag:s24], $0x1000  }
0x8c: {  	[sflag:s24] =	ssyncset.done $0x0  }
0x8d: {  	[sflag:s24] =	ssyncadd.s32 $0xFFFFF000  }
0x8e: {  	_ =	swait.ge [sflag:s24], $0x1000  }
0x8f: {  	[sflag:s24] =	ssyncset.done $0x0  }
.Ltmp2:
0x90: {  	[sflag:s24] =	ssyncadd.s32 $0xFFFFF000;
	(pc) =	sbr.rel @p1 .LBB2_4-.Ltmp2, $4  }
0x91: {  	[spmem:s1] =	stream.indirect.scatter.add.f32 [tilespmem:s11], [sflag:$0x7], $0x80, s29, s19, $0xb8;
	[tilespmem:$0x1BAC0] =	vst v63  }
0x92: {  	_ =	swait.ge [sflag:s22], $0x4000  }
0x93: {  	[sflag:s22] =	ssyncset.done $0x0  }
0x94: {  	[sflag:s22] =	ssyncadd.s32 $0xFFFFC000  }
.Ltmp3:
0x95: {  	(pc) =	sbr.rel .LBB2_2-.Ltmp3, $4  }
0x96: {  	s10 =	sadd.s32 s30, s21  }
0x97: {  	[tilespmem:s28], [sflag:$0x4] =	stream.linear.gather [hbm4b:s10+s3], $0x80, $0x38;
	[tilespmem:$0x1BAC0] =	vst v63  }
0x98: {  	s26 =	sadd.s32 s30, s20;
	s31 =	sadd.s32 $0x800, s31;
	s30 =	sadd.s32 $0x100, s30  }
0x99: {  	[tilespmem:s29], [sflag:$0x6] =	stream.linear.gather [hbm4b:s26+s3], $0x80, $0x38;
	[tilespmem:$0x1BAC0] =	vst v63  }
.LBB2_5:
0x9a: {  	_ =	sfence.sel $0x180000  }
0x9b: {  	[bflag:$0x0] =	sbarrier.arrive $0xFFFF  }
0x9c: {  	_ =	strace $0x9000004D  }
0x9d: {  	s0 =	stileid.u32;
	[bflag:$0x2] =	sbarrier.arrive $0xFFFF  }
0x9e: {  	p0 =	sne.s32 s0, $0x0;
	s0 =	rddreg [dreg:$0x2]  }
0x9f: {  	s0 =	sadd.s32 @!p0 $0x100000, s0  }
0xa0: {  	[sflag:s0] =	ssyncadd.tile.s32 @!p0 $0x1;
	_ =	shalt  }
.Lfunc_end2:
_tile_overlayer_lowered:
.L_overlay_start_2:
0xa1: {  	(tag) =	ssettag $0x2  }
0xa2: {  	s0 =	rddreg [dreg:$0x0];
	s2 =	stileid.u32  }
0xa3: {  	s1 =	rddreg [dreg:$0x1];
	p0 =	sne.s32 s2, $0x0  }
0xa4: {  	s3 =	rddreg [dreg:$0x2];
	[bflag:$0x3] =	sbarrier.arrive $0xFFFF;
	s2 =	simm.s32 @!p0 $0x1C07  }
0xa5: {  	[timem:s3], [sflag:s2] =	dma.local @!p0 [hbm:s0], s1  }
0xa6: {  	s0 =	simm.s32 @!p0 $0x7  }
0xa7: {  	_ =	swait.ge @!p0 [sflag:s0], s1  }
0xa8: {  	s1 =	ssub.s32 @!p0 $0x0, s1;
	[sflag:s0] =	ssyncset.done @!p0 $0x0  }
0xa9: {  	[sflag:s0] =	ssyncadd.s32 @!p0 s1  }
0xaa: {  	[bflag:$0x3] =	sbarrier.arrive $0xFFFF  }
0xab: {  	_ =	shalt  }

// kernel: kernel.19.cloned.1.call-start
scs
__scs_entry_jumppad:
0x0: {  	(pc) =	sbr.rel $0x88, $3  }
0x1: {  	(tag) =	ssettag $0x0;
	lr =	simm.s32 $0x1  }
0x2: {  	[smem:$0x3F91] =	sst lr;
	_ =	strace $0xD0000000  }
0x3: {  	_ = 	snop  }
0x4: {  	_ = 	snop  }
0x5: {  	_ = 	snop  }
0x6: {  	_ = 	snop  }
0x7: {  	_ = 	snop  }
__scs_overlays_trampoline_lowered:
0x8: {  	[smem:$0x3FA0] =	sst s0  }
0x9: {  	[smem:$0x3FA1] =	sst s1  }
0xa: {  	[smem:$0x3FA2] =	sst s2  }
0xb: {  	[smem:$0x3FA3] =	sst s3  }
0xc: {  	[smem:$0x3FA4] =	sst s4  }
0xd: {  	[smem:$0x3FA5] =	sst s5  }
0xe: {  	[smem:$0x3FA6] =	sst s6  }
0xf: {  	[smem:$0x3FA7] =	sst s7  }
0x10: {  	[smem:$0x3FA8] =	sst s8  }
0x11: {  	[smem:$0x3FA9] =	sst s9;
	s0 =	simm.s32 @!p0 $0x0  }
0x12: {  	s1 =	sld [smem:$0x3F8F];
	s0 =	simm.s32 @p0 $0x1  }
0x13: {  	[smem:$0x3FAA] =	sst s0;
	s0 =	simm.s32 @!p1 $0x0  }
0x14: {  	s2 =	sld [smem:$0x3F8E];
	s0 =	simm.s32 @p1 $0x1  }
0x15: {  	[smem:$0x3FAB] =	sst s0;
	s0 =	simm.s32 @!p2 $0x0  }
0x16: {  	s3 =	sld [smem:$0x3FDB];
	s0 =	simm.s32 @p2 $0x1  }
0x17: {  	s4 =	simm.s32 $0x1BF5;
	[smem:$0x3FAD] =	sst s0  }
0x18: {  	s0 =	sld [smem:$0x3F90];
	_ =	swait.ge [sflag:s4], $0x0  }
0x19: {  	s7 =	sld [smem:$0x3F91]  }
0x1a: {  	s8 =	sadd.s32 $0xFFFFE003, lr  }
0x1b: {  	s9 =	sadd.s32 $0xFFFFFEF7, lr;
	s5 =	simm.s32 $0xFFFFFFFF;
	p2 =	slt.u32 s8, $0xFFFFF086  }
0x1c: {  	p1 =	slt.u32 s9, $0xF7A;
	s5 =	simm.s32 @!p2 $0x0  }
0x1d: {  	s5 =	simm.s32 @p1 $0x1;
	p0 =	seq.s32 s7, s2  }
0x1e: {  	s7 =	smul.u32 @!p0 $0xF7A, s2;
	p2 =	seq.s32 @!p0 s5, $0x0  }
0x1f: {  	s9 =	smul.u32 $0xF7A, s1;
	s8 =	simm.s32 @!p0 $0x1BF5;
	p2 =	por !p2, p0  }
0x20: {  	[sflag:s8] =	ssyncset.s32 @!p0 $0xFFFFF086;
	s6 =	sadd.s32 @!p0 s3, s7;
	s7 =	simm.s32 @!p0 $0x108  }
0x21: {  	s3 =	sadd.s32 s3, s9;
	s6 =	sadd.s32 @!p0 $0x88, s6;
	s7 =	simm.s32 @p2 $0x1082  }
0x22: {  	[simem:s7], [sflag:s8] =	dma.local @!p0 [hbm:s6], $0xF7A  }
0x23: {  	s9 =	sor.u32 $0xD0000000, s2;
	s6 =	simm.s32 $0x108;
	_ =	swait.ge @!p0 [sflag:s8], $0x0  }
0x24: {  	s3 =	sadd.s32 $0x88, s3;
	s6 =	simm.s32 @!p1 $0x1082;
	[sflag:s4] =	ssyncset.s32 $0xFFFFF086  }
0x25: {  	[simem:s6], [sflag:s4] =	dma.local [hbm:s3], $0xF7A  }
0x26: {  	[smem:$0x3F91] =	sst s1;
	(tag) =	ssettag s2;
	_ =	strace s9  }
0x27: {  	s1 =	sld [smem:$0x3FA1]  }
0x28: {  	s2 =	sld [smem:$0x3FA2]  }
0x29: {  	s4 =	sld [smem:$0x3FA4]  }
0x2a: {  	p0 =	seq.s32 s5, $0x0;
	s5 =	sld [smem:$0x3FA5]  }
0x2b: {  	s6 =	sld [smem:$0x3FA6]  }
0x2c: {  	s7 =	sld [smem:$0x3FA7]  }
0x2d: {  	s3 =	simm.s32 $0x108;
	s8 =	sld [smem:$0x3FA8]  }
0x2e: {  	s3 =	simm.s32 @!p0 $0x1082;
	s9 =	sld [smem:$0x3FA9]  }
0x2f: {  	lr =	sadd.s32 s0, s3;
	s0 =	sld [smem:$0x3FA0]  }
0x30: {  	s3 =	sld [smem:$0x3FA3]  }
0x31: {  	[smem:$0x3FAC] =	sst s10  }
0x32: {  	s10 =	sld [smem:$0x3FAA];
	_ =	sdelay $0x3  }
0x33: {  	p0 =	seq.s32 s10, $0x1;
	s10 =	sld [smem:$0x3FAC];
	_ =	sdelay $0x3  }
0x34: {  	[smem:$0x3FAC] =	sst s10  }
0x35: {  	s10 =	sld [smem:$0x3FAB];
	_ =	sdelay $0x3  }
0x36: {  	p1 =	seq.s32 s10, $0x1;
	s10 =	sld [smem:$0x3FAC];
	_ =	sdelay $0x3  }
0x37: {  	[smem:$0x3FAC] =	sst s10  }
0x38: {  	s10 =	sld [smem:$0x3FAD]  }
0x39: {  	_ = 	snop;
	(pc) =	sbr.ind lr, $3  }
0x3a: {  	_ = 	snop  }
0x3b: {  	_ = 	snop  }
0x3c: {  	p2 =	seq.s32 s10, $0x1;
	s10 =	sld [smem:$0x3FAC]  }
0x3d: {  	_ =	shalt  }
0x3e: {  	_ =	shalt  }
0x3f: {  	_ =	shalt  }
0x40: {  	_ =	shalt  }
0x41: {  	_ =	shalt  }
0x42: {  	_ =	shalt  }
0x43: {  	_ =	shalt  }
0x44: {  	_ =	shalt  }
0x45: {  	_ =	shalt  }
0x46: {  	_ =	shalt  }
0x47: {  	_ =	shalt  }
0x48: {  	_ =	shalt  }
0x49: {  	_ =	shalt  }
0x4a: {  	_ =	shalt  }
0x4b: {  	_ =	shalt  }
0x4c: {  	_ =	shalt  }
0x4d: {  	_ =	shalt  }
0x4e: {  	_ =	shalt  }
0x4f: {  	_ =	shalt  }
0x50: {  	_ =	shalt  }
0x51: {  	_ =	shalt  }
0x52: {  	_ =	shalt  }
0x53: {  	_ =	shalt  }
0x54: {  	_ =	shalt  }
0x55: {  	_ =	shalt  }
0x56: {  	_ =	shalt  }
0x57: {  	_ =	shalt  }
0x58: {  	_ =	shalt  }
0x59: {  	_ =	shalt  }
0x5a: {  	_ =	shalt  }
0x5b: {  	_ =	shalt  }
0x5c: {  	_ =	shalt  }
0x5d: {  	_ =	shalt  }
0x5e: {  	_ =	shalt  }
0x5f: {  	_ =	shalt  }
0x60: {  	_ =	shalt  }
0x61: {  	_ =	shalt  }
0x62: {  	_ =	shalt  }
0x63: {  	_ =	shalt  }
0x64: {  	_ =	shalt  }
0x65: {  	_ =	shalt  }
0x66: {  	_ =	shalt  }
0x67: {  	_ =	shalt  }
0x68: {  	_ =	shalt  }
0x69: {  	_ =	shalt  }
0x6a: {  	_ =	shalt  }
0x6b: {  	_ =	shalt  }
0x6c: {  	_ =	shalt  }
0x6d: {  	_ =	shalt  }
0x6e: {  	_ =	shalt  }
0x6f: {  	_ =	shalt  }
0x70: {  	_ =	shalt  }
0x71: {  	_ =	shalt  }
0x72: {  	_ =	shalt  }
0x73: {  	_ =	shalt  }
0x74: {  	_ =	shalt  }
0x75: {  	_ =	shalt  }
0x76: {  	_ =	shalt  }
0x77: {  	_ =	shalt  }
0x78: {  	_ =	shalt  }
0x79: {  	_ =	shalt  }
0x7a: {  	_ =	shalt  }
0x7b: {  	_ =	shalt  }
0x7c: {  	_ =	shalt  }
0x7d: {  	_ =	shalt  }
0x7e: {  	_ =	shalt  }
0x7f: {  	_ =	shalt  }
0x80: {  	_ =	shalt  }
0x81: {  	_ =	shalt  }
0x82: {  	_ =	shalt  }
0x83: {  	_ =	shalt  }
0x84: {  	_ =	shalt  }
0x85: {  	_ =	shalt  }
0x86: {  	_ =	shalt  }
0x87: {  	_ =	shalt  }
.Lfunc_end0:
.L_simem_size_0:
called_computation.3_lowered:
.L_overlay_start_0:
0x88: {  	s2 =	sld [smem:$0x3FD9]  }
0x89: {  	s3 =	sld [smem:$0x3FFE];
	_ =	sdelay $0x1  }
0x8a: {  	s1 =	srdreg.scid  }
0x8b: {  	s0 =	sand.u32 $0x1, s1  }
0x8c: {  	s16 =	sshll.u32 s0, $0xA;
	s2 =	sadd.s32 s3, s2  }
0x8d: {  	s2 =	sadd.s32 s2, s16  }
0x8e: {  	[smem:$0x3FB8] =	sst s2  }
0x8f: {  	_ = 	snop  }
0x90: {  	(tm) =	ssettm $0x1  }
0x91: {  	s17 =	sld [smem:$0x3FFB];
	_ =	sdelay $0x3  }
0x92: {  	_ =	strace s17  }
0x93: {  	s2 =	sld [smem:$0x3FFC];
	_ =	sdelay $0x3  }
0x94: {  	_ =	strace s2  }
0x95: {  	s2 =	sld [smem:$0x3FFD];
	_ =	sdelay $0x3  }
0x96: {  	_ =	strace s2  }
0x97: {  	_ =	strace $0x8FFFFFFF  }
0x98: {  	s18 =	sld [smem:$0x3FDB];
	_ =	sdelay $0x1  }
0x99: {  	s19 =	simm.s32 $_scs_section_size  }
0x9a: {  	s4 =	simm.s32 $_size__tile_overlayer_lowered;
	s5 =	simm.s32 $_tile_overlayer_lowered  }
0x9b: {  	s22 =	simm.s32 $0x1BFF;
	s21 =	sshll.u32 s5, $0x1;
	s2 =	sadd.s32 s19, s18  }
0x9c: {  	s6 =	simm.s32 $0x0;
	s20 =	sshll.u32 s4, $0x1;
	s4 =	sadd.s32 s21, s2  }
0x9d: {  	[timem:s6], [sflag:s22] =	dma.local [hbm:s4], s20  }
0x9e: {  	_ =	swait.ge [sflag:s22], s20  }
0x9f: {  	s3 =	ssub.s32 $0x0, s20;
	[sflag:s22] =	ssyncset.done $0x0  }
0xa0: {  	[sflag:s22] =	ssyncadd.s32 s3;
	_ =	sdelay $0x1  }
0xa1: {  	s23 =	simm.s32 $0x1B8B  }
0xa2: {  	_ =	swait.ge [sflag:s23], $0x1  }
0xa3: {  	[sflag:s23] =	ssyncset.done $0x0  }
0xa4: {  	s25 =	simm.s32 $0x1B8E;
	s24 =	sld [smem:$0x3FFE];
	[sflag:s23] =	ssyncadd.s32 $0xFFFFFFFF  }
0xa5: {  	s26 =	simm.s32 $execute0_lowered;
	[smem:$0x3FD2] =	sst s25  }
0xa6: {  	s4 =	sshll.u32 s26, $0x1;
	_ =	strace $0x8000004F;
	[dreg:$0x1] =	wrdreg $0xFFFFFFFF  }
0xa7: {  	s28 =	simm.s32 $_size_execute0_lowered;
	s2 =	sadd.s32 s2, s4;
	[dreg:$0x0] =	wrdreg $0x0  }
0xa8: {  	s4 =	sshll.u32 s28, $0x1;
	[dreg:$0x2] =	wrdreg s2  }
0xa9: {  	[dreg:$0x3] =	wrdreg s4  }
0xaa: {  	[dreg:$0x4] =	wrdreg $0xC0  }
0xab: {  	_ =	task [dreg:s6], $0x5FFFF  }
0xac: {  	[dreg:$0x1] =	wrdreg $0xFFFFFFFF  }
0xad: {  	[dreg:$0x0] =	wrdreg $0x60  }
0xae: {  	[dreg:$0x2] =	wrdreg s24  }
0xaf: {  	[dreg:$0x3] =	wrdreg $0x0  }
0xb0: {  	[dreg:$0x4] =	wrdreg $0x9  }
0xb1: {  	_ =	task.clear_ibuf [dreg:s6], $0x5FFFF;
	_ =	strace $0x9000004F  }
0xb2: {  	s29 =	simm.s32 $0x9;
	_ =	strace $0x80000051  }
0xb3: {  	_ =	swait.ge [sflag:s29], $0x1  }
0xb4: {  	[sflag:s29] =	ssyncadd.s32 $0xFFFFFFFF  }
0xb5: {  	_ =	strace $0x90000051  }
0xb6: {  	_ =	sfence  }
0xb7: {  	s30 =	sld [smem:$0x0];
	_ =	sdelay $0x2  }
0xb8: {  	s31 =	sshll.u32 s1, $0xD;
	s1 =	sshrl.u32 s1, $0x2  }
0xb9: {  	s3 =	sand.u32 $0x4000, s31;
	s1 =	sadd.s32 s1, s30  }
0xba: {  	s0 =	sor.u32 s3, s0;
	s1 =	sshll.u32 s1, $0x11  }
0xbb: {  	s0 =	sor.u32 s1, s0  }
0xbc: {  	s0 =	sadd.s32 $0x8F2B, s0  }
0xbd: {  	[sflag:s0] =	ssyncadd.remote.s32 $0x1  }
0xbe: {  	_ =	sfence.sel $0xFFFF  }
0xbf: {  	[dreg:$0x0] =	wrdreg $0xFFFFFFFF;
	(pc) =	sbr.abs _section_cstart, $3  }
0xc0: {  	[dreg:$0x1] =	wrdreg $0xFFFFFFFF  }
0xc1: {  	_ =	task.clear_ibuf [dreg:s6], $0x2FFFF;
	_ =	strace $0x9FFFFFFF  }
0xc2: {  	(tm) =	ssettm $0x7FFFFFFF  }
0xc3: {  	_ =	shalt  }
tec
execute0_lowered:
.L_overlay_start_1:
0x0: {  	(tag) =	ssettag $0x1  }
0x1: {  	s0 =	rddreg [dreg:$0x0]  }
0x2: {  	s1 =	rddreg [dreg:$0x1];
	s3 =	simm.s32 $0x0  }
0x3: {  	s2 =	srdreg.scid;
	s16 =	stileid.u32;
	s28 =	simm.s32 $0x13940  }
0x4: {  	s29 =	simm.s32 $0x13A40;
	[smem:$0x7FF] =	sst s3;
	s4 =	sadd.s32 $0x2BA00, s0  }
0x5: {  	s2 =	sand.u32 $0x1, s2;
	s8 =	smul.u32 $0x280, s16;
	s5 =	sadd.s32 $0x17E00, s0  }
0x6: {  	s6 =	sadd.s32 $0xE000, s0;
	s11 =	smul.u32 $0x50000, s16;
	s0 =	sadd.s32 $0x116000, s0  }
0x7: {  	s17 =	sshrl.u32 s16, $0x3;
	s18 =	sshll.u32 s16, $0x6;
	s13 =	sshll.u32 s16, $0x7  }
0x8: {  	s21 =	smul.u32 $0x14000, s16;
	p0 =	seq.s32 s16, $0xF;
	s16 =	simm.s32 $0x139A0  }
0x9: {  	_ =	strace $0x80000050;
	s7 =	ssub.s32 $0x2, s2;
	s9 =	smul.u32 $0x2710, s2  }
0xa: {  	s23 =	sor.u32 $0x1C07, s18;
	s13 =	sand.u32 $0x380, s13;
	s18 =	simm.s32 $0x1  }
0xb: {  	s10 =	sshrl.u32 s7, $0x1;
	s15 =	sshrl.u32 s11, $0x2;
	s11 =	smul.u32 $0x27800, s17  }
0xc: {  	s17 =	simm.s32 $0x1AAC0;
	[dreg:$0x5] =	wrdreg s23;
	s12 =	ssub.s32 s7, s10  }
0xd: {  	s9 =	sadd.s32 s8, s9;
	s7 =	smul.u32 $0x4F000, s2;
	s10 =	sadd.s32 s15, s1  }
0xe: {  	s2 =	smul.u32 $0x138800, s2;
	s8 =	sshll.u32 s8, $0x7;
	s9 =	sshll.u32 s9, $0x4  }
0xf: {  	[dreg:$0x3] =	wrdreg s10;
	s14 =	sadd.s32 $0xC800, s10;
	s8 =	sadd.s32 $0xC800, s8  }
0x10: {  	s26 =	smax.u32 s12, $0x1;
	s12 =	simm.s32 $0x18AC0;
	s15 =	sadd.s32 s4, s9  }
0x11: {  	s19 =	sadd.s32 s7, s11;
	s11 =	sor.u32 s13, s11;
	s24 =	sadd.s32 s21, s2  }
0x12: {  	s2 =	sadd.s32 s2, s8;
	[dreg:$0xd] =	wrdreg s26;
	s26 =	simm.s32 $0x0  }
0x13: {  	[dreg:$0x4] =	wrdreg s15;
	s20 =	sadd.s32 $0x1900, s15;
	s9 =	sor.u32 s13, s19  }
0x14: {  	s13 =	sshrl.u32 s11, $0x3;
	s2 =	sshrl.u32 s2, $0x3;
	s25 =	sadd.s32 $0xC00, s11  }
0x15: {  	s31 =	sadd.s32 $0x800, s11;
	s11 =	simm.s32 $0x17AC0;
	s15 =	simm.s32 $0x13980  }
0x16: {  	s19 =	simm.s32 $0x80;
	[dreg:$0x6] =	wrdreg s20;
	s9 =	sshrl.u32 s9, $0x3  }
0x17: {  	s22 =	sadd.s32 s6, s13;
	s30 =	sadd.s32 s7, s25;
	[dreg:$0xe] =	wrdreg s31  }
0x18: {  	s13 =	simm.s32 $0x19AC0;
	s9 =	sadd.s32 s5, s9;
	[dreg:$0x8] =	wrdreg s22  }
0x19: {  	s10 =	sadd.s32 $0x80, s22;
	[dreg:$0x7] =	wrdreg s9;
	s9 =	sadd.s32 $0x80, s9  }
0x1a: {  	s22 =	simm.s32 $0x7;
	[dreg:$0x9] =	wrdreg s9;
	s9 =	sshrl.u32 s24, $0x3  }
0x1b: {  	[dreg:$0xa] =	wrdreg s10;
	s24 =	simm.s32 $0x2;
	s9 =	sadd.s32 s0, s9  }
0x1c: {  	s0 =	sadd.s32 s0, s2;
	s2 =	sadd.s32 s8, s1;
	[dreg:$0xb] =	wrdreg s9  }
.Ltmp0:
0x1d: {  	s8 =	sshrl.u32 s30, $0x3;
	[dreg:$0xc] =	wrdreg s0;
	(pc) =	sbr.rel .LBB2_1-.Ltmp0, $4  }
0x1e: {  	s0 =	sshrl.u32 s25, $0x3;
	s21 =	sadd.s32 s8, s5;
	s8 =	simm.s32 $0x4  }
0x1f: {  	s9 =	simm.s32 $0x6;
	s20 =	sadd.s32 s0, s6;
	s0 =	sshrl.u32 @!p0 s14, $0x3  }
0x20: {  	s14 =	simm.s32 $0x13960;
	[dreg:$0xf] =	wrdreg s0;
	s0 =	sshrl.u32 @!p0 s2, $0x3  }
0x21: {  	s2 =	simm.s32 $0x13AC0;
	[dreg:$0x10] =	wrdreg s0;
	s0 =	simm.s32 $0x20  }
.LBB2_4:
0x22: {  	[bflag:$0x0] =	sbarrier.arrive $0xFFFF  }
0x23: {  	s23 =	rddreg [dreg:$0x5]  }
0x24: {  	s10 =	rddreg [dreg:$0xb]  }
0x25: {  	s25 =	rddreg [dreg:$0x12]  }
0x26: {  	[hbm:s10], [sflag:s23] =	dma.local [spmem:s25], $0x1900  }
0x27: {  	_ =	swait.ge [sflag:s22], $0x1900  }
0x28: {  	[sflag:s22] =	ssyncset.done $0x0;
	s10 =	rddreg [dreg:$0xc]  }
0x29: {  	s25 =	rddreg [dreg:$0x10];
	[sflag:s22] =	ssyncadd.s32 $0xFFFFE700  }
0x2a: {  	[hbm:s10], [sflag:s23] =	dma.local @!p0 [spmem:s25], $0xF00  }
0x2b: {  	s10 =	simm.s32 @!p0 $0x7  }
0x2c: {  	_ =	swait.ge @!p0 [sflag:s10], $0xF00  }
0x2d: {  	s26 =	rddreg [dreg:$0x11]  }
0x2e: {  	s31 =	rddreg [dreg:$0xd];
	s26 =	sadd.s32 $0x1, s26  }
0x2f: {  	p1 =	sne.s32 s26, s31  }
.Ltmp1:
0x30: {  	_ = 	snop;
	(pc) =	sbr.rel @!p1 .LBB2_5-.Ltmp1, $3  }
0x31: {  	_ =	sdelay $0x1  }
0x32: {  	[sflag:s10] =	ssyncset.done @!p0 $0x0  }
0x33: {  	[sflag:s10] =	ssyncadd.s32 @!p0 $0xFFFFF100  }
.LBB2_1:
0x34: {  	[dreg:$0x11] =	wrdreg s26  }
0x35: {  	s10 =	rddreg [dreg:$0x3]  }
0x36: {  	s26 =	rddreg [dreg:$0x4];
	s25 =	sshrl.u32 s10, $0x3  }
0x37: {  	[dreg:$0x12] =	wrdreg s25  }
0x38: {  	[spmem:s25], [sflag:s23] =	dma.local [hbm:s26], $0x1900  }
0x39: {  	_ =	swait.ge [sflag:s22], $0x1900  }
0x3a: {  	[sflag:s22] =	ssyncset.done $0x0;
	s10 =	rddreg [dreg:$0x6]  }
0x3b: {  	s30 =	simm.s32 @!p0 $0x7;
	s25 =	rddreg [dreg:$0xf];
	[sflag:s22] =	ssyncadd.s32 $0xFFFFE700  }
0x3c: {  	[spmem:s25], [sflag:s23] =	dma.local @!p0 [hbm:s10], $0xF00  }
0x3d: {  	_ =	swait.ge @!p0 [sflag:s30], $0xF00  }
0x3e: {  	[sflag:s30] =	ssyncset.done @!p0 $0x0  }
0x3f: {  	[sflag:s30] =	ssyncadd.s32 @!p0 $0xFFFFF100  }
0x40: {  	[bflag:$0x0] =	sbarrier.arrive $0xFFFF  }
0x41: {  	s23 =	simm.s32 $0x138C0;
	s26 =	rddreg [dreg:$0x7]  }
0x42: {  	[tilespmem:s23], [sflag:$0x3] =	stream.linear.gather [hbm4b:s26+s3], $0x80, $0x38;
	[tilespmem:$0x1BAC0] =	vst v63  }
0x43: {  	s25 =	rddreg [dreg:$0x8];
	s26 =	simm.s32 $0x139C0  }
0x44: {  	[tilespmem:s26], [sflag:$0x5] =	stream.linear.gather [hbm4b:s25+s3], $0x80, $0x38;
	[tilespmem:$0x1BAC0] =	vst v63  }
0x45: {  	s25 =	rddreg [dreg:$0x9]  }
0x46: {  	[tilespmem:s28], [sflag:$0x4] =	stream.linear.gather [hbm4b:s25+s3], $0x80, $0x38;
	[tilespmem:$0x1BAC0] =	vst v63  }
0x47: {  	s26 =	rddreg [dreg:$0xa];
	s25 =	simm.s32 $0x3  }
0x48: {  	[tilespmem:s29], [sflag:$0x6] =	stream.linear.gather [hbm4b:s26+s3], $0x80, $0x38;
	[tilespmem:$0x1BAC0] =	vst v63  }
0x49: {  	_ =	swait.ge [sflag:s25], $0x80  }
0x4a: {  	[sflag:s25] =	ssyncset.done $0x0  }
0x4b: {  	s26 =	simm.s32 $0x5;
	[sflag:s25] =	ssyncadd.s32 $0xFFFFFF80  }
0x4c: {  	_ =	swait.ge [sflag:s26], $0x80  }
0x4d: {  	[sflag:s26] =	ssyncset.done $0x0  }
0x4e: {  	[sflag:s26] =	ssyncadd.s32 $0xFFFFFF80  }
0x4f: {  	[tilespmem:s2], [sflag:$0x1] =	stream.indirect.gather [hbm4b:s4+s0], $0x80, s23, s0, $0xb8;
	[tilespmem:$0x1BAC0] =	vst v63  }
0x50: {  	s25 =	simm.s32 $0x138E0;
	s26 =	simm.s32 $0x14AC0  }
0x51: {  	[tilespmem:s26], [sflag:$0x1] =	stream.indirect.gather [hbm4b:s4+s0], $0x80, s25, s0, $0xb8;
	[tilespmem:$0x1BAC0] =	vst v63  }
0x52: {  	s30 =	simm.s32 $0x0;
	s25 =	simm.s32 $0x13900;
	s26 =	simm.s32 $0x15AC0  }
0x53: {  	[tilespmem:s26], [sflag:$0x1] =	stream.indirect.gather [hbm4b:s4+s0], $0x80, s25, s0, $0xb8;
	[tilespmem:$0x1BAC0] =	vst v63  }
0x54: {  	s31 =	rddreg [dreg:$0xe];
	s25 =	simm.s32 $0x13920;
	s26 =	simm.s32 $0x16AC0  }
0x55: {  	[tilespmem:s26], [sflag:$0x1] =	stream.indirect.gather [hbm4b:s4+s0], $0x80, s25, s0, $0xb8;
	[tilespmem:$0x1BAC0] =	vst v63  }
.LBB2_2:
0x56: {  	_ =	swait.ge [sflag:s8], $0x80  }
0x57: {  	[sflag:s8] =	ssyncset.done $0x0  }
0x58: {  	[sflag:s8] =	ssyncadd.s32 $0xFFFFFF80  }
0x59: {  	_ =	swait.ge [sflag:s9], $0x80  }
0x5a: {  	[sflag:s9] =	ssyncset.done $0x0  }
0x5b: {  	[sflag:s9] =	ssyncadd.s32 $0xFFFFFF80  }
0x5c: {  	[tilespmem:s11], [sflag:$0x2] =	stream.indirect.gather [hbm4b:s4+s0], $0x80, s28, s0, $0xb8;
	[tilespmem:$0x1BAC0] =	vst v63  }
0x5d: {  	_ = 	snop  }
0x5e: {  	[tilespmem:s12], [sflag:$0x2] =	stream.indirect.gather [hbm4b:s4+s0], $0x80, s14, s0, $0xb8;
	[tilespmem:$0x1BAC0] =	vst v63  }
0x5f: {  	_ = 	snop  }
0x60: {  	[tilespmem:s13], [sflag:$0x2] =	stream.indirect.gather [hbm4b:s4+s0], $0x80, s15, s0, $0xb8;
	[tilespmem:$0x1BAC0] =	vst v63  }
0x61: {  	_ = 	snop  }
0x62: {  	[tilespmem:s17], [sflag:$0x2] =	stream.indirect.gather [hbm4b:s4+s0], $0x80, s16, s0, $0xb8;
	[tilespmem:$0x1BAC0] =	vst v63  }
0x63: {  	_ =	swait.ge [sflag:s18], $0x1000  }
0x64: {  	[sflag:s18] =	ssyncset.done $0x0  }
0x65: {  	[sflag:s18] =	ssyncadd.s32 $0xFFFFF000  }
0x66: {  	_ =	swait.ge [sflag:s18], $0x1000  }
0x67: {  	[sflag:s18] =	ssyncset.done $0x0  }
0x68: {  	[sflag:s18] =	ssyncadd.s32 $0xFFFFF000  }
0x69: {  	_ =	swait.ge [sflag:s18], $0x1000  }
0x6a: {  	[sflag:s18] =	ssyncset.done $0x0  }
0x6b: {  	[sflag:s18] =	ssyncadd.s32 $0xFFFFF000  }
0x6c: {  	_ =	swait.ge [sflag:s18], $0x1000  }
0x6d: {  	[sflag:s18] =	ssyncset.done $0x0  }
0x6e: {  	s10 =	simm.s32 $0x139C0;
	p1 =	seq.s32 s30, $0x4E00;
	[sflag:s18] =	ssyncadd.s32 $0xFFFFF000  }
0x6f: {  	[spmem:s1] =	stream.indirect.scatter.add.f32 [tilespmem:s2], [sflag:$0x7], $0x80, s10, s19, $0xb8;
	[tilespmem:$0x1BAC0] =	vst v63  }
0x70: {  	s10 =	sadd.s32 @!p1 s31, s7;
	_ =	swait.ge [sflag:s22], $0x4000  }
0x71: {  	s25 =	simm.s32 @!p1 $0x0;
	s10 =	sshrl.u32 @!p1 s10, $0x3;
	[sflag:s22] =	ssyncset.done $0x0  }
0x72: {  	s23 =	simm.s32 @!p1 $0x138C0;
	s10 =	sadd.s32 @!p1 s5, s10;
	[sflag:s22] =	ssyncadd.s32 $0xFFFFC000  }
0x73: {  	[tilespmem:s23], [sflag:$0x3] =	stream.linear.gather @!p1 [hbm4b:s10+s25], $0x80, $0x38;
	[tilespmem:$0x1BAC0] =	vst v63  }
0x74: {  	s10 =	sshrl.u32 @!p1 s31, $0x3  }
0x75: {  	s26 =	simm.s32 @!p1 $0x139C0;
	s10 =	sadd.s32 @!p1 s6, s10  }
0x76: {  	[tilespmem:s26], [sflag:$0x5] =	stream.linear.gather @!p1 [hbm4b:s10+s25], $0x80, $0x38;
	[tilespmem:$0x1BAC0] =	vst v63  }
0x77: {  	s10 =	simm.s32 @!p1 $0x3  }
0x78: {  	_ =	swait.ge @!p1 [sflag:s10], $0x80  }
0x79: {  	[sflag:s10] =	ssyncset.done @!p1 $0x0  }
0x7a: {  	[sflag:s10] =	ssyncadd.s32 @!p1 $0xFFFFFF80;
	s10 =	simm.s32 @!p1 $0x5  }
0x7b: {  	_ =	swait.ge @!p1 [sflag:s10], $0x80  }
0x7c: {  	[sflag:s10] =	ssyncset.done @!p1 $0x0  }
0x7d: {  	s25 =	simm.s32 @!p1 $0x13AC0;
	[sflag:s10] =	ssyncadd.s32 @!p1 $0xFFFFFF80;
	s10 =	simm.s32 @!p1 $0x20  }
0x7e: {  	[tilespmem:s25], [sflag:$0x1] =	stream.indirect.gather @!p1 [hbm4b:s4+s10], $0x80, s23, s10, $0xb8;
	[tilespmem:$0x1BAC0] =	vst v63  }
0x7f: {  	s23 =	simm.s32 @!p1 $0x138E0;
	s25 =	simm.s32 @!p1 $0x14AC0  }
0x80: {  	[tilespmem:s25], [sflag:$0x1] =	stream.indirect.gather @!p1 [hbm4b:s4+s10], $0x80, s23, s10, $0xb8;
	[tilespmem:$0x1BAC0] =	vst v63  }
0x81: {  	s23 =	simm.s32 @!p1 $0x13900;
	s25 =	simm.s32 @!p1 $0x15AC0  }
0x82: {  	[tilespmem:s25], [sflag:$0x1] =	stream.indirect.gather @!p1 [hbm4b:s4+s10], $0x80, s23, s10, $0xb8;
	[tilespmem:$0x1BAC0] =	vst v63  }
0x83: {  	s23 =	simm.s32 @!p1 $0x13920;
	s25 =	simm.s32 @!p1 $0x16AC0  }
0x84: {  	[tilespmem:s25], [sflag:$0x1] =	stream.indirect.gather @!p1 [hbm4b:s4+s10], $0x80, s23, s10, $0xb8;
	[tilespmem:$0x1BAC0] =	vst v63  }
0x85: {  	_ =	swait.ge [sflag:s24], $0x1000  }
0x86: {  	[sflag:s24] =	ssyncset.done $0x0  }
0x87: {  	[sflag:s24] =	ssyncadd.s32 $0xFFFFF000  }
0x88: {  	_ =	swait.ge [sflag:s24], $0x1000  }
0x89: {  	[sflag:s24] =	ssyncset.done $0x0  }
0x8a: {  	[sflag:s24] =	ssyncadd.s32 $0xFFFFF000  }
0x8b: {  	_ =	swait.ge [sflag:s24], $0x1000  }
0x8c: {  	[sflag:s24] =	ssyncset.done $0x0  }
0x8d: {  	[sflag:s24] =	ssyncadd.s32 $0xFFFFF000  }
0x8e: {  	_ =	swait.ge [sflag:s24], $0x1000  }
0x8f: {  	[sflag:s24] =	ssyncset.done $0x0  }
.Ltmp2:
0x90: {  	[sflag:s24] =	ssyncadd.s32 $0xFFFFF000;
	(pc) =	sbr.rel @p1 .LBB2_4-.Ltmp2, $4  }
0x91: {  	[spmem:s1] =	stream.indirect.scatter.add.f32 [tilespmem:s11], [sflag:$0x7], $0x80, s29, s19, $0xb8;
	[tilespmem:$0x1BAC0] =	vst v63  }
0x92: {  	_ =	swait.ge [sflag:s22], $0x4000  }
0x93: {  	[sflag:s22] =	ssyncset.done $0x0  }
0x94: {  	[sflag:s22] =	ssyncadd.s32 $0xFFFFC000  }
.Ltmp3:
0x95: {  	(pc) =	sbr.rel .LBB2_2-.Ltmp3, $4  }
0x96: {  	s10 =	sadd.s32 s30, s21  }
0x97: {  	[tilespmem:s28], [sflag:$0x4] =	stream.linear.gather [hbm4b:s10+s3], $0x80, $0x38;
	[tilespmem:$0x1BAC0] =	vst v63  }
0x98: {  	s26 =	sadd.s32 s30, s20;
	s31 =	sadd.s32 $0x800, s31;
	s30 =	sadd.s32 $0x100, s30  }
0x99: {  	[tilespmem:s29], [sflag:$0x6] =	stream.linear.gather [hbm4b:s26+s3], $0x80, $0x38;
	[tilespmem:$0x1BAC0] =	vst v63  }
.LBB2_5:
0x9a: {  	_ =	sfence.sel $0x180000  }
0x9b: {  	[bflag:$0x0] =	sbarrier.arrive $0xFFFF  }
0x9c: {  	_ =	strace $0x90000050  }
0x9d: {  	s0 =	stileid.u32;
	[bflag:$0x2] =	sbarrier.arrive $0xFFFF  }
0x9e: {  	p0 =	sne.s32 s0, $0x0;
	s0 =	rddreg [dreg:$0x2]  }
0x9f: {  	s0 =	sadd.s32 @!p0 $0x100000, s0  }
0xa0: {  	[sflag:s0] =	ssyncadd.tile.s32 @!p0 $0x1;
	_ =	shalt  }
.Lfunc_end2:
_tile_overlayer_lowered:
.L_overlay_start_2:
0xa1: {  	(tag) =	ssettag $0x2  }
0xa2: {  	s0 =	rddreg [dreg:$0x0];
	s2 =	stileid.u32  }
0xa3: {  	s1 =	rddreg [dreg:$0x1];
	p0 =	sne.s32 s2, $0x0  }
0xa4: {  	s3 =	rddreg [dreg:$0x2];
	[bflag:$0x3] =	sbarrier.arrive $0xFFFF;
	s2 =	simm.s32 @!p0 $0x1C07  }
0xa5: {  	[timem:s3], [sflag:s2] =	dma.local @!p0 [hbm:s0], s1  }
0xa6: {  	s0 =	simm.s32 @!p0 $0x7  }
0xa7: {  	_ =	swait.ge @!p0 [sflag:s0], s1  }
0xa8: {  	s1 =	ssub.s32 @!p0 $0x0, s1;
	[sflag:s0] =	ssyncset.done @!p0 $0x0  }
0xa9: {  	[sflag:s0] =	ssyncadd.s32 @!p0 s1  }
0xaa: {  	[bflag:$0x3] =	sbarrier.arrive $0xFFFF  }
0xab: {  	_ =	shalt  }

</sc_bundles>
